<compile_context>
chip_gen: v7x
topology: tpu7x:2x2x1
jax: 0.10.2.dev20260603
libtpu: 0.0.44.dev20260713+nightly
codegen_flags: <defaults>
</compile_context>

<pallas_src>
import jax
import jax.numpy as jnp
from jax import lax
from jax.experimental import pallas as pl
from jax.experimental.pallas import tpu as pltpu
from jax.experimental.pallas import tpu_sc as plsc

N = 10000
E = 320000
D_FEAT = 128
D_TOPO = 64
D_LAT = 128
D_OUT = 128

NC = 2
NS = 16
NW = NC * NS

N_PAD = 10240
STRIPE = N_PAD // NS
WB1 = 128
WINS1 = 80
WB2 = 128
WINS2 = 160
EPT = WB1 * WINS1
E_PAD = NW * EPT
NB1, K1 = 8, 2
NB2, K2 = 5, 2
R_BLK = 1024


def _ring(table, sidx, didx, acc, rbufs, gsems, ssems, wins, nb, k,
          deg_issue=None, deg_drain=None):
    p = nb - k

    def gath(w, b):
        pltpu.async_copy(table.at[sidx.at[w]], rbufs[b], gsems[b])

    def gwait(b):
        pltpu.make_async_copy(table.at[sidx.at[0]], rbufs[b], gsems[b]).wait()

    def scat(w, b):
        pltpu.async_copy(rbufs[b], acc.at[didx.at[w]], ssems[b], add=True)

    def swait(b):
        pltpu.make_async_copy(rbufs[b], acc.at[didx.at[0]], ssems[b]).wait()

    for w in range(p):
        gath(w, w)
    for w in range(k):
        b = w % nb
        gwait(b)
        scat(w, b)
        if deg_issue is not None:
            deg_issue(w)
        gath(w + p, (w + p) % nb)

    def group(g, carry):
        w0 = k + g * nb
        for j in range(nb):
            w = w0 + j
            b = (k + j) % nb
            gwait(b)
            scat(w, b)
            if deg_issue is not None:
                deg_issue(w)
                deg_drain()
            swait(j % nb)
            gath(w + p, j % nb)
        return carry

    lax.fori_loop(0, (wins - nb) // nb, group, 0)
    for t in range(p):
        w = wins - p + t
        b = (k + t) % nb
        gwait(b)
        scat(w, b)
        if deg_issue is not None:
            deg_issue(w)
            deg_drain()
    for b in range(nb):
        swait(b)
    if deg_drain is not None:
        for _ in range(k):
            deg_drain()


def _seg_body_p1(srcg, dstg, topo, z64, zd, outp, degp,
                 sidx, didx, rbufs, obuf, acc, dacc, gsems, ssems, dsem):
    c = lax.axis_index("c")
    s = lax.axis_index("s")
    wid = c * NS + s
    r0 = s * STRIPE
    pltpu.sync_copy(srcg.at[wid], sidx)
    pltpu.sync_copy(dstg.at[wid], didx)
    for i in range(8):
        obuf[pl.ds(i * 16, 16)] = jnp.ones((16,), jnp.float32)
    pltpu.sync_copy(z64.at[pl.ds(r0, STRIPE), :], acc.at[pl.ds(r0, STRIPE), :])
    pltpu.sync_copy(zd.at[pl.ds(r0, STRIPE)], dacc.at[pl.ds(r0, STRIPE)])
    plsc.subcore_barrier()

    def deg_issue(w):
        pltpu.async_copy(obuf, dacc.at[didx.at[w]], dsem, add=True)

    def deg_drain():
        pltpu.make_async_copy(obuf, dacc.at[didx.at[0]], dsem).wait()

    _ring(topo, sidx, didx, acc, rbufs, gsems, ssems, WINS1, NB1, K1,
          deg_issue, deg_drain)
    plsc.subcore_barrier()
    out_r0 = c * N_PAD + r0
    pltpu.sync_copy(acc.at[pl.ds(r0, STRIPE), :], outp.at[pl.ds(out_r0, STRIPE), :])
    pltpu.sync_copy(dacc.at[pl.ds(r0, STRIPE)], degp.at[pl.ds(out_r0, STRIPE)])


def _seg_body_p2(srcg, dstg, table, z64, outp,
                 sidx, didx, rbufs, acc, gsems, ssems):
    c = lax.axis_index("c")
    s = lax.axis_index("s")
    r0 = s * STRIPE
    pltpu.sync_copy(srcg.at[s], sidx)
    pltpu.sync_copy(dstg.at[s], didx)
    pltpu.sync_copy(z64.at[pl.ds(r0, STRIPE), :], acc.at[pl.ds(r0, STRIPE), :])
    plsc.subcore_barrier()
    _ring(table.at[c], sidx, didx, acc, rbufs, gsems, ssems, WINS2, NB2, K2)
    plsc.subcore_barrier()
    out_r0 = c * N_PAD + r0
    pltpu.sync_copy(acc.at[pl.ds(r0, STRIPE), :], outp.at[pl.ds(out_r0, STRIPE), :])


def _unpack_p1(srcg, dstg, topo, z64, zd, outp, degp, sidx, didx,
               rb0, rb1, rb2, rb3, rb4, rb5, rb6, rb7, obuf, acc, dacc,
               g0, g1, g2, g3, g4, g5, g6, g7,
               s0, s1, s2, s3, s4, s5, s6, s7, dsem):
    _seg_body_p1(srcg, dstg, topo, z64, zd, outp, degp, sidx, didx,
                 (rb0, rb1, rb2, rb3, rb4, rb5, rb6, rb7), obuf, acc, dacc,
                 (g0, g1, g2, g3, g4, g5, g6, g7),
                 (s0, s1, s2, s3, s4, s5, s6, s7), dsem)


def _unpack_p2(srcg, dstg, table, z64, outp, sidx, didx,
               rb0, rb1, rb2, rb3, rb4, acc,
               g0, g1, g2, g3, g4, s0, s1, s2, s3, s4):
    _seg_body_p2(srcg, dstg, table, z64, outp, sidx, didx,
                 (rb0, rb1, rb2, rb3, rb4), acc,
                 (g0, g1, g2, g3, g4), (s0, s1, s2, s3, s4))


_MESH = plsc.VectorSubcoreMesh(core_axis_name="c", subcore_axis_name="s")
_SC_PARAMS = pltpu.CompilerParams(use_tc_tiling_on_sc=False)

_seg_p1 = pl.kernel(
    _unpack_p1,
    out_type=(
        jax.ShapeDtypeStruct((NC * N_PAD, D_TOPO), jnp.float32),
        jax.ShapeDtypeStruct((NC * N_PAD,), jnp.float32),
    ),
    mesh=_MESH,
    scratch_types=[
        pltpu.VMEM((WINS1, WB1), jnp.int32),
        pltpu.VMEM((WINS1, WB1), jnp.int32),
    ] + [pltpu.VMEM((WB1, D_TOPO), jnp.float32)] * NB1 + [
        pltpu.VMEM((WB1,), jnp.float32),
        pltpu.VMEM_SHARED((N_PAD, D_TOPO), jnp.float32),
        pltpu.VMEM_SHARED((N_PAD,), jnp.float32),
    ] + [pltpu.SemaphoreType.DMA] * (2 * NB1 + 1),
    compiler_params=_SC_PARAMS,
)

_seg_p2 = pl.kernel(
    _unpack_p2,
    out_type=jax.ShapeDtypeStruct((NC * N_PAD, D_LAT // 2), jnp.float32),
    mesh=_MESH,
    scratch_types=[
        pltpu.VMEM((WINS2, WB2), jnp.int32),
        pltpu.VMEM((WINS2, WB2), jnp.int32),
    ] + [pltpu.VMEM((WB2, D_LAT // 2), jnp.float32)] * NB2 + [
        pltpu.VMEM_SHARED((N_PAD, D_LAT // 2), jnp.float32),
    ] + [pltpu.SemaphoreType.DMA] * (2 * NB2),
    compiler_params=_SC_PARAMS,
)


def _dense_a_body(p_ref, dg_ref, x_ref, wd_ref, wdn_ref, a_ref, h2_ref, inv_ref):
    a = p_ref[0] + p_ref[1]
    draw = dg_ref[0] + dg_ref[1]
    deg = jnp.maximum(draw, 1.0)
    h = jnp.dot(a, wd_ref[...], preferred_element_type=jnp.float32) / deg
    alpha = a_ref[0, 0]
    lat = jnp.where(h > 0, h, alpha * h)
    w1 = wdn_ref[0:D_FEAT, :]
    w2 = wdn_ref[D_FEAT:, :]
    h2 = (jnp.dot(x_ref[...], w1, preferred_element_type=jnp.float32)
          + jnp.dot(lat, w2, preferred_element_type=jnp.float32))
    h2_ref[0] = h2[:, :D_OUT // 2]
    h2_ref[1] = h2[:, D_OUT // 2:]
    inv_ref[...] = jnp.broadcast_to(1.0 / (deg + 1.0), h2.shape)


def _dense_b_body(p_ref, h2_ref, inv_ref, o_ref):
    o_ref[...] = jnp.concatenate(
        [p_ref[0] + h2_ref[0], p_ref[1] + h2_ref[1]], axis=1) * inv_ref[...]


@jax.jit
def _impl(x, topological_features, edge_index, W_dgi, alpha, W_down):
    f32 = jnp.float32
    src = edge_index[0]
    dst = edge_index[1]
    pe = E_PAD - E
    src_p = jnp.concatenate([src, jnp.zeros((pe,), jnp.int32)])
    dst_p = jnp.concatenate(
        [dst, N + (jnp.arange(pe, dtype=jnp.int32) % (N_PAD - N))])
    srcg1 = src_p.reshape(NW, WINS1, WB1)
    dstg1 = dst_p.reshape(NW, WINS1, WB1)
    srcg2 = src_p.reshape(NS, WINS2, WB2)
    dstg2 = dst_p.reshape(NS, WINS2, WB2)

    z64 = jnp.zeros((N_PAD, D_TOPO), f32)
    zd = jnp.zeros((N_PAD,), f32)

    p1, degp = _seg_p1(srcg1, dstg1, topological_features, z64, zd)

    x_pad = jnp.pad(x, ((0, N_PAD - N), (0, 0)))
    nblk = N_PAD // R_BLK
    h2s, invb = pl.pallas_call(
        _dense_a_body,
        grid=(nblk,),
        in_specs=[
            pl.BlockSpec((2, R_BLK, D_TOPO), lambda i: (0, i, 0)),
            pl.BlockSpec((2, R_BLK, 1), lambda i: (0, i, 0)),
            pl.BlockSpec((R_BLK, D_FEAT), lambda i: (i, 0)),
            pl.BlockSpec((D_TOPO, D_LAT), lambda i: (0, 0)),
            pl.BlockSpec((D_FEAT + D_LAT, D_OUT), lambda i: (0, 0)),
            pl.BlockSpec((1, 1), lambda i: (0, 0)),
        ],
        out_specs=[
            pl.BlockSpec((2, R_BLK, D_OUT // 2), lambda i: (0, i, 0)),
            pl.BlockSpec((R_BLK, D_OUT), lambda i: (i, 0)),
        ],
        out_shape=[
            jax.ShapeDtypeStruct((2, N_PAD, D_OUT // 2), f32),
            jax.ShapeDtypeStruct((N_PAD, D_OUT), f32),
        ],
    )(p1.reshape(NC, N_PAD, D_TOPO), degp.reshape(NC, N_PAD, 1), x_pad,
      W_dgi, W_down, alpha.reshape(1, 1))

    p2 = _seg_p2(srcg2, dstg2, h2s, z64)

    out = pl.pallas_call(
        _dense_b_body,
        grid=(nblk,),
        in_specs=[
            pl.BlockSpec((2, R_BLK, D_OUT // 2), lambda i: (0, i, 0)),
            pl.BlockSpec((2, R_BLK, D_OUT // 2), lambda i: (0, i, 0)),
            pl.BlockSpec((R_BLK, D_OUT), lambda i: (i, 0)),
        ],
        out_specs=pl.BlockSpec((R_BLK, D_OUT), lambda i: (i, 0)),
        out_shape=jax.ShapeDtypeStruct((N_PAD, D_OUT), f32),
    )(p2.reshape(NC, N_PAD, D_OUT // 2), h2s, invb)

    return out[:N]


def kernel(x, topological_features, edge_index, batch_size, W_dgi, alpha, W_down):
    del batch_size
    return _impl(x, topological_features, edge_index, W_dgi, alpha, W_down)

# --- scband reference (transcript-rebuilt; emitter-appended) ---
"""Pipeline reference for scband-dgiplus-gnn-38044820308427 (READ-ONLY COPY).

The authoritative reference and input builder live on the scoring server;
editing this copy changes nothing except your own understanding.
"""

import jax, jax.numpy as jnp
import numpy as np

N = 10000
E = 320000
D_FEAT = 128
D_TOPO = 64
D_LAT = 128
D_OUT = 128


def setup_inputs(seed: int = 0) -> dict:
    key = jax.random.key(seed)
    ks = jax.random.split(key, 6)
    x = jax.random.normal(ks[0], (N, D_FEAT), dtype=jnp.float32)
    topological_features = jax.random.normal(ks[1], (N, D_TOPO), dtype=jnp.float32)
    edge_index = jax.random.randint(ks[2], (2, E), 0, N, dtype=jnp.int32)
    W_dgi = jax.random.normal(ks[3], (D_TOPO, D_LAT), dtype=jnp.float32) * 0.05
    alpha = jnp.array(0.25, dtype=jnp.float32)  # PReLU slope of DGI encoder
    W_down = jax.random.normal(ks[4], (D_FEAT + D_LAT, D_OUT), dtype=jnp.float32) * 0.05
    batch_size = N
    return {"x": x, "topological_features": topological_features, "edge_index": edge_index,
            "batch_size": batch_size, "W_dgi": W_dgi, "alpha": alpha, "W_down": W_down}


def reference(x, topological_features, edge_index, batch_size, W_dgi, alpha, W_down):
    src = edge_index[0]
    dst = edge_index[1]
    ones = jnp.ones((src.shape[0],), dtype=jnp.float32)
    deg = jax.ops.segment_sum(ones, dst, num_segments=N)
    deg = jnp.maximum(deg, 1.0)

    # DGI encoder (framework=True path, layer=0): one GCN-mean layer + PReLU.
    h = topological_features @ W_dgi
    agg = jax.ops.segment_sum(jnp.take(h, src, axis=0), dst, num_segments=N)
    h = agg / deg[:, None]
    lat = jnp.where(h > 0, h, alpha * h)  # topological_latent_representation[0]

    # x = torch.cat([x, lat], dim=1)
    xc = jnp.concatenate([x, lat], axis=1)

    # downstream GNN: GCN-mean layer with self loop on concatenated features.
    h2 = xc @ W_down
    agg2 = jax.ops.segment_sum(jnp.take(h2, src, axis=0), dst, num_segments=N)
    out = (agg2 + h2) / (deg[:, None] + 1.0)
    return out

if __name__ == "__main__":
    import jax
    _d = setup_inputs()
    print(jax.jit(kernel)(*tuple(_d.values())))

</pallas_src>

<mosaic_0001>
#map = affine_map<(d0, d1) -> (0, 0, 0)>
#map1 = affine_map<(d0, d1) -> (0, 0)>
module attributes {stable_mosaic.version = 14 : i64} {
  func.func @_unpack_p2(%arg0: i32, %arg1: i32, %arg2: memref<16x160x128xi32, #tpu.memory_space<hbm>>, %arg3: memref<16x160x128xi32, #tpu.memory_space<hbm>>, %arg4: memref<2x10240x64xf32, #tpu.memory_space<hbm>>, %arg5: memref<10240x64xf32, #tpu.memory_space<hbm>>, %arg6: memref<20480x64xf32, #tpu.memory_space<hbm>>, %arg7: memref<160x128xi32, #tpu.memory_space<vmem>>, %arg8: memref<160x128xi32, #tpu.memory_space<vmem>>, %arg9: memref<128x64xf32, #tpu.memory_space<vmem>>, %arg10: memref<128x64xf32, #tpu.memory_space<vmem>>, %arg11: memref<128x64xf32, #tpu.memory_space<vmem>>, %arg12: memref<128x64xf32, #tpu.memory_space<vmem>>, %arg13: memref<128x64xf32, #tpu.memory_space<vmem>>, %arg14: memref<10240x64xf32, #tpu.memory_space<vmem_shared>>, %arg15: memref<!tpu.dma_semaphore, #tpu.memory_space<semaphore_mem>>, %arg16: memref<!tpu.dma_semaphore, #tpu.memory_space<semaphore_mem>>, %arg17: memref<!tpu.dma_semaphore, #tpu.memory_space<semaphore_mem>>, %arg18: memref<!tpu.dma_semaphore, #tpu.memory_space<semaphore_mem>>, %arg19: memref<!tpu.dma_semaphore, #tpu.memory_space<semaphore_mem>>, %arg20: memref<!tpu.dma_semaphore, #tpu.memory_space<semaphore_mem>>, %arg21: memref<!tpu.dma_semaphore, #tpu.memory_space<semaphore_mem>>, %arg22: memref<!tpu.dma_semaphore, #tpu.memory_space<semaphore_mem>>, %arg23: memref<!tpu.dma_semaphore, #tpu.memory_space<semaphore_mem>>, %arg24: memref<!tpu.dma_semaphore, #tpu.memory_space<semaphore_mem>>) attributes {dimension_semantics = [#tpu.dimension_semantics<core_parallel>, #tpu.dimension_semantics<subcore_parallel>], iteration_bounds = array<i64: 2, 16>, scalar_prefetch = 0 : i64, scratch_operands = 18 : i64, tpu.core_type = #tpu.core_type<sc_vector_subcore>, window_params = [{transform_indices = #map}, {transform_indices = #map}, {transform_indices = #map}, {transform_indices = #map1}, {transform_indices = #map1}]} {
    %mul3A = arith.constant 640 : i32
    %mul3A_0 = arith.muli %arg1, %mul3A : i32
    "tpu.region"() ({
      %run_scoped3A = tpu.sem_alloc : memref<!tpu.dma_semaphore, #tpu.memory_space<semaphore_mem>>
      %dma_start3A_187 = arith.constant 0 : i32
      %dma_start3A_188 = arith.constant 0 : i32
      %dma_start3A_189 = tpu.memref_slice %arg2[%arg1, %dma_start3A_187, %dma_start3A_188] : memref<16x160x128xi32, #tpu.memory_space<hbm>> -> memref<1x160x128xi32, #tpu.memory_space<hbm>>
      %dma_start3A_190 = tpu.memref_squeeze %dma_start3A_189 : memref<1x160x128xi32, #tpu.memory_space<hbm>> -> memref<160x128xi32, #tpu.memory_space<hbm>>
      %dma_start3A_191 = arith.constant 0 : i32
      %dma_start3A_192 = arith.constant 0 : i32
      %dma_start3A_193 = tpu.memref_slice %arg2[%arg1, %dma_start3A_191, %dma_start3A_192] : memref<16x160x128xi32, #tpu.memory_space<hbm>> -> memref<1x160x128xi32, #tpu.memory_space<hbm>>
      %dma_start3A_194 = tpu.memref_squeeze %dma_start3A_193 : memref<1x160x128xi32, #tpu.memory_space<hbm>> -> memref<160x128xi32, #tpu.memory_space<hbm>>
      tpu.enqueue_dma source(%dma_start3A_194 : memref<160x128xi32, #tpu.memory_space<hbm>>) target(%arg7 : memref<160x128xi32, #tpu.memory_space<vmem>>) target_semaphore(%run_scoped3A : memref<!tpu.dma_semaphore, #tpu.memory_space<semaphore_mem>>)
      %dma_wait3A_195 = arith.constant 0 : i32
      %dma_wait3A_196 = arith.constant 0 : i32
      %dma_wait3A_197 = tpu.memref_slice %arg2[%arg1, %dma_wait3A_195, %dma_wait3A_196] : memref<16x160x128xi32, #tpu.memory_space<hbm>> -> memref<1x160x128xi32, #tpu.memory_space<hbm>>
      %dma_wait3A_198 = tpu.memref_squeeze %dma_wait3A_197 : memref<1x160x128xi32, #tpu.memory_space<hbm>> -> memref<160x128xi32, #tpu.memory_space<hbm>>
      %dma_wait3A_199 = arith.constant 0 : i32
      %dma_wait3A_200 = arith.constant 0 : i32
      %dma_wait3A_201 = tpu.memref_slice %arg2[%arg1, %dma_wait3A_199, %dma_wait3A_200] : memref<16x160x128xi32, #tpu.memory_space<hbm>> -> memref<1x160x128xi32, #tpu.memory_space<hbm>>
      %dma_wait3A_202 = tpu.memref_squeeze %dma_wait3A_201 : memref<1x160x128xi32, #tpu.memory_space<hbm>> -> memref<160x128xi32, #tpu.memory_space<hbm>>
      tpu.wait_dma2 semaphore(%run_scoped3A : memref<!tpu.dma_semaphore, #tpu.memory_space<semaphore_mem>>) src(%dma_wait3A_202 : memref<160x128xi32, #tpu.memory_space<hbm>>) dst(%arg7 : memref<160x128xi32, #tpu.memory_space<vmem>>)
      tpu.yield
    }) : () -> ()
    "tpu.region"() ({
      %run_scoped3A = tpu.sem_alloc : memref<!tpu.dma_semaphore, #tpu.memory_space<semaphore_mem>>
      %dma_start3A_187 = arith.constant 0 : i32
      %dma_start3A_188 = arith.constant 0 : i32
      %dma_start3A_189 = tpu.memref_slice %arg3[%arg1, %dma_start3A_187, %dma_start3A_188] : memref<16x160x128xi32, #tpu.memory_space<hbm>> -> memref<1x160x128xi32, #tpu.memory_space<hbm>>
      %dma_start3A_190 = tpu.memref_squeeze %dma_start3A_189 : memref<1x160x128xi32, #tpu.memory_space<hbm>> -> memref<160x128xi32, #tpu.memory_space<hbm>>
      %dma_start3A_191 = arith.constant 0 : i32
      %dma_start3A_192 = arith.constant 0 : i32
      %dma_start3A_193 = tpu.memref_slice %arg3[%arg1, %dma_start3A_191, %dma_start3A_192] : memref<16x160x128xi32, #tpu.memory_space<hbm>> -> memref<1x160x128xi32, #tpu.memory_space<hbm>>
      %dma_start3A_194 = tpu.memref_squeeze %dma_start3A_193 : memref<1x160x128xi32, #tpu.memory_space<hbm>> -> memref<160x128xi32, #tpu.memory_space<hbm>>
      tpu.enqueue_dma source(%dma_start3A_194 : memref<160x128xi32, #tpu.memory_space<hbm>>) target(%arg8 : memref<160x128xi32, #tpu.memory_space<vmem>>) target_semaphore(%run_scoped3A : memref<!tpu.dma_semaphore, #tpu.memory_space<semaphore_mem>>)
      %dma_wait3A_195 = arith.constant 0 : i32
      %dma_wait3A_196 = arith.constant 0 : i32
      %dma_wait3A_197 = tpu.memref_slice %arg3[%arg1, %dma_wait3A_195, %dma_wait3A_196] : memref<16x160x128xi32, #tpu.memory_space<hbm>> -> memref<1x160x128xi32, #tpu.memory_space<hbm>>
      %dma_wait3A_198 = tpu.memref_squeeze %dma_wait3A_197 : memref<1x160x128xi32, #tpu.memory_space<hbm>> -> memref<160x128xi32, #tpu.memory_space<hbm>>
      %dma_wait3A_199 = arith.constant 0 : i32
      %dma_wait3A_200 = arith.constant 0 : i32
      %dma_wait3A_201 = tpu.memref_slice %arg3[%arg1, %dma_wait3A_199, %dma_wait3A_200] : memref<16x160x128xi32, #tpu.memory_space<hbm>> -> memref<1x160x128xi32, #tpu.memory_space<hbm>>
      %dma_wait3A_202 = tpu.memref_squeeze %dma_wait3A_201 : memref<1x160x128xi32, #tpu.memory_space<hbm>> -> memref<160x128xi32, #tpu.memory_space<hbm>>
      tpu.wait_dma2 semaphore(%run_scoped3A : memref<!tpu.dma_semaphore, #tpu.memory_space<semaphore_mem>>) src(%dma_wait3A_202 : memref<160x128xi32, #tpu.memory_space<hbm>>) dst(%arg8 : memref<160x128xi32, #tpu.memory_space<vmem>>)
      tpu.yield
    }) : () -> ()
    "tpu.region"() ({
      %run_scoped3A = tpu.sem_alloc : memref<!tpu.dma_semaphore, #tpu.memory_space<semaphore_mem>>
      %dma_start3A_187 = arith.constant 0 : i32
      %dma_start3A_188 = tpu.memref_slice %arg14[%mul3A_0, %dma_start3A_187] : memref<10240x64xf32, #tpu.memory_space<vmem_shared>> -> memref<640x64xf32, #tpu.memory_space<vmem_shared>>
      %dma_start3A_189 = arith.constant 0 : i32
      %dma_start3A_190 = tpu.memref_slice %arg5[%mul3A_0, %dma_start3A_189] : memref<10240x64xf32, #tpu.memory_space<hbm>> -> memref<640x64xf32, #tpu.memory_space<hbm>>
      tpu.enqueue_dma source(%dma_start3A_190 : memref<640x64xf32, #tpu.memory_space<hbm>>) target(%dma_start3A_188 : memref<640x64xf32, #tpu.memory_space<vmem_shared>>) target_semaphore(%run_scoped3A : memref<!tpu.dma_semaphore, #tpu.memory_space<semaphore_mem>>)
      %dma_wait3A_191 = arith.constant 0 : i32
      %dma_wait3A_192 = tpu.memref_slice %arg14[%mul3A_0, %dma_wait3A_191] : memref<10240x64xf32, #tpu.memory_space<vmem_shared>> -> memref<640x64xf32, #tpu.memory_space<vmem_shared>>
      %dma_wait3A_193 = arith.constant 0 : i32
      %dma_wait3A_194 = tpu.memref_slice %arg5[%mul3A_0, %dma_wait3A_193] : memref<10240x64xf32, #tpu.memory_space<hbm>> -> memref<640x64xf32, #tpu.memory_space<hbm>>
      tpu.wait_dma2 semaphore(%run_scoped3A : memref<!tpu.dma_semaphore, #tpu.memory_space<semaphore_mem>>) src(%dma_wait3A_194 : memref<640x64xf32, #tpu.memory_space<hbm>>) dst(%dma_wait3A_192 : memref<640x64xf32, #tpu.memory_space<vmem_shared>>)
      tpu.yield
    }) : () -> ()
    %barrier3A = arith.constant 0 : index
    tpu.barrier barrier_id(%barrier3A)
    %dma_start3A = arith.constant 0 : i32
    %dma_start3A_1 = arith.constant 0 : i32
    %dma_start3A_2 = tpu.memref_slice %arg7[%dma_start3A, %dma_start3A_1] : memref<160x128xi32, #tpu.memory_space<vmem>> -> memref<1x128xi32, #tpu.memory_space<vmem>>
    %dma_start3A_3 = tpu.memref_squeeze %dma_start3A_2 : memref<1x128xi32, #tpu.memory_space<vmem>> -> memref<128xi32, #tpu.memory_space<vmem>>
    %dma_start3A_4 = arith.constant 0 : i32
    %dma_start3A_5 = arith.constant 0 : i32
    %dma_start3A_6 = tpu.memref_slice %arg4[%arg0, %dma_start3A_4, %dma_start3A_5] : memref<2x10240x64xf32, #tpu.memory_space<hbm>> -> memref<1x10240x64xf32, #tpu.memory_space<hbm>>
    %dma_start3A_7 = tpu.memref_squeeze %dma_start3A_6 : memref<1x10240x64xf32, #tpu.memory_space<hbm>> -> memref<10240x64xf32, #tpu.memory_space<hbm>>
    %dma_start3A_8 = arith.constant 0 : i32
    %dma_start3A_9 = arith.constant 0 : i32
    %dma_start3A_10 = tpu.memref_slice %dma_start3A_7[%dma_start3A_8, %dma_start3A_9] : memref<10240x64xf32, #tpu.memory_space<hbm>> -> memref<10240x64xf32, #tpu.memory_space<hbm>>
    tpu.enqueue_indirect_dma source(%dma_start3A_10 : memref<10240x64xf32, #tpu.memory_space<hbm>>) target(%arg9 : memref<128x64xf32, #tpu.memory_space<vmem>>) offsets(%dma_start3A_3 : memref<128xi32, #tpu.memory_space<vmem>>) semaphore(%arg15 : memref<!tpu.dma_semaphore, #tpu.memory_space<semaphore_mem>>)
    %dma_start3A_11 = arith.constant 1 : i32
    %dma_start3A_12 = arith.constant 0 : i32
    %dma_start3A_13 = tpu.memref_slice %arg7[%dma_start3A_11, %dma_start3A_12] : memref<160x128xi32, #tpu.memory_space<vmem>> -> memref<1x128xi32, #tpu.memory_space<vmem>>
    %dma_start3A_14 = tpu.memref_squeeze %dma_start3A_13 : memref<1x128xi32, #tpu.memory_space<vmem>> -> memref<128xi32, #tpu.memory_space<vmem>>
    %dma_start3A_15 = arith.constant 0 : i32
    %dma_start3A_16 = arith.constant 0 : i32
    %dma_start3A_17 = tpu.memref_slice %arg4[%arg0, %dma_start3A_15, %dma_start3A_16] : memref<2x10240x64xf32, #tpu.memory_space<hbm>> -> memref<1x10240x64xf32, #tpu.memory_space<hbm>>
    %dma_start3A_18 = tpu.memref_squeeze %dma_start3A_17 : memref<1x10240x64xf32, #tpu.memory_space<hbm>> -> memref<10240x64xf32, #tpu.memory_space<hbm>>
    %dma_start3A_19 = arith.constant 0 : i32
    %dma_start3A_20 = arith.constant 0 : i32
    %dma_start3A_21 = tpu.memref_slice %dma_start3A_18[%dma_start3A_19, %dma_start3A_20] : memref<10240x64xf32, #tpu.memory_space<hbm>> -> memref<10240x64xf32, #tpu.memory_space<hbm>>
    tpu.enqueue_indirect_dma source(%dma_start3A_21 : memref<10240x64xf32, #tpu.memory_space<hbm>>) target(%arg10 : memref<128x64xf32, #tpu.memory_space<vmem>>) offsets(%dma_start3A_14 : memref<128xi32, #tpu.memory_space<vmem>>) semaphore(%arg16 : memref<!tpu.dma_semaphore, #tpu.memory_space<semaphore_mem>>)
    %dma_start3A_22 = arith.constant 2 : i32
    %dma_start3A_23 = arith.constant 0 : i32
    %dma_start3A_24 = tpu.memref_slice %arg7[%dma_start3A_22, %dma_start3A_23] : memref<160x128xi32, #tpu.memory_space<vmem>> -> memref<1x128xi32, #tpu.memory_space<vmem>>
    %dma_start3A_25 = tpu.memref_squeeze %dma_start3A_24 : memref<1x128xi32, #tpu.memory_space<vmem>> -> memref<128xi32, #tpu.memory_space<vmem>>
    %dma_start3A_26 = arith.constant 0 : i32
    %dma_start3A_27 = arith.constant 0 : i32
    %dma_start3A_28 = tpu.memref_slice %arg4[%arg0, %dma_start3A_26, %dma_start3A_27] : memref<2x10240x64xf32, #tpu.memory_space<hbm>> -> memref<1x10240x64xf32, #tpu.memory_space<hbm>>
    %dma_start3A_29 = tpu.memref_squeeze %dma_start3A_28 : memref<1x10240x64xf32, #tpu.memory_space<hbm>> -> memref<10240x64xf32, #tpu.memory_space<hbm>>
    %dma_start3A_30 = arith.constant 0 : i32
    %dma_start3A_31 = arith.constant 0 : i32
    %dma_start3A_32 = tpu.memref_slice %dma_start3A_29[%dma_start3A_30, %dma_start3A_31] : memref<10240x64xf32, #tpu.memory_space<hbm>> -> memref<10240x64xf32, #tpu.memory_space<hbm>>
    tpu.enqueue_indirect_dma source(%dma_start3A_32 : memref<10240x64xf32, #tpu.memory_space<hbm>>) target(%arg11 : memref<128x64xf32, #tpu.memory_space<vmem>>) offsets(%dma_start3A_25 : memref<128xi32, #tpu.memory_space<vmem>>) semaphore(%arg17 : memref<!tpu.dma_semaphore, #tpu.memory_space<semaphore_mem>>)
    %dma_wait3A = arith.constant 0 : i32
    %dma_wait3A_33 = arith.constant 0 : i32
    %dma_wait3A_34 = tpu.memref_slice %arg7[%dma_wait3A, %dma_wait3A_33] : memref<160x128xi32, #tpu.memory_space<vmem>> -> memref<1x128xi32, #tpu.memory_space<vmem>>
    %dma_wait3A_35 = tpu.memref_squeeze %dma_wait3A_34 : memref<1x128xi32, #tpu.memory_space<vmem>> -> memref<128xi32, #tpu.memory_space<vmem>>
    %dma_wait3A_36 = arith.constant 0 : i32
    %dma_wait3A_37 = arith.constant 0 : i32
    %dma_wait3A_38 = tpu.memref_slice %arg4[%arg0, %dma_wait3A_36, %dma_wait3A_37] : memref<2x10240x64xf32, #tpu.memory_space<hbm>> -> memref<1x10240x64xf32, #tpu.memory_space<hbm>>
    %dma_wait3A_39 = tpu.memref_squeeze %dma_wait3A_38 : memref<1x10240x64xf32, #tpu.memory_space<hbm>> -> memref<10240x64xf32, #tpu.memory_space<hbm>>
    %dma_wait3A_40 = arith.constant 0 : i32
    %dma_wait3A_41 = arith.constant 0 : i32
    %dma_wait3A_42 = tpu.memref_slice %dma_wait3A_39[%dma_wait3A_40, %dma_wait3A_41] : memref<10240x64xf32, #tpu.memory_space<hbm>> -> memref<10240x64xf32, #tpu.memory_space<hbm>>
    tpu.wait_indirect_dma semaphore(%arg15 : memref<!tpu.dma_semaphore, #tpu.memory_space<semaphore_mem>>) src(%dma_wait3A_42 : memref<10240x64xf32, #tpu.memory_space<hbm>>) dst(%arg9 : memref<128x64xf32, #tpu.memory_space<vmem>>)
    %dma_start3A_43 = arith.constant 0 : i32
    %dma_start3A_44 = arith.constant 0 : i32
    %dma_start3A_45 = tpu.memref_slice %arg8[%dma_start3A_43, %dma_start3A_44] : memref<160x128xi32, #tpu.memory_space<vmem>> -> memref<1x128xi32, #tpu.memory_space<vmem>>
    %dma_start3A_46 = tpu.memref_squeeze %dma_start3A_45 : memref<1x128xi32, #tpu.memory_space<vmem>> -> memref<128xi32, #tpu.memory_space<vmem>>
    %dma_start3A_47 = arith.constant 0 : i32
    %dma_start3A_48 = arith.constant 0 : i32
    %dma_start3A_49 = tpu.memref_slice %arg14[%dma_start3A_47, %dma_start3A_48] : memref<10240x64xf32, #tpu.memory_space<vmem_shared>> -> memref<10240x64xf32, #tpu.memory_space<vmem_shared>>
    tpu.enqueue_indirect_dma source(%arg9 : memref<128x64xf32, #tpu.memory_space<vmem>>) target(%dma_start3A_49 : memref<10240x64xf32, #tpu.memory_space<vmem_shared>>) offsets(%dma_start3A_46 : memref<128xi32, #tpu.memory_space<vmem>>) semaphore(%arg20 : memref<!tpu.dma_semaphore, #tpu.memory_space<semaphore_mem>>) {add = true}
    %dma_start3A_50 = arith.constant 3 : i32
    %dma_start3A_51 = arith.constant 0 : i32
    %dma_start3A_52 = tpu.memref_slice %arg7[%dma_start3A_50, %dma_start3A_51] : memref<160x128xi32, #tpu.memory_space<vmem>> -> memref<1x128xi32, #tpu.memory_space<vmem>>
    %dma_start3A_53 = tpu.memref_squeeze %dma_start3A_52 : memref<1x128xi32, #tpu.memory_space<vmem>> -> memref<128xi32, #tpu.memory_space<vmem>>
    %dma_start3A_54 = arith.constant 0 : i32
    %dma_start3A_55 = arith.constant 0 : i32
    %dma_start3A_56 = tpu.memref_slice %arg4[%arg0, %dma_start3A_54, %dma_start3A_55] : memref<2x10240x64xf32, #tpu.memory_space<hbm>> -> memref<1x10240x64xf32, #tpu.memory_space<hbm>>
    %dma_start3A_57 = tpu.memref_squeeze %dma_start3A_56 : memref<1x10240x64xf32, #tpu.memory_space<hbm>> -> memref<10240x64xf32, #tpu.memory_space<hbm>>
    %dma_start3A_58 = arith.constant 0 : i32
    %dma_start3A_59 = arith.constant 0 : i32
    %dma_start3A_60 = tpu.memref_slice %dma_start3A_57[%dma_start3A_58, %dma_start3A_59] : memref<10240x64xf32, #tpu.memory_space<hbm>> -> memref<10240x64xf32, #tpu.memory_space<hbm>>
    tpu.enqueue_indirect_dma source(%dma_start3A_60 : memref<10240x64xf32, #tpu.memory_space<hbm>>) target(%arg12 : memref<128x64xf32, #tpu.memory_space<vmem>>) offsets(%dma_start3A_53 : memref<128xi32, #tpu.memory_space<vmem>>) semaphore(%arg18 : memref<!tpu.dma_semaphore, #tpu.memory_space<semaphore_mem>>)
    %dma_wait3A_61 = arith.constant 0 : i32
    %dma_wait3A_62 = arith.constant 0 : i32
    %dma_wait3A_63 = tpu.memref_slice %arg7[%dma_wait3A_61, %dma_wait3A_62] : memref<160x128xi32, #tpu.memory_space<vmem>> -> memref<1x128xi32, #tpu.memory_space<vmem>>
    %dma_wait3A_64 = tpu.memref_squeeze %dma_wait3A_63 : memref<1x128xi32, #tpu.memory_space<vmem>> -> memref<128xi32, #tpu.memory_space<vmem>>
    %dma_wait3A_65 = arith.constant 0 : i32
    %dma_wait3A_66 = arith.constant 0 : i32
    %dma_wait3A_67 = tpu.memref_slice %arg4[%arg0, %dma_wait3A_65, %dma_wait3A_66] : memref<2x10240x64xf32, #tpu.memory_space<hbm>> -> memref<1x10240x64xf32, #tpu.memory_space<hbm>>
    %dma_wait3A_68 = tpu.memref_squeeze %dma_wait3A_67 : memref<1x10240x64xf32, #tpu.memory_space<hbm>> -> memref<10240x64xf32, #tpu.memory_space<hbm>>
    %dma_wait3A_69 = arith.constant 0 : i32
    %dma_wait3A_70 = arith.constant 0 : i32
    %dma_wait3A_71 = tpu.memref_slice %dma_wait3A_68[%dma_wait3A_69, %dma_wait3A_70] : memref<10240x64xf32, #tpu.memory_space<hbm>> -> memref<10240x64xf32, #tpu.memory_space<hbm>>
    tpu.wait_indirect_dma semaphore(%arg16 : memref<!tpu.dma_semaphore, #tpu.memory_space<semaphore_mem>>) src(%dma_wait3A_71 : memref<10240x64xf32, #tpu.memory_space<hbm>>) dst(%arg10 : memref<128x64xf32, #tpu.memory_space<vmem>>)
    %dma_start3A_72 = arith.constant 1 : i32
    %dma_start3A_73 = arith.constant 0 : i32
    %dma_start3A_74 = tpu.memref_slice %arg8[%dma_start3A_72, %dma_start3A_73] : memref<160x128xi32, #tpu.memory_space<vmem>> -> memref<1x128xi32, #tpu.memory_space<vmem>>
    %dma_start3A_75 = tpu.memref_squeeze %dma_start3A_74 : memref<1x128xi32, #tpu.memory_space<vmem>> -> memref<128xi32, #tpu.memory_space<vmem>>
    %dma_start3A_76 = arith.constant 0 : i32
    %dma_start3A_77 = arith.constant 0 : i32
    %dma_start3A_78 = tpu.memref_slice %arg14[%dma_start3A_76, %dma_start3A_77] : memref<10240x64xf32, #tpu.memory_space<vmem_shared>> -> memref<10240x64xf32, #tpu.memory_space<vmem_shared>>
    tpu.enqueue_indirect_dma source(%arg10 : memref<128x64xf32, #tpu.memory_space<vmem>>) target(%dma_start3A_78 : memref<10240x64xf32, #tpu.memory_space<vmem_shared>>) offsets(%dma_start3A_75 : memref<128xi32, #tpu.memory_space<vmem>>) semaphore(%arg21 : memref<!tpu.dma_semaphore, #tpu.memory_space<semaphore_mem>>) {add = true}
    %dma_start3A_79 = arith.constant 4 : i32
    %dma_start3A_80 = arith.constant 0 : i32
    %dma_start3A_81 = tpu.memref_slice %arg7[%dma_start3A_79, %dma_start3A_80] : memref<160x128xi32, #tpu.memory_space<vmem>> -> memref<1x128xi32, #tpu.memory_space<vmem>>
    %dma_start3A_82 = tpu.memref_squeeze %dma_start3A_81 : memref<1x128xi32, #tpu.memory_space<vmem>> -> memref<128xi32, #tpu.memory_space<vmem>>
    %dma_start3A_83 = arith.constant 0 : i32
    %dma_start3A_84 = arith.constant 0 : i32
    %dma_start3A_85 = tpu.memref_slice %arg4[%arg0, %dma_start3A_83, %dma_start3A_84] : memref<2x10240x64xf32, #tpu.memory_space<hbm>> -> memref<1x10240x64xf32, #tpu.memory_space<hbm>>
    %dma_start3A_86 = tpu.memref_squeeze %dma_start3A_85 : memref<1x10240x64xf32, #tpu.memory_space<hbm>> -> memref<10240x64xf32, #tpu.memory_space<hbm>>
    %dma_start3A_87 = arith.constant 0 : i32
    %dma_start3A_88 = arith.constant 0 : i32
    %dma_start3A_89 = tpu.memref_slice %dma_start3A_86[%dma_start3A_87, %dma_start3A_88] : memref<10240x64xf32, #tpu.memory_space<hbm>> -> memref<10240x64xf32, #tpu.memory_space<hbm>>
    tpu.enqueue_indirect_dma source(%dma_start3A_89 : memref<10240x64xf32, #tpu.memory_space<hbm>>) target(%arg13 : memref<128x64xf32, #tpu.memory_space<vmem>>) offsets(%dma_start3A_82 : memref<128xi32, #tpu.memory_space<vmem>>) semaphore(%arg19 : memref<!tpu.dma_semaphore, #tpu.memory_space<semaphore_mem>>)
    %scan3A = arith.constant 0 : i32
    %scan3A_90 = arith.constant 0 : i32
    %scan3A_91 = arith.constant 31 : i32
    %scan3A_92 = arith.addi %scan3A_90, %scan3A_91 : i32
    %scan3A_93 = arith.constant 1 : i32
    scf.for %scan3A_187 = %scan3A_90 to %scan3A_92 step %scan3A_93  : i32 {
      %mul3A_188 = arith.constant 5 : i32
      %mul3A_189 = arith.muli %scan3A_187, %mul3A_188 : i32
      %add3A_190 = arith.constant 2 : i32
      %add3A_191 = arith.addi %add3A_190, %mul3A_189 : i32
      %add3A_192 = arith.constant 0 : i32
      %add3A_193 = arith.addi %add3A_191, %add3A_192 : i32
      %dma_wait3A_194 = arith.constant 0 : i32
      %dma_wait3A_195 = arith.constant 0 : i32
      %dma_wait3A_196 = tpu.memref_slice %arg7[%dma_wait3A_194, %dma_wait3A_195] : memref<160x128xi32, #tpu.memory_space<vmem>> -> memref<1x128xi32, #tpu.memory_space<vmem>>
      %dma_wait3A_197 = tpu.memref_squeeze %dma_wait3A_196 : memref<1x128xi32, #tpu.memory_space<vmem>> -> memref<128xi32, #tpu.memory_space<vmem>>
      %dma_wait3A_198 = arith.constant 0 : i32
      %dma_wait3A_199 = arith.constant 0 : i32
      %dma_wait3A_200 = tpu.memref_slice %arg4[%arg0, %dma_wait3A_198, %dma_wait3A_199] : memref<2x10240x64xf32, #tpu.memory_space<hbm>> -> memref<1x10240x64xf32, #tpu.memory_space<hbm>>
      %dma_wait3A_201 = tpu.memref_squeeze %dma_wait3A_200 : memref<1x10240x64xf32, #tpu.memory_space<hbm>> -> memref<10240x64xf32, #tpu.memory_space<hbm>>
      %dma_wait3A_202 = arith.constant 0 : i32
      %dma_wait3A_203 = arith.constant 0 : i32
      %dma_wait3A_204 = tpu.memref_slice %dma_wait3A_201[%dma_wait3A_202, %dma_wait3A_203] : memref<10240x64xf32, #tpu.memory_space<hbm>> -> memref<10240x64xf32, #tpu.memory_space<hbm>>
      tpu.wait_indirect_dma semaphore(%arg17 : memref<!tpu.dma_semaphore, #tpu.memory_space<semaphore_mem>>) src(%dma_wait3A_204 : memref<10240x64xf32, #tpu.memory_space<hbm>>) dst(%arg11 : memref<128x64xf32, #tpu.memory_space<vmem>>)
      %dma_start3A_205 = arith.constant 0 : i32
      %dma_start3A_206 = tpu.memref_slice %arg8[%add3A_193, %dma_start3A_205] : memref<160x128xi32, #tpu.memory_space<vmem>> -> memref<1x128xi32, #tpu.memory_space<vmem>>
      %dma_start3A_207 = tpu.memref_squeeze %dma_start3A_206 : memref<1x128xi32, #tpu.memory_space<vmem>> -> memref<128xi32, #tpu.memory_space<vmem>>
      %dma_start3A_208 = arith.constant 0 : i32
      %dma_start3A_209 = arith.constant 0 : i32
      %dma_start3A_210 = tpu.memref_slice %arg14[%dma_start3A_208, %dma_start3A_209] : memref<10240x64xf32, #tpu.memory_space<vmem_shared>> -> memref<10240x64xf32, #tpu.memory_space<vmem_shared>>
      tpu.enqueue_indirect_dma source(%arg11 : memref<128x64xf32, #tpu.memory_space<vmem>>) target(%dma_start3A_210 : memref<10240x64xf32, #tpu.memory_space<vmem_shared>>) offsets(%dma_start3A_207 : memref<128xi32, #tpu.memory_space<vmem>>) semaphore(%arg22 : memref<!tpu.dma_semaphore, #tpu.memory_space<semaphore_mem>>) {add = true}
      %dma_wait3A_211 = arith.constant 0 : i32
      %dma_wait3A_212 = arith.constant 0 : i32
      %dma_wait3A_213 = tpu.memref_slice %arg8[%dma_wait3A_211, %dma_wait3A_212] : memref<160x128xi32, #tpu.memory_space<vmem>> -> memref<1x128xi32, #tpu.memory_space<vmem>>
      %dma_wait3A_214 = tpu.memref_squeeze %dma_wait3A_213 : memref<1x128xi32, #tpu.memory_space<vmem>> -> memref<128xi32, #tpu.memory_space<vmem>>
      %dma_wait3A_215 = arith.constant 0 : i32
      %dma_wait3A_216 = arith.constant 0 : i32
      %dma_wait3A_217 = tpu.memref_slice %arg14[%dma_wait3A_215, %dma_wait3A_216] : memref<10240x64xf32, #tpu.memory_space<vmem_shared>> -> memref<10240x64xf32, #tpu.memory_space<vmem_shared>>
      tpu.wait_indirect_dma semaphore(%arg20 : memref<!tpu.dma_semaphore, #tpu.memory_space<semaphore_mem>>) src(%arg9 : memref<128x64xf32, #tpu.memory_space<vmem>>) dst(%dma_wait3A_217 : memref<10240x64xf32, #tpu.memory_space<vmem_shared>>)
      %add3A_218 = arith.constant 3 : i32
      %add3A_219 = arith.addi %add3A_193, %add3A_218 : i32
      %dma_start3A_220 = arith.constant 0 : i32
      %dma_start3A_221 = tpu.memref_slice %arg7[%add3A_219, %dma_start3A_220] : memref<160x128xi32, #tpu.memory_space<vmem>> -> memref<1x128xi32, #tpu.memory_space<vmem>>
      %dma_start3A_222 = tpu.memref_squeeze %dma_start3A_221 : memref<1x128xi32, #tpu.memory_space<vmem>> -> memref<128xi32, #tpu.memory_space<vmem>>
      %dma_start3A_223 = arith.constant 0 : i32
      %dma_start3A_224 = arith.constant 0 : i32
      %dma_start3A_225 = tpu.memref_slice %arg4[%arg0, %dma_start3A_223, %dma_start3A_224] : memref<2x10240x64xf32, #tpu.memory_space<hbm>> -> memref<1x10240x64xf32, #tpu.memory_space<hbm>>
      %dma_start3A_226 = tpu.memref_squeeze %dma_start3A_225 : memref<1x10240x64xf32, #tpu.memory_space<hbm>> -> memref<10240x64xf32, #tpu.memory_space<hbm>>
      %dma_start3A_227 = arith.constant 0 : i32
      %dma_start3A_228 = arith.constant 0 : i32
      %dma_start3A_229 = tpu.memref_slice %dma_start3A_226[%dma_start3A_227, %dma_start3A_228] : memref<10240x64xf32, #tpu.memory_space<hbm>> -> memref<10240x64xf32, #tpu.memory_space<hbm>>
      tpu.enqueue_indirect_dma source(%dma_start3A_229 : memref<10240x64xf32, #tpu.memory_space<hbm>>) target(%arg9 : memref<128x64xf32, #tpu.memory_space<vmem>>) offsets(%dma_start3A_222 : memref<128xi32, #tpu.memory_space<vmem>>) semaphore(%arg15 : memref<!tpu.dma_semaphore, #tpu.memory_space<semaphore_mem>>)
      %add3A_230 = arith.constant 1 : i32
      %add3A_231 = arith.addi %add3A_191, %add3A_230 : i32
      %dma_wait3A_232 = arith.constant 0 : i32
      %dma_wait3A_233 = arith.constant 0 : i32
      %dma_wait3A_234 = tpu.memref_slice %arg7[%dma_wait3A_232, %dma_wait3A_233] : memref<160x128xi32, #tpu.memory_space<vmem>> -> memref<1x128xi32, #tpu.memory_space<vmem>>
      %dma_wait3A_235 = tpu.memref_squeeze %dma_wait3A_234 : memref<1x128xi32, #tpu.memory_space<vmem>> -> memref<128xi32, #tpu.memory_space<vmem>>
      %dma_wait3A_236 = arith.constant 0 : i32
      %dma_wait3A_237 = arith.constant 0 : i32
      %dma_wait3A_238 = tpu.memref_slice %arg4[%arg0, %dma_wait3A_236, %dma_wait3A_237] : memref<2x10240x64xf32, #tpu.memory_space<hbm>> -> memref<1x10240x64xf32, #tpu.memory_space<hbm>>
      %dma_wait3A_239 = tpu.memref_squeeze %dma_wait3A_238 : memref<1x10240x64xf32, #tpu.memory_space<hbm>> -> memref<10240x64xf32, #tpu.memory_space<hbm>>
      %dma_wait3A_240 = arith.constant 0 : i32
      %dma_wait3A_241 = arith.constant 0 : i32
      %dma_wait3A_242 = tpu.memref_slice %dma_wait3A_239[%dma_wait3A_240, %dma_wait3A_241] : memref<10240x64xf32, #tpu.memory_space<hbm>> -> memref<10240x64xf32, #tpu.memory_space<hbm>>
      tpu.wait_indirect_dma semaphore(%arg18 : memref<!tpu.dma_semaphore, #tpu.memory_space<semaphore_mem>>) src(%dma_wait3A_242 : memref<10240x64xf32, #tpu.memory_space<hbm>>) dst(%arg12 : memref<128x64xf32, #tpu.memory_space<vmem>>)
      %dma_start3A_243 = arith.constant 0 : i32
      %dma_start3A_244 = tpu.memref_slice %arg8[%add3A_231, %dma_start3A_243] : memref<160x128xi32, #tpu.memory_space<vmem>> -> memref<1x128xi32, #tpu.memory_space<vmem>>
      %dma_start3A_245 = tpu.memref_squeeze %dma_start3A_244 : memref<1x128xi32, #tpu.memory_space<vmem>> -> memref<128xi32, #tpu.memory_space<vmem>>
      %dma_start3A_246 = arith.constant 0 : i32
      %dma_start3A_247 = arith.constant 0 : i32
      %dma_start3A_248 = tpu.memref_slice %arg14[%dma_start3A_246, %dma_start3A_247] : memref<10240x64xf32, #tpu.memory_space<vmem_shared>> -> memref<10240x64xf32, #tpu.memory_space<vmem_shared>>
      tpu.enqueue_indirect_dma source(%arg12 : memref<128x64xf32, #tpu.memory_space<vmem>>) target(%dma_start3A_248 : memref<10240x64xf32, #tpu.memory_space<vmem_shared>>) offsets(%dma_start3A_245 : memref<128xi32, #tpu.memory_space<vmem>>) semaphore(%arg23 : memref<!tpu.dma_semaphore, #tpu.memory_space<semaphore_mem>>) {add = true}
      %dma_wait3A_249 = arith.constant 0 : i32
      %dma_wait3A_250 = arith.constant 0 : i32
      %dma_wait3A_251 = tpu.memref_slice %arg8[%dma_wait3A_249, %dma_wait3A_250] : memref<160x128xi32, #tpu.memory_space<vmem>> -> memref<1x128xi32, #tpu.memory_space<vmem>>
      %dma_wait3A_252 = tpu.memref_squeeze %dma_wait3A_251 : memref<1x128xi32, #tpu.memory_space<vmem>> -> memref<128xi32, #tpu.memory_space<vmem>>
      %dma_wait3A_253 = arith.constant 0 : i32
      %dma_wait3A_254 = arith.constant 0 : i32
      %dma_wait3A_255 = tpu.memref_slice %arg14[%dma_wait3A_253, %dma_wait3A_254] : memref<10240x64xf32, #tpu.memory_space<vmem_shared>> -> memref<10240x64xf32, #tpu.memory_space<vmem_shared>>
      tpu.wait_indirect_dma semaphore(%arg21 : memref<!tpu.dma_semaphore, #tpu.memory_space<semaphore_mem>>) src(%arg10 : memref<128x64xf32, #tpu.memory_space<vmem>>) dst(%dma_wait3A_255 : memref<10240x64xf32, #tpu.memory_space<vmem_shared>>)
      %add3A_256 = arith.constant 3 : i32
      %add3A_257 = arith.addi %add3A_231, %add3A_256 : i32
      %dma_start3A_258 = arith.constant 0 : i32
      %dma_start3A_259 = tpu.memref_slice %arg7[%add3A_257, %dma_start3A_258] : memref<160x128xi32, #tpu.memory_space<vmem>> -> memref<1x128xi32, #tpu.memory_space<vmem>>
      %dma_start3A_260 = tpu.memref_squeeze %dma_start3A_259 : memref<1x128xi32, #tpu.memory_space<vmem>> -> memref<128xi32, #tpu.memory_space<vmem>>
      %dma_start3A_261 = arith.constant 0 : i32
      %dma_start3A_262 = arith.constant 0 : i32
      %dma_start3A_263 = tpu.memref_slice %arg4[%arg0, %dma_start3A_261, %dma_start3A_262] : memref<2x10240x64xf32, #tpu.memory_space<hbm>> -> memref<1x10240x64xf32, #tpu.memory_space<hbm>>
      %dma_start3A_264 = tpu.memref_squeeze %dma_start3A_263 : memref<1x10240x64xf32, #tpu.memory_space<hbm>> -> memref<10240x64xf32, #tpu.memory_space<hbm>>
      %dma_start3A_265 = arith.constant 0 : i32
      %dma_start3A_266 = arith.constant 0 : i32
      %dma_start3A_267 = tpu.memref_slice %dma_start3A_264[%dma_start3A_265, %dma_start3A_266] : memref<10240x64xf32, #tpu.memory_space<hbm>> -> memref<10240x64xf32, #tpu.memory_space<hbm>>
      tpu.enqueue_indirect_dma source(%dma_start3A_267 : memref<10240x64xf32, #tpu.memory_space<hbm>>) target(%arg10 : memref<128x64xf32, #tpu.memory_space<vmem>>) offsets(%dma_start3A_260 : memref<128xi32, #tpu.memory_space<vmem>>) semaphore(%arg16 : memref<!tpu.dma_semaphore, #tpu.memory_space<semaphore_mem>>)
      %add3A_268 = arith.constant 2 : i32
      %add3A_269 = arith.addi %add3A_191, %add3A_268 : i32
      %dma_wait3A_270 = arith.constant 0 : i32
      %dma_wait3A_271 = arith.constant 0 : i32
      %dma_wait3A_272 = tpu.memref_slice %arg7[%dma_wait3A_270, %dma_wait3A_271] : memref<160x128xi32, #tpu.memory_space<vmem>> -> memref<1x128xi32, #tpu.memory_space<vmem>>
      %dma_wait3A_273 = tpu.memref_squeeze %dma_wait3A_272 : memref<1x128xi32, #tpu.memory_space<vmem>> -> memref<128xi32, #tpu.memory_space<vmem>>
      %dma_wait3A_274 = arith.constant 0 : i32
      %dma_wait3A_275 = arith.constant 0 : i32
      %dma_wait3A_276 = tpu.memref_slice %arg4[%arg0, %dma_wait3A_274, %dma_wait3A_275] : memref<2x10240x64xf32, #tpu.memory_space<hbm>> -> memref<1x10240x64xf32, #tpu.memory_space<hbm>>
      %dma_wait3A_277 = tpu.memref_squeeze %dma_wait3A_276 : memref<1x10240x64xf32, #tpu.memory_space<hbm>> -> memref<10240x64xf32, #tpu.memory_space<hbm>>
      %dma_wait3A_278 = arith.constant 0 : i32
      %dma_wait3A_279 = arith.constant 0 : i32
      %dma_wait3A_280 = tpu.memref_slice %dma_wait3A_277[%dma_wait3A_278, %dma_wait3A_279] : memref<10240x64xf32, #tpu.memory_space<hbm>> -> memref<10240x64xf32, #tpu.memory_space<hbm>>
      tpu.wait_indirect_dma semaphore(%arg19 : memref<!tpu.dma_semaphore, #tpu.memory_space<semaphore_mem>>) src(%dma_wait3A_280 : memref<10240x64xf32, #tpu.memory_space<hbm>>) dst(%arg13 : memref<128x64xf32, #tpu.memory_space<vmem>>)
      %dma_start3A_281 = arith.constant 0 : i32
      %dma_start3A_282 = tpu.memref_slice %arg8[%add3A_269, %dma_start3A_281] : memref<160x128xi32, #tpu.memory_space<vmem>> -> memref<1x128xi32, #tpu.memory_space<vmem>>
      %dma_start3A_283 = tpu.memref_squeeze %dma_start3A_282 : memref<1x128xi32, #tpu.memory_space<vmem>> -> memref<128xi32, #tpu.memory_space<vmem>>
      %dma_start3A_284 = arith.constant 0 : i32
      %dma_start3A_285 = arith.constant 0 : i32
      %dma_start3A_286 = tpu.memref_slice %arg14[%dma_start3A_284, %dma_start3A_285] : memref<10240x64xf32, #tpu.memory_space<vmem_shared>> -> memref<10240x64xf32, #tpu.memory_space<vmem_shared>>
      tpu.enqueue_indirect_dma source(%arg13 : memref<128x64xf32, #tpu.memory_space<vmem>>) target(%dma_start3A_286 : memref<10240x64xf32, #tpu.memory_space<vmem_shared>>) offsets(%dma_start3A_283 : memref<128xi32, #tpu.memory_space<vmem>>) semaphore(%arg24 : memref<!tpu.dma_semaphore, #tpu.memory_space<semaphore_mem>>) {add = true}
      %dma_wait3A_287 = arith.constant 0 : i32
      %dma_wait3A_288 = arith.constant 0 : i32
      %dma_wait3A_289 = tpu.memref_slice %arg8[%dma_wait3A_287, %dma_wait3A_288] : memref<160x128xi32, #tpu.memory_space<vmem>> -> memref<1x128xi32, #tpu.memory_space<vmem>>
      %dma_wait3A_290 = tpu.memref_squeeze %dma_wait3A_289 : memref<1x128xi32, #tpu.memory_space<vmem>> -> memref<128xi32, #tpu.memory_space<vmem>>
      %dma_wait3A_291 = arith.constant 0 : i32
      %dma_wait3A_292 = arith.constant 0 : i32
      %dma_wait3A_293 = tpu.memref_slice %arg14[%dma_wait3A_291, %dma_wait3A_292] : memref<10240x64xf32, #tpu.memory_space<vmem_shared>> -> memref<10240x64xf32, #tpu.memory_space<vmem_shared>>
      tpu.wait_indirect_dma semaphore(%arg22 : memref<!tpu.dma_semaphore, #tpu.memory_space<semaphore_mem>>) src(%arg11 : memref<128x64xf32, #tpu.memory_space<vmem>>) dst(%dma_wait3A_293 : memref<10240x64xf32, #tpu.memory_space<vmem_shared>>)
      %add3A_294 = arith.constant 3 : i32
      %add3A_295 = arith.addi %add3A_269, %add3A_294 : i32
      %dma_start3A_296 = arith.constant 0 : i32
      %dma_start3A_297 = tpu.memref_slice %arg7[%add3A_295, %dma_start3A_296] : memref<160x128xi32, #tpu.memory_space<vmem>> -> memref<1x128xi32, #tpu.memory_space<vmem>>
      %dma_start3A_298 = tpu.memref_squeeze %dma_start3A_297 : memref<1x128xi32, #tpu.memory_space<vmem>> -> memref<128xi32, #tpu.memory_space<vmem>>
      %dma_start3A_299 = arith.constant 0 : i32
      %dma_start3A_300 = arith.constant 0 : i32
      %dma_start3A_301 = tpu.memref_slice %arg4[%arg0, %dma_start3A_299, %dma_start3A_300] : memref<2x10240x64xf32, #tpu.memory_space<hbm>> -> memref<1x10240x64xf32, #tpu.memory_space<hbm>>
      %dma_start3A_302 = tpu.memref_squeeze %dma_start3A_301 : memref<1x10240x64xf32, #tpu.memory_space<hbm>> -> memref<10240x64xf32, #tpu.memory_space<hbm>>
      %dma_start3A_303 = arith.constant 0 : i32
      %dma_start3A_304 = arith.constant 0 : i32
      %dma_start3A_305 = tpu.memref_slice %dma_start3A_302[%dma_start3A_303, %dma_start3A_304] : memref<10240x64xf32, #tpu.memory_space<hbm>> -> memref<10240x64xf32, #tpu.memory_space<hbm>>
      tpu.enqueue_indirect_dma source(%dma_start3A_305 : memref<10240x64xf32, #tpu.memory_space<hbm>>) target(%arg11 : memref<128x64xf32, #tpu.memory_space<vmem>>) offsets(%dma_start3A_298 : memref<128xi32, #tpu.memory_space<vmem>>) semaphore(%arg17 : memref<!tpu.dma_semaphore, #tpu.memory_space<semaphore_mem>>)
      %add3A_306 = arith.constant 3 : i32
      %add3A_307 = arith.addi %add3A_191, %add3A_306 : i32
      %dma_wait3A_308 = arith.constant 0 : i32
      %dma_wait3A_309 = arith.constant 0 : i32
      %dma_wait3A_310 = tpu.memref_slice %arg7[%dma_wait3A_308, %dma_wait3A_309] : memref<160x128xi32, #tpu.memory_space<vmem>> -> memref<1x128xi32, #tpu.memory_space<vmem>>
      %dma_wait3A_311 = tpu.memref_squeeze %dma_wait3A_310 : memref<1x128xi32, #tpu.memory_space<vmem>> -> memref<128xi32, #tpu.memory_space<vmem>>
      %dma_wait3A_312 = arith.constant 0 : i32
      %dma_wait3A_313 = arith.constant 0 : i32
      %dma_wait3A_314 = tpu.memref_slice %arg4[%arg0, %dma_wait3A_312, %dma_wait3A_313] : memref<2x10240x64xf32, #tpu.memory_space<hbm>> -> memref<1x10240x64xf32, #tpu.memory_space<hbm>>
      %dma_wait3A_315 = tpu.memref_squeeze %dma_wait3A_314 : memref<1x10240x64xf32, #tpu.memory_space<hbm>> -> memref<10240x64xf32, #tpu.memory_space<hbm>>
      %dma_wait3A_316 = arith.constant 0 : i32
      %dma_wait3A_317 = arith.constant 0 : i32
      %dma_wait3A_318 = tpu.memref_slice %dma_wait3A_315[%dma_wait3A_316, %dma_wait3A_317] : memref<10240x64xf32, #tpu.memory_space<hbm>> -> memref<10240x64xf32, #tpu.memory_space<hbm>>
      tpu.wait_indirect_dma semaphore(%arg15 : memref<!tpu.dma_semaphore, #tpu.memory_space<semaphore_mem>>) src(%dma_wait3A_318 : memref<10240x64xf32, #tpu.memory_space<hbm>>) dst(%arg9 : memref<128x64xf32, #tpu.memory_space<vmem>>)
      %dma_start3A_319 = arith.constant 0 : i32
      %dma_start3A_320 = tpu.memref_slice %arg8[%add3A_307, %dma_start3A_319] : memref<160x128xi32, #tpu.memory_space<vmem>> -> memref<1x128xi32, #tpu.memory_space<vmem>>
      %dma_start3A_321 = tpu.memref_squeeze %dma_start3A_320 : memref<1x128xi32, #tpu.memory_space<vmem>> -> memref<128xi32, #tpu.memory_space<vmem>>
      %dma_start3A_322 = arith.constant 0 : i32
      %dma_start3A_323 = arith.constant 0 : i32
      %dma_start3A_324 = tpu.memref_slice %arg14[%dma_start3A_322, %dma_start3A_323] : memref<10240x64xf32, #tpu.memory_space<vmem_shared>> -> memref<10240x64xf32, #tpu.memory_space<vmem_shared>>
      tpu.enqueue_indirect_dma source(%arg9 : memref<128x64xf32, #tpu.memory_space<vmem>>) target(%dma_start3A_324 : memref<10240x64xf32, #tpu.memory_space<vmem_shared>>) offsets(%dma_start3A_321 : memref<128xi32, #tpu.memory_space<vmem>>) semaphore(%arg20 : memref<!tpu.dma_semaphore, #tpu.memory_space<semaphore_mem>>) {add = true}
      %dma_wait3A_325 = arith.constant 0 : i32
      %dma_wait3A_326 = arith.constant 0 : i32
      %dma_wait3A_327 = tpu.memref_slice %arg8[%dma_wait3A_325, %dma_wait3A_326] : memref<160x128xi32, #tpu.memory_space<vmem>> -> memref<1x128xi32, #tpu.memory_space<vmem>>
      %dma_wait3A_328 = tpu.memref_squeeze %dma_wait3A_327 : memref<1x128xi32, #tpu.memory_space<vmem>> -> memref<128xi32, #tpu.memory_space<vmem>>
      %dma_wait3A_329 = arith.constant 0 : i32
      %dma_wait3A_330 = arith.constant 0 : i32
      %dma_wait3A_331 = tpu.memref_slice %arg14[%dma_wait3A_329, %dma_wait3A_330] : memref<10240x64xf32, #tpu.memory_space<vmem_shared>> -> memref<10240x64xf32, #tpu.memory_space<vmem_shared>>
      tpu.wait_indirect_dma semaphore(%arg23 : memref<!tpu.dma_semaphore, #tpu.memory_space<semaphore_mem>>) src(%arg12 : memref<128x64xf32, #tpu.memory_space<vmem>>) dst(%dma_wait3A_331 : memref<10240x64xf32, #tpu.memory_space<vmem_shared>>)
      %add3A_332 = arith.constant 3 : i32
      %add3A_333 = arith.addi %add3A_307, %add3A_332 : i32
      %dma_start3A_334 = arith.constant 0 : i32
      %dma_start3A_335 = tpu.memref_slice %arg7[%add3A_333, %dma_start3A_334] : memref<160x128xi32, #tpu.memory_space<vmem>> -> memref<1x128xi32, #tpu.memory_space<vmem>>
      %dma_start3A_336 = tpu.memref_squeeze %dma_start3A_335 : memref<1x128xi32, #tpu.memory_space<vmem>> -> memref<128xi32, #tpu.memory_space<vmem>>
      %dma_start3A_337 = arith.constant 0 : i32
      %dma_start3A_338 = arith.constant 0 : i32
      %dma_start3A_339 = tpu.memref_slice %arg4[%arg0, %dma_start3A_337, %dma_start3A_338] : memref<2x10240x64xf32, #tpu.memory_space<hbm>> -> memref<1x10240x64xf32, #tpu.memory_space<hbm>>
      %dma_start3A_340 = tpu.memref_squeeze %dma_start3A_339 : memref<1x10240x64xf32, #tpu.memory_space<hbm>> -> memref<10240x64xf32, #tpu.memory_space<hbm>>
      %dma_start3A_341 = arith.constant 0 : i32
      %dma_start3A_342 = arith.constant 0 : i32
      %dma_start3A_343 = tpu.memref_slice %dma_start3A_340[%dma_start3A_341, %dma_start3A_342] : memref<10240x64xf32, #tpu.memory_space<hbm>> -> memref<10240x64xf32, #tpu.memory_space<hbm>>
      tpu.enqueue_indirect_dma source(%dma_start3A_343 : memref<10240x64xf32, #tpu.memory_space<hbm>>) target(%arg12 : memref<128x64xf32, #tpu.memory_space<vmem>>) offsets(%dma_start3A_336 : memref<128xi32, #tpu.memory_space<vmem>>) semaphore(%arg18 : memref<!tpu.dma_semaphore, #tpu.memory_space<semaphore_mem>>)
      %add3A_344 = arith.constant 4 : i32
      %add3A_345 = arith.addi %add3A_191, %add3A_344 : i32
      %dma_wait3A_346 = arith.constant 0 : i32
      %dma_wait3A_347 = arith.constant 0 : i32
      %dma_wait3A_348 = tpu.memref_slice %arg7[%dma_wait3A_346, %dma_wait3A_347] : memref<160x128xi32, #tpu.memory_space<vmem>> -> memref<1x128xi32, #tpu.memory_space<vmem>>
      %dma_wait3A_349 = tpu.memref_squeeze %dma_wait3A_348 : memref<1x128xi32, #tpu.memory_space<vmem>> -> memref<128xi32, #tpu.memory_space<vmem>>
      %dma_wait3A_350 = arith.constant 0 : i32
      %dma_wait3A_351 = arith.constant 0 : i32
      %dma_wait3A_352 = tpu.memref_slice %arg4[%arg0, %dma_wait3A_350, %dma_wait3A_351] : memref<2x10240x64xf32, #tpu.memory_space<hbm>> -> memref<1x10240x64xf32, #tpu.memory_space<hbm>>
      %dma_wait3A_353 = tpu.memref_squeeze %dma_wait3A_352 : memref<1x10240x64xf32, #tpu.memory_space<hbm>> -> memref<10240x64xf32, #tpu.memory_space<hbm>>
      %dma_wait3A_354 = arith.constant 0 : i32
      %dma_wait3A_355 = arith.constant 0 : i32
      %dma_wait3A_356 = tpu.memref_slice %dma_wait3A_353[%dma_wait3A_354, %dma_wait3A_355] : memref<10240x64xf32, #tpu.memory_space<hbm>> -> memref<10240x64xf32, #tpu.memory_space<hbm>>
      tpu.wait_indirect_dma semaphore(%arg16 : memref<!tpu.dma_semaphore, #tpu.memory_space<semaphore_mem>>) src(%dma_wait3A_356 : memref<10240x64xf32, #tpu.memory_space<hbm>>) dst(%arg10 : memref<128x64xf32, #tpu.memory_space<vmem>>)
      %dma_start3A_357 = arith.constant 0 : i32
      %dma_start3A_358 = tpu.memref_slice %arg8[%add3A_345, %dma_start3A_357] : memref<160x128xi32, #tpu.memory_space<vmem>> -> memref<1x128xi32, #tpu.memory_space<vmem>>
      %dma_start3A_359 = tpu.memref_squeeze %dma_start3A_358 : memref<1x128xi32, #tpu.memory_space<vmem>> -> memref<128xi32, #tpu.memory_space<vmem>>
      %dma_start3A_360 = arith.constant 0 : i32
      %dma_start3A_361 = arith.constant 0 : i32
      %dma_start3A_362 = tpu.memref_slice %arg14[%dma_start3A_360, %dma_start3A_361] : memref<10240x64xf32, #tpu.memory_space<vmem_shared>> -> memref<10240x64xf32, #tpu.memory_space<vmem_shared>>
      tpu.enqueue_indirect_dma source(%arg10 : memref<128x64xf32, #tpu.memory_space<vmem>>) target(%dma_start3A_362 : memref<10240x64xf32, #tpu.memory_space<vmem_shared>>) offsets(%dma_start3A_359 : memref<128xi32, #tpu.memory_space<vmem>>) semaphore(%arg21 : memref<!tpu.dma_semaphore, #tpu.memory_space<semaphore_mem>>) {add = true}
      %dma_wait3A_363 = arith.constant 0 : i32
      %dma_wait3A_364 = arith.constant 0 : i32
      %dma_wait3A_365 = tpu.memref_slice %arg8[%dma_wait3A_363, %dma_wait3A_364] : memref<160x128xi32, #tpu.memory_space<vmem>> -> memref<1x128xi32, #tpu.memory_space<vmem>>
      %dma_wait3A_366 = tpu.memref_squeeze %dma_wait3A_365 : memref<1x128xi32, #tpu.memory_space<vmem>> -> memref<128xi32, #tpu.memory_space<vmem>>
      %dma_wait3A_367 = arith.constant 0 : i32
      %dma_wait3A_368 = arith.constant 0 : i32
      %dma_wait3A_369 = tpu.memref_slice %arg14[%dma_wait3A_367, %dma_wait3A_368] : memref<10240x64xf32, #tpu.memory_space<vmem_shared>> -> memref<10240x64xf32, #tpu.memory_space<vmem_shared>>
      tpu.wait_indirect_dma semaphore(%arg24 : memref<!tpu.dma_semaphore, #tpu.memory_space<semaphore_mem>>) src(%arg13 : memref<128x64xf32, #tpu.memory_space<vmem>>) dst(%dma_wait3A_369 : memref<10240x64xf32, #tpu.memory_space<vmem_shared>>)
      %add3A_370 = arith.constant 3 : i32
      %add3A_371 = arith.addi %add3A_345, %add3A_370 : i32
      %dma_start3A_372 = arith.constant 0 : i32
      %dma_start3A_373 = tpu.memref_slice %arg7[%add3A_371, %dma_start3A_372] : memref<160x128xi32, #tpu.memory_space<vmem>> -> memref<1x128xi32, #tpu.memory_space<vmem>>
      %dma_start3A_374 = tpu.memref_squeeze %dma_start3A_373 : memref<1x128xi32, #tpu.memory_space<vmem>> -> memref<128xi32, #tpu.memory_space<vmem>>
      %dma_start3A_375 = arith.constant 0 : i32
      %dma_start3A_376 = arith.constant 0 : i32
      %dma_start3A_377 = tpu.memref_slice %arg4[%arg0, %dma_start3A_375, %dma_start3A_376] : memref<2x10240x64xf32, #tpu.memory_space<hbm>> -> memref<1x10240x64xf32, #tpu.memory_space<hbm>>
      %dma_start3A_378 = tpu.memref_squeeze %dma_start3A_377 : memref<1x10240x64xf32, #tpu.memory_space<hbm>> -> memref<10240x64xf32, #tpu.memory_space<hbm>>
      %dma_start3A_379 = arith.constant 0 : i32
      %dma_start3A_380 = arith.constant 0 : i32
      %dma_start3A_381 = tpu.memref_slice %dma_start3A_378[%dma_start3A_379, %dma_start3A_380] : memref<10240x64xf32, #tpu.memory_space<hbm>> -> memref<10240x64xf32, #tpu.memory_space<hbm>>
      tpu.enqueue_indirect_dma source(%dma_start3A_381 : memref<10240x64xf32, #tpu.memory_space<hbm>>) target(%arg13 : memref<128x64xf32, #tpu.memory_space<vmem>>) offsets(%dma_start3A_374 : memref<128xi32, #tpu.memory_space<vmem>>) semaphore(%arg19 : memref<!tpu.dma_semaphore, #tpu.memory_space<semaphore_mem>>)
    }
    %scan3A_94 = arith.constant 31 : i32
    %dma_wait3A_95 = arith.constant 0 : i32
    %dma_wait3A_96 = arith.constant 0 : i32
    %dma_wait3A_97 = tpu.memref_slice %arg7[%dma_wait3A_95, %dma_wait3A_96] : memref<160x128xi32, #tpu.memory_space<vmem>> -> memref<1x128xi32, #tpu.memory_space<vmem>>
    %dma_wait3A_98 = tpu.memref_squeeze %dma_wait3A_97 : memref<1x128xi32, #tpu.memory_space<vmem>> -> memref<128xi32, #tpu.memory_space<vmem>>
    %dma_wait3A_99 = arith.constant 0 : i32
    %dma_wait3A_100 = arith.constant 0 : i32
    %dma_wait3A_101 = tpu.memref_slice %arg4[%arg0, %dma_wait3A_99, %dma_wait3A_100] : memref<2x10240x64xf32, #tpu.memory_space<hbm>> -> memref<1x10240x64xf32, #tpu.memory_space<hbm>>
    %dma_wait3A_102 = tpu.memref_squeeze %dma_wait3A_101 : memref<1x10240x64xf32, #tpu.memory_space<hbm>> -> memref<10240x64xf32, #tpu.memory_space<hbm>>
    %dma_wait3A_103 = arith.constant 0 : i32
    %dma_wait3A_104 = arith.constant 0 : i32
    %dma_wait3A_105 = tpu.memref_slice %dma_wait3A_102[%dma_wait3A_103, %dma_wait3A_104] : memref<10240x64xf32, #tpu.memory_space<hbm>> -> memref<10240x64xf32, #tpu.memory_space<hbm>>
    tpu.wait_indirect_dma semaphore(%arg17 : memref<!tpu.dma_semaphore, #tpu.memory_space<semaphore_mem>>) src(%dma_wait3A_105 : memref<10240x64xf32, #tpu.memory_space<hbm>>) dst(%arg11 : memref<128x64xf32, #tpu.memory_space<vmem>>)
    %dma_start3A_106 = arith.constant 157 : i32
    %dma_start3A_107 = arith.constant 0 : i32
    %dma_start3A_108 = tpu.memref_slice %arg8[%dma_start3A_106, %dma_start3A_107] : memref<160x128xi32, #tpu.memory_space<vmem>> -> memref<1x128xi32, #tpu.memory_space<vmem>>
    %dma_start3A_109 = tpu.memref_squeeze %dma_start3A_108 : memref<1x128xi32, #tpu.memory_space<vmem>> -> memref<128xi32, #tpu.memory_space<vmem>>
    %dma_start3A_110 = arith.constant 0 : i32
    %dma_start3A_111 = arith.constant 0 : i32
    %dma_start3A_112 = tpu.memref_slice %arg14[%dma_start3A_110, %dma_start3A_111] : memref<10240x64xf32, #tpu.memory_space<vmem_shared>> -> memref<10240x64xf32, #tpu.memory_space<vmem_shared>>
    tpu.enqueue_indirect_dma source(%arg11 : memref<128x64xf32, #tpu.memory_space<vmem>>) target(%dma_start3A_112 : memref<10240x64xf32, #tpu.memory_space<vmem_shared>>) offsets(%dma_start3A_109 : memref<128xi32, #tpu.memory_space<vmem>>) semaphore(%arg22 : memref<!tpu.dma_semaphore, #tpu.memory_space<semaphore_mem>>) {add = true}
    %dma_wait3A_113 = arith.constant 0 : i32
    %dma_wait3A_114 = arith.constant 0 : i32
    %dma_wait3A_115 = tpu.memref_slice %arg7[%dma_wait3A_113, %dma_wait3A_114] : memref<160x128xi32, #tpu.memory_space<vmem>> -> memref<1x128xi32, #tpu.memory_space<vmem>>
    %dma_wait3A_116 = tpu.memref_squeeze %dma_wait3A_115 : memref<1x128xi32, #tpu.memory_space<vmem>> -> memref<128xi32, #tpu.memory_space<vmem>>
    %dma_wait3A_117 = arith.constant 0 : i32
    %dma_wait3A_118 = arith.constant 0 : i32
    %dma_wait3A_119 = tpu.memref_slice %arg4[%arg0, %dma_wait3A_117, %dma_wait3A_118] : memref<2x10240x64xf32, #tpu.memory_space<hbm>> -> memref<1x10240x64xf32, #tpu.memory_space<hbm>>
    %dma_wait3A_120 = tpu.memref_squeeze %dma_wait3A_119 : memref<1x10240x64xf32, #tpu.memory_space<hbm>> -> memref<10240x64xf32, #tpu.memory_space<hbm>>
    %dma_wait3A_121 = arith.constant 0 : i32
    %dma_wait3A_122 = arith.constant 0 : i32
    %dma_wait3A_123 = tpu.memref_slice %dma_wait3A_120[%dma_wait3A_121, %dma_wait3A_122] : memref<10240x64xf32, #tpu.memory_space<hbm>> -> memref<10240x64xf32, #tpu.memory_space<hbm>>
    tpu.wait_indirect_dma semaphore(%arg18 : memref<!tpu.dma_semaphore, #tpu.memory_space<semaphore_mem>>) src(%dma_wait3A_123 : memref<10240x64xf32, #tpu.memory_space<hbm>>) dst(%arg12 : memref<128x64xf32, #tpu.memory_space<vmem>>)
    %dma_start3A_124 = arith.constant 158 : i32
    %dma_start3A_125 = arith.constant 0 : i32
    %dma_start3A_126 = tpu.memref_slice %arg8[%dma_start3A_124, %dma_start3A_125] : memref<160x128xi32, #tpu.memory_space<vmem>> -> memref<1x128xi32, #tpu.memory_space<vmem>>
    %dma_start3A_127 = tpu.memref_squeeze %dma_start3A_126 : memref<1x128xi32, #tpu.memory_space<vmem>> -> memref<128xi32, #tpu.memory_space<vmem>>
    %dma_start3A_128 = arith.constant 0 : i32
    %dma_start3A_129 = arith.constant 0 : i32
    %dma_start3A_130 = tpu.memref_slice %arg14[%dma_start3A_128, %dma_start3A_129] : memref<10240x64xf32, #tpu.memory_space<vmem_shared>> -> memref<10240x64xf32, #tpu.memory_space<vmem_shared>>
    tpu.enqueue_indirect_dma source(%arg12 : memref<128x64xf32, #tpu.memory_space<vmem>>) target(%dma_start3A_130 : memref<10240x64xf32, #tpu.memory_space<vmem_shared>>) offsets(%dma_start3A_127 : memref<128xi32, #tpu.memory_space<vmem>>) semaphore(%arg23 : memref<!tpu.dma_semaphore, #tpu.memory_space<semaphore_mem>>) {add = true}
    %dma_wait3A_131 = arith.constant 0 : i32
    %dma_wait3A_132 = arith.constant 0 : i32
    %dma_wait3A_133 = tpu.memref_slice %arg7[%dma_wait3A_131, %dma_wait3A_132] : memref<160x128xi32, #tpu.memory_space<vmem>> -> memref<1x128xi32, #tpu.memory_space<vmem>>
    %dma_wait3A_134 = tpu.memref_squeeze %dma_wait3A_133 : memref<1x128xi32, #tpu.memory_space<vmem>> -> memref<128xi32, #tpu.memory_space<vmem>>
    %dma_wait3A_135 = arith.constant 0 : i32
    %dma_wait3A_136 = arith.constant 0 : i32
    %dma_wait3A_137 = tpu.memref_slice %arg4[%arg0, %dma_wait3A_135, %dma_wait3A_136] : memref<2x10240x64xf32, #tpu.memory_space<hbm>> -> memref<1x10240x64xf32, #tpu.memory_space<hbm>>
    %dma_wait3A_138 = tpu.memref_squeeze %dma_wait3A_137 : memref<1x10240x64xf32, #tpu.memory_space<hbm>> -> memref<10240x64xf32, #tpu.memory_space<hbm>>
    %dma_wait3A_139 = arith.constant 0 : i32
    %dma_wait3A_140 = arith.constant 0 : i32
    %dma_wait3A_141 = tpu.memref_slice %dma_wait3A_138[%dma_wait3A_139, %dma_wait3A_140] : memref<10240x64xf32, #tpu.memory_space<hbm>> -> memref<10240x64xf32, #tpu.memory_space<hbm>>
    tpu.wait_indirect_dma semaphore(%arg19 : memref<!tpu.dma_semaphore, #tpu.memory_space<semaphore_mem>>) src(%dma_wait3A_141 : memref<10240x64xf32, #tpu.memory_space<hbm>>) dst(%arg13 : memref<128x64xf32, #tpu.memory_space<vmem>>)
    %dma_start3A_142 = arith.constant 159 : i32
    %dma_start3A_143 = arith.constant 0 : i32
    %dma_start3A_144 = tpu.memref_slice %arg8[%dma_start3A_142, %dma_start3A_143] : memref<160x128xi32, #tpu.memory_space<vmem>> -> memref<1x128xi32, #tpu.memory_space<vmem>>
    %dma_start3A_145 = tpu.memref_squeeze %dma_start3A_144 : memref<1x128xi32, #tpu.memory_space<vmem>> -> memref<128xi32, #tpu.memory_space<vmem>>
    %dma_start3A_146 = arith.constant 0 : i32
    %dma_start3A_147 = arith.constant 0 : i32
    %dma_start3A_148 = tpu.memref_slice %arg14[%dma_start3A_146, %dma_start3A_147] : memref<10240x64xf32, #tpu.memory_space<vmem_shared>> -> memref<10240x64xf32, #tpu.memory_space<vmem_shared>>
    tpu.enqueue_indirect_dma source(%arg13 : memref<128x64xf32, #tpu.memory_space<vmem>>) target(%dma_start3A_148 : memref<10240x64xf32, #tpu.memory_space<vmem_shared>>) offsets(%dma_start3A_145 : memref<128xi32, #tpu.memory_space<vmem>>) semaphore(%arg24 : memref<!tpu.dma_semaphore, #tpu.memory_space<semaphore_mem>>) {add = true}
    %dma_wait3A_149 = arith.constant 0 : i32
    %dma_wait3A_150 = arith.constant 0 : i32
    %dma_wait3A_151 = tpu.memref_slice %arg8[%dma_wait3A_149, %dma_wait3A_150] : memref<160x128xi32, #tpu.memory_space<vmem>> -> memref<1x128xi32, #tpu.memory_space<vmem>>
    %dma_wait3A_152 = tpu.memref_squeeze %dma_wait3A_151 : memref<1x128xi32, #tpu.memory_space<vmem>> -> memref<128xi32, #tpu.memory_space<vmem>>
    %dma_wait3A_153 = arith.constant 0 : i32
    %dma_wait3A_154 = arith.constant 0 : i32
    %dma_wait3A_155 = tpu.memref_slice %arg14[%dma_wait3A_153, %dma_wait3A_154] : memref<10240x64xf32, #tpu.memory_space<vmem_shared>> -> memref<10240x64xf32, #tpu.memory_space<vmem_shared>>
    tpu.wait_indirect_dma semaphore(%arg20 : memref<!tpu.dma_semaphore, #tpu.memory_space<semaphore_mem>>) src(%arg9 : memref<128x64xf32, #tpu.memory_space<vmem>>) dst(%dma_wait3A_155 : memref<10240x64xf32, #tpu.memory_space<vmem_shared>>)
    %dma_wait3A_156 = arith.constant 0 : i32
    %dma_wait3A_157 = arith.constant 0 : i32
    %dma_wait3A_158 = tpu.memref_slice %arg8[%dma_wait3A_156, %dma_wait3A_157] : memref<160x128xi32, #tpu.memory_space<vmem>> -> memref<1x128xi32, #tpu.memory_space<vmem>>
    %dma_wait3A_159 = tpu.memref_squeeze %dma_wait3A_158 : memref<1x128xi32, #tpu.memory_space<vmem>> -> memref<128xi32, #tpu.memory_space<vmem>>
    %dma_wait3A_160 = arith.constant 0 : i32
    %dma_wait3A_161 = arith.constant 0 : i32
    %dma_wait3A_162 = tpu.memref_slice %arg14[%dma_wait3A_160, %dma_wait3A_161] : memref<10240x64xf32, #tpu.memory_space<vmem_shared>> -> memref<10240x64xf32, #tpu.memory_space<vmem_shared>>
    tpu.wait_indirect_dma semaphore(%arg21 : memref<!tpu.dma_semaphore, #tpu.memory_space<semaphore_mem>>) src(%arg10 : memref<128x64xf32, #tpu.memory_space<vmem>>) dst(%dma_wait3A_162 : memref<10240x64xf32, #tpu.memory_space<vmem_shared>>)
    %dma_wait3A_163 = arith.constant 0 : i32
    %dma_wait3A_164 = arith.constant 0 : i32
    %dma_wait3A_165 = tpu.memref_slice %arg8[%dma_wait3A_163, %dma_wait3A_164] : memref<160x128xi32, #tpu.memory_space<vmem>> -> memref<1x128xi32, #tpu.memory_space<vmem>>
    %dma_wait3A_166 = tpu.memref_squeeze %dma_wait3A_165 : memref<1x128xi32, #tpu.memory_space<vmem>> -> memref<128xi32, #tpu.memory_space<vmem>>
    %dma_wait3A_167 = arith.constant 0 : i32
    %dma_wait3A_168 = arith.constant 0 : i32
    %dma_wait3A_169 = tpu.memref_slice %arg14[%dma_wait3A_167, %dma_wait3A_168] : memref<10240x64xf32, #tpu.memory_space<vmem_shared>> -> memref<10240x64xf32, #tpu.memory_space<vmem_shared>>
    tpu.wait_indirect_dma semaphore(%arg22 : memref<!tpu.dma_semaphore, #tpu.memory_space<semaphore_mem>>) src(%arg11 : memref<128x64xf32, #tpu.memory_space<vmem>>) dst(%dma_wait3A_169 : memref<10240x64xf32, #tpu.memory_space<vmem_shared>>)
    %dma_wait3A_170 = arith.constant 0 : i32
    %dma_wait3A_171 = arith.constant 0 : i32
    %dma_wait3A_172 = tpu.memref_slice %arg8[%dma_wait3A_170, %dma_wait3A_171] : memref<160x128xi32, #tpu.memory_space<vmem>> -> memref<1x128xi32, #tpu.memory_space<vmem>>
    %dma_wait3A_173 = tpu.memref_squeeze %dma_wait3A_172 : memref<1x128xi32, #tpu.memory_space<vmem>> -> memref<128xi32, #tpu.memory_space<vmem>>
    %dma_wait3A_174 = arith.constant 0 : i32
    %dma_wait3A_175 = arith.constant 0 : i32
    %dma_wait3A_176 = tpu.memref_slice %arg14[%dma_wait3A_174, %dma_wait3A_175] : memref<10240x64xf32, #tpu.memory_space<vmem_shared>> -> memref<10240x64xf32, #tpu.memory_space<vmem_shared>>
    tpu.wait_indirect_dma semaphore(%arg23 : memref<!tpu.dma_semaphore, #tpu.memory_space<semaphore_mem>>) src(%arg12 : memref<128x64xf32, #tpu.memory_space<vmem>>) dst(%dma_wait3A_176 : memref<10240x64xf32, #tpu.memory_space<vmem_shared>>)
    %dma_wait3A_177 = arith.constant 0 : i32
    %dma_wait3A_178 = arith.constant 0 : i32
    %dma_wait3A_179 = tpu.memref_slice %arg8[%dma_wait3A_177, %dma_wait3A_178] : memref<160x128xi32, #tpu.memory_space<vmem>> -> memref<1x128xi32, #tpu.memory_space<vmem>>
    %dma_wait3A_180 = tpu.memref_squeeze %dma_wait3A_179 : memref<1x128xi32, #tpu.memory_space<vmem>> -> memref<128xi32, #tpu.memory_space<vmem>>
    %dma_wait3A_181 = arith.constant 0 : i32
    %dma_wait3A_182 = arith.constant 0 : i32
    %dma_wait3A_183 = tpu.memref_slice %arg14[%dma_wait3A_181, %dma_wait3A_182] : memref<10240x64xf32, #tpu.memory_space<vmem_shared>> -> memref<10240x64xf32, #tpu.memory_space<vmem_shared>>
    tpu.wait_indirect_dma semaphore(%arg24 : memref<!tpu.dma_semaphore, #tpu.memory_space<semaphore_mem>>) src(%arg13 : memref<128x64xf32, #tpu.memory_space<vmem>>) dst(%dma_wait3A_183 : memref<10240x64xf32, #tpu.memory_space<vmem_shared>>)
    %barrier3A_184 = arith.constant 0 : index
    tpu.barrier barrier_id(%barrier3A_184)
    %mul3A_185 = arith.constant 10240 : i32
    %mul3A_186 = arith.muli %arg0, %mul3A_185 : i32
    %add3A = arith.addi %mul3A_186, %mul3A_0 : i32
    "tpu.region"() ({
      %run_scoped3A = tpu.sem_alloc : memref<!tpu.dma_semaphore, #tpu.memory_space<semaphore_mem>>
      %dma_start3A_187 = arith.constant 0 : i32
      %dma_start3A_188 = tpu.memref_slice %arg6[%add3A, %dma_start3A_187] : memref<20480x64xf32, #tpu.memory_space<hbm>> -> memref<640x64xf32, #tpu.memory_space<hbm>>
      %dma_start3A_189 = arith.constant 0 : i32
      %dma_start3A_190 = tpu.memref_slice %arg14[%mul3A_0, %dma_start3A_189] : memref<10240x64xf32, #tpu.memory_space<vmem_shared>> -> memref<640x64xf32, #tpu.memory_space<vmem_shared>>
      tpu.enqueue_dma source(%dma_start3A_190 : memref<640x64xf32, #tpu.memory_space<vmem_shared>>) target(%dma_start3A_188 : memref<640x64xf32, #tpu.memory_space<hbm>>) target_semaphore(%run_scoped3A : memref<!tpu.dma_semaphore, #tpu.memory_space<semaphore_mem>>)
      %dma_wait3A_191 = arith.constant 0 : i32
      %dma_wait3A_192 = tpu.memref_slice %arg6[%add3A, %dma_wait3A_191] : memref<20480x64xf32, #tpu.memory_space<hbm>> -> memref<640x64xf32, #tpu.memory_space<hbm>>
      %dma_wait3A_193 = arith.constant 0 : i32
      %dma_wait3A_194 = tpu.memref_slice %arg14[%mul3A_0, %dma_wait3A_193] : memref<10240x64xf32, #tpu.memory_space<vmem_shared>> -> memref<640x64xf32, #tpu.memory_space<vmem_shared>>
      tpu.wait_dma2 semaphore(%run_scoped3A : memref<!tpu.dma_semaphore, #tpu.memory_space<semaphore_mem>>) src(%dma_wait3A_194 : memref<640x64xf32, #tpu.memory_space<vmem_shared>>) dst(%dma_wait3A_192 : memref<640x64xf32, #tpu.memory_space<hbm>>)
      tpu.yield
    }) : () -> ()
    return
  }
}

#map = affine_map<(d0, d1) -> (0, 0, 0)>
#map1 = affine_map<(d0, d1) -> (0, 0)>
#map2 = affine_map<(d0, d1) -> (0)>
module attributes {stable_mosaic.version = 14 : i64} {
  func.func @_unpack_p1(%arg0: i32, %arg1: i32, %arg2: memref<32x80x128xi32, #tpu.memory_space<hbm>>, %arg3: memref<32x80x128xi32, #tpu.memory_space<hbm>>, %arg4: memref<10000x64xf32, #tpu.memory_space<hbm>>, %arg5: memref<10240x64xf32, #tpu.memory_space<hbm>>, %arg6: memref<10240xf32, #tpu.memory_space<hbm>>, %arg7: memref<20480x64xf32, #tpu.memory_space<hbm>>, %arg8: memref<20480xf32, #tpu.memory_space<hbm>>, %arg9: memref<80x128xi32, #tpu.memory_space<vmem>>, %arg10: memref<80x128xi32, #tpu.memory_space<vmem>>, %arg11: memref<128x64xf32, #tpu.memory_space<vmem>>, %arg12: memref<128x64xf32, #tpu.memory_space<vmem>>, %arg13: memref<128x64xf32, #tpu.memory_space<vmem>>, %arg14: memref<128x64xf32, #tpu.memory_space<vmem>>, %arg15: memref<128x64xf32, #tpu.memory_space<vmem>>, %arg16: memref<128x64xf32, #tpu.memory_space<vmem>>, %arg17: memref<128x64xf32, #tpu.memory_space<vmem>>, %arg18: memref<128x64xf32, #tpu.memory_space<vmem>>, %arg19: memref<128xf32, #tpu.memory_space<vmem>>, %arg20: memref<10240x64xf32, #tpu.memory_space<vmem_shared>>, %arg21: memref<10240xf32, #tpu.memory_space<vmem_shared>>, %arg22: memref<!tpu.dma_semaphore, #tpu.memory_space<semaphore_mem>>, %arg23: memref<!tpu.dma_semaphore, #tpu.memory_space<semaphore_mem>>, %arg24: memref<!tpu.dma_semaphore, #tpu.memory_space<semaphore_mem>>, %arg25: memref<!tpu.dma_semaphore, #tpu.memory_space<semaphore_mem>>, %arg26: memref<!tpu.dma_semaphore, #tpu.memory_space<semaphore_mem>>, %arg27: memref<!tpu.dma_semaphore, #tpu.memory_space<semaphore_mem>>, %arg28: memref<!tpu.dma_semaphore, #tpu.memory_space<semaphore_mem>>, %arg29: memref<!tpu.dma_semaphore, #tpu.memory_space<semaphore_mem>>, %arg30: memref<!tpu.dma_semaphore, #tpu.memory_space<semaphore_mem>>, %arg31: memref<!tpu.dma_semaphore, #tpu.memory_space<semaphore_mem>>, %arg32: memref<!tpu.dma_semaphore, #tpu.memory_space<semaphore_mem>>, %arg33: memref<!tpu.dma_semaphore, #tpu.memory_space<semaphore_mem>>, %arg34: memref<!tpu.dma_semaphore, #tpu.memory_space<semaphore_mem>>, %arg35: memref<!tpu.dma_semaphore, #tpu.memory_space<semaphore_mem>>, %arg36: memref<!tpu.dma_semaphore, #tpu.memory_space<semaphore_mem>>, %arg37: memref<!tpu.dma_semaphore, #tpu.memory_space<semaphore_mem>>, %arg38: memref<!tpu.dma_semaphore, #tpu.memory_space<semaphore_mem>>) attributes {dimension_semantics = [#tpu.dimension_semantics<core_parallel>, #tpu.dimension_semantics<subcore_parallel>], iteration_bounds = array<i64: 2, 16>, scalar_prefetch = 0 : i64, scratch_operands = 30 : i64, tpu.core_type = #tpu.core_type<sc_vector_subcore>, window_params = [{transform_indices = #map}, {transform_indices = #map}, {transform_indices = #map1}, {transform_indices = #map1}, {transform_indices = #map2}, {transform_indices = #map1}, {transform_indices = #map2}]} {
    %mul3A = arith.constant 16 : i32
    %mul3A_0 = arith.muli %arg0, %mul3A : i32
    %add3A = arith.addi %mul3A_0, %arg1 : i32
    %mul3A_1 = arith.constant 640 : i32
    %mul3A_2 = arith.muli %arg1, %mul3A_1 : i32
    "tpu.region"() ({
      %run_scoped3A = tpu.sem_alloc : memref<!tpu.dma_semaphore, #tpu.memory_space<semaphore_mem>>
      %dma_start3A_376 = arith.constant 0 : i32
      %dma_start3A_377 = arith.constant 0 : i32
      %dma_start3A_378 = tpu.memref_slice %arg2[%add3A, %dma_start3A_376, %dma_start3A_377] : memref<32x80x128xi32, #tpu.memory_space<hbm>> -> memref<1x80x128xi32, #tpu.memory_space<hbm>>
      %dma_start3A_379 = tpu.memref_squeeze %dma_start3A_378 : memref<1x80x128xi32, #tpu.memory_space<hbm>> -> memref<80x128xi32, #tpu.memory_space<hbm>>
      %dma_start3A_380 = arith.constant 0 : i32
      %dma_start3A_381 = arith.constant 0 : i32
      %dma_start3A_382 = tpu.memref_slice %arg2[%add3A, %dma_start3A_380, %dma_start3A_381] : memref<32x80x128xi32, #tpu.memory_space<hbm>> -> memref<1x80x128xi32, #tpu.memory_space<hbm>>
      %dma_start3A_383 = tpu.memref_squeeze %dma_start3A_382 : memref<1x80x128xi32, #tpu.memory_space<hbm>> -> memref<80x128xi32, #tpu.memory_space<hbm>>
      tpu.enqueue_dma source(%dma_start3A_383 : memref<80x128xi32, #tpu.memory_space<hbm>>) target(%arg9 : memref<80x128xi32, #tpu.memory_space<vmem>>) target_semaphore(%run_scoped3A : memref<!tpu.dma_semaphore, #tpu.memory_space<semaphore_mem>>)
      %dma_wait3A_384 = arith.constant 0 : i32
      %dma_wait3A_385 = arith.constant 0 : i32
      %dma_wait3A_386 = tpu.memref_slice %arg2[%add3A, %dma_wait3A_384, %dma_wait3A_385] : memref<32x80x128xi32, #tpu.memory_space<hbm>> -> memref<1x80x128xi32, #tpu.memory_space<hbm>>
      %dma_wait3A_387 = tpu.memref_squeeze %dma_wait3A_386 : memref<1x80x128xi32, #tpu.memory_space<hbm>> -> memref<80x128xi32, #tpu.memory_space<hbm>>
      %dma_wait3A_388 = arith.constant 0 : i32
      %dma_wait3A_389 = arith.constant 0 : i32
      %dma_wait3A_390 = tpu.memref_slice %arg2[%add3A, %dma_wait3A_388, %dma_wait3A_389] : memref<32x80x128xi32, #tpu.memory_space<hbm>> -> memref<1x80x128xi32, #tpu.memory_space<hbm>>
      %dma_wait3A_391 = tpu.memref_squeeze %dma_wait3A_390 : memref<1x80x128xi32, #tpu.memory_space<hbm>> -> memref<80x128xi32, #tpu.memory_space<hbm>>
      tpu.wait_dma2 semaphore(%run_scoped3A : memref<!tpu.dma_semaphore, #tpu.memory_space<semaphore_mem>>) src(%dma_wait3A_391 : memref<80x128xi32, #tpu.memory_space<hbm>>) dst(%arg9 : memref<80x128xi32, #tpu.memory_space<vmem>>)
      tpu.yield
    }) : () -> ()
    "tpu.region"() ({
      %run_scoped3A = tpu.sem_alloc : memref<!tpu.dma_semaphore, #tpu.memory_space<semaphore_mem>>
      %dma_start3A_376 = arith.constant 0 : i32
      %dma_start3A_377 = arith.constant 0 : i32
      %dma_start3A_378 = tpu.memref_slice %arg3[%add3A, %dma_start3A_376, %dma_start3A_377] : memref<32x80x128xi32, #tpu.memory_space<hbm>> -> memref<1x80x128xi32, #tpu.memory_space<hbm>>
      %dma_start3A_379 = tpu.memref_squeeze %dma_start3A_378 : memref<1x80x128xi32, #tpu.memory_space<hbm>> -> memref<80x128xi32, #tpu.memory_space<hbm>>
      %dma_start3A_380 = arith.constant 0 : i32
      %dma_start3A_381 = arith.constant 0 : i32
      %dma_start3A_382 = tpu.memref_slice %arg3[%add3A, %dma_start3A_380, %dma_start3A_381] : memref<32x80x128xi32, #tpu.memory_space<hbm>> -> memref<1x80x128xi32, #tpu.memory_space<hbm>>
      %dma_start3A_383 = tpu.memref_squeeze %dma_start3A_382 : memref<1x80x128xi32, #tpu.memory_space<hbm>> -> memref<80x128xi32, #tpu.memory_space<hbm>>
      tpu.enqueue_dma source(%dma_start3A_383 : memref<80x128xi32, #tpu.memory_space<hbm>>) target(%arg10 : memref<80x128xi32, #tpu.memory_space<vmem>>) target_semaphore(%run_scoped3A : memref<!tpu.dma_semaphore, #tpu.memory_space<semaphore_mem>>)
      %dma_wait3A_384 = arith.constant 0 : i32
      %dma_wait3A_385 = arith.constant 0 : i32
      %dma_wait3A_386 = tpu.memref_slice %arg3[%add3A, %dma_wait3A_384, %dma_wait3A_385] : memref<32x80x128xi32, #tpu.memory_space<hbm>> -> memref<1x80x128xi32, #tpu.memory_space<hbm>>
      %dma_wait3A_387 = tpu.memref_squeeze %dma_wait3A_386 : memref<1x80x128xi32, #tpu.memory_space<hbm>> -> memref<80x128xi32, #tpu.memory_space<hbm>>
      %dma_wait3A_388 = arith.constant 0 : i32
      %dma_wait3A_389 = arith.constant 0 : i32
      %dma_wait3A_390 = tpu.memref_slice %arg3[%add3A, %dma_wait3A_388, %dma_wait3A_389] : memref<32x80x128xi32, #tpu.memory_space<hbm>> -> memref<1x80x128xi32, #tpu.memory_space<hbm>>
      %dma_wait3A_391 = tpu.memref_squeeze %dma_wait3A_390 : memref<1x80x128xi32, #tpu.memory_space<hbm>> -> memref<80x128xi32, #tpu.memory_space<hbm>>
      tpu.wait_dma2 semaphore(%run_scoped3A : memref<!tpu.dma_semaphore, #tpu.memory_space<semaphore_mem>>) src(%dma_wait3A_391 : memref<80x128xi32, #tpu.memory_space<hbm>>) dst(%arg10 : memref<80x128xi32, #tpu.memory_space<vmem>>)
      tpu.yield
    }) : () -> ()
    %broadcast_in_dim3A = arith.constant 1.000000e+00 : f32
    %broadcast_in_dim3A_3 = vector.broadcast %broadcast_in_dim3A : f32 to vector<16xf32>
    %swap3A = arith.constant 0 : index
    %swap3A_4 = tpu.vector_load %arg19[%swap3A] {strides = array<i32>} : memref<128xf32, #tpu.memory_space<vmem>>, vector<16xf32>,
    %swap3A_5 = vector.shape_cast %swap3A_4 : vector<16xf32> to vector<16xf32>
    %swap3A_6 = vector.shape_cast %broadcast_in_dim3A_3 : vector<16xf32> to vector<16xf32>
    tpu.vector_store %arg19[%swap3A], %swap3A_6 {strides = array<i32>} : memref<128xf32, #tpu.memory_space<vmem>>, vector<16xf32>,
    %broadcast_in_dim3A_7 = arith.constant 1.000000e+00 : f32
    %broadcast_in_dim3A_8 = vector.broadcast %broadcast_in_dim3A_7 : f32 to vector<16xf32>
    %swap3A_9 = arith.constant 16 : index
    %swap3A_10 = tpu.vector_load %arg19[%swap3A_9] {strides = array<i32>} : memref<128xf32, #tpu.memory_space<vmem>>, vector<16xf32>,
    %swap3A_11 = vector.shape_cast %swap3A_10 : vector<16xf32> to vector<16xf32>
    %swap3A_12 = vector.shape_cast %broadcast_in_dim3A_8 : vector<16xf32> to vector<16xf32>
    tpu.vector_store %arg19[%swap3A_9], %swap3A_12 {strides = array<i32>} : memref<128xf32, #tpu.memory_space<vmem>>, vector<16xf32>,
    %broadcast_in_dim3A_13 = arith.constant 1.000000e+00 : f32
    %broadcast_in_dim3A_14 = vector.broadcast %broadcast_in_dim3A_13 : f32 to vector<16xf32>
    %swap3A_15 = arith.constant 32 : index
    %swap3A_16 = tpu.vector_load %arg19[%swap3A_15] {strides = array<i32>} : memref<128xf32, #tpu.memory_space<vmem>>, vector<16xf32>,
    %swap3A_17 = vector.shape_cast %swap3A_16 : vector<16xf32> to vector<16xf32>
    %swap3A_18 = vector.shape_cast %broadcast_in_dim3A_14 : vector<16xf32> to vector<16xf32>
    tpu.vector_store %arg19[%swap3A_15], %swap3A_18 {strides = array<i32>} : memref<128xf32, #tpu.memory_space<vmem>>, vector<16xf32>,
    %broadcast_in_dim3A_19 = arith.constant 1.000000e+00 : f32
    %broadcast_in_dim3A_20 = vector.broadcast %broadcast_in_dim3A_19 : f32 to vector<16xf32>
    %swap3A_21 = arith.constant 48 : index
    %swap3A_22 = tpu.vector_load %arg19[%swap3A_21] {strides = array<i32>} : memref<128xf32, #tpu.memory_space<vmem>>, vector<16xf32>,
    %swap3A_23 = vector.shape_cast %swap3A_22 : vector<16xf32> to vector<16xf32>
    %swap3A_24 = vector.shape_cast %broadcast_in_dim3A_20 : vector<16xf32> to vector<16xf32>
    tpu.vector_store %arg19[%swap3A_21], %swap3A_24 {strides = array<i32>} : memref<128xf32, #tpu.memory_space<vmem>>, vector<16xf32>,
    %broadcast_in_dim3A_25 = arith.constant 1.000000e+00 : f32
    %broadcast_in_dim3A_26 = vector.broadcast %broadcast_in_dim3A_25 : f32 to vector<16xf32>
    %swap3A_27 = arith.constant 64 : index
    %swap3A_28 = tpu.vector_load %arg19[%swap3A_27] {strides = array<i32>} : memref<128xf32, #tpu.memory_space<vmem>>, vector<16xf32>,
    %swap3A_29 = vector.shape_cast %swap3A_28 : vector<16xf32> to vector<16xf32>
    %swap3A_30 = vector.shape_cast %broadcast_in_dim3A_26 : vector<16xf32> to vector<16xf32>
    tpu.vector_store %arg19[%swap3A_27], %swap3A_30 {strides = array<i32>} : memref<128xf32, #tpu.memory_space<vmem>>, vector<16xf32>,
    %broadcast_in_dim3A_31 = arith.constant 1.000000e+00 : f32
    %broadcast_in_dim3A_32 = vector.broadcast %broadcast_in_dim3A_31 : f32 to vector<16xf32>
    %swap3A_33 = arith.constant 80 : index
    %swap3A_34 = tpu.vector_load %arg19[%swap3A_33] {strides = array<i32>} : memref<128xf32, #tpu.memory_space<vmem>>, vector<16xf32>,
    %swap3A_35 = vector.shape_cast %swap3A_34 : vector<16xf32> to vector<16xf32>
    %swap3A_36 = vector.shape_cast %broadcast_in_dim3A_32 : vector<16xf32> to vector<16xf32>
    tpu.vector_store %arg19[%swap3A_33], %swap3A_36 {strides = array<i32>} : memref<128xf32, #tpu.memory_space<vmem>>, vector<16xf32>,
    %broadcast_in_dim3A_37 = arith.constant 1.000000e+00 : f32
    %broadcast_in_dim3A_38 = vector.broadcast %broadcast_in_dim3A_37 : f32 to vector<16xf32>
    %swap3A_39 = arith.constant 96 : index
    %swap3A_40 = tpu.vector_load %arg19[%swap3A_39] {strides = array<i32>} : memref<128xf32, #tpu.memory_space<vmem>>, vector<16xf32>,
    %swap3A_41 = vector.shape_cast %swap3A_40 : vector<16xf32> to vector<16xf32>
    %swap3A_42 = vector.shape_cast %broadcast_in_dim3A_38 : vector<16xf32> to vector<16xf32>
    tpu.vector_store %arg19[%swap3A_39], %swap3A_42 {strides = array<i32>} : memref<128xf32, #tpu.memory_space<vmem>>, vector<16xf32>,
    %broadcast_in_dim3A_43 = arith.constant 1.000000e+00 : f32
    %broadcast_in_dim3A_44 = vector.broadcast %broadcast_in_dim3A_43 : f32 to vector<16xf32>
    %swap3A_45 = arith.constant 112 : index
    %swap3A_46 = tpu.vector_load %arg19[%swap3A_45] {strides = array<i32>} : memref<128xf32, #tpu.memory_space<vmem>>, vector<16xf32>,
    %swap3A_47 = vector.shape_cast %swap3A_46 : vector<16xf32> to vector<16xf32>
    %swap3A_48 = vector.shape_cast %broadcast_in_dim3A_44 : vector<16xf32> to vector<16xf32>
    tpu.vector_store %arg19[%swap3A_45], %swap3A_48 {strides = array<i32>} : memref<128xf32, #tpu.memory_space<vmem>>, vector<16xf32>,
    "tpu.region"() ({
      %run_scoped3A = tpu.sem_alloc : memref<!tpu.dma_semaphore, #tpu.memory_space<semaphore_mem>>
      %dma_start3A_376 = arith.constant 0 : i32
      %dma_start3A_377 = tpu.memref_slice %arg20[%mul3A_2, %dma_start3A_376] : memref<10240x64xf32, #tpu.memory_space<vmem_shared>> -> memref<640x64xf32, #tpu.memory_space<vmem_shared>>
      %dma_start3A_378 = arith.constant 0 : i32
      %dma_start3A_379 = tpu.memref_slice %arg5[%mul3A_2, %dma_start3A_378] : memref<10240x64xf32, #tpu.memory_space<hbm>> -> memref<640x64xf32, #tpu.memory_space<hbm>>
      tpu.enqueue_dma source(%dma_start3A_379 : memref<640x64xf32, #tpu.memory_space<hbm>>) target(%dma_start3A_377 : memref<640x64xf32, #tpu.memory_space<vmem_shared>>) target_semaphore(%run_scoped3A : memref<!tpu.dma_semaphore, #tpu.memory_space<semaphore_mem>>)
      %dma_wait3A_380 = arith.constant 0 : i32
      %dma_wait3A_381 = tpu.memref_slice %arg20[%mul3A_2, %dma_wait3A_380] : memref<10240x64xf32, #tpu.memory_space<vmem_shared>> -> memref<640x64xf32, #tpu.memory_space<vmem_shared>>
      %dma_wait3A_382 = arith.constant 0 : i32
      %dma_wait3A_383 = tpu.memref_slice %arg5[%mul3A_2, %dma_wait3A_382] : memref<10240x64xf32, #tpu.memory_space<hbm>> -> memref<640x64xf32, #tpu.memory_space<hbm>>
      tpu.wait_dma2 semaphore(%run_scoped3A : memref<!tpu.dma_semaphore, #tpu.memory_space<semaphore_mem>>) src(%dma_wait3A_383 : memref<640x64xf32, #tpu.memory_space<hbm>>) dst(%dma_wait3A_381 : memref<640x64xf32, #tpu.memory_space<vmem_shared>>)
      tpu.yield
    }) : () -> ()
    "tpu.region"() ({
      %run_scoped3A = tpu.sem_alloc : memref<!tpu.dma_semaphore, #tpu.memory_space<semaphore_mem>>
      %dma_start3A_376 = tpu.memref_slice %arg21[%mul3A_2] : memref<10240xf32, #tpu.memory_space<vmem_shared>> -> memref<640xf32, #tpu.memory_space<vmem_shared>>
      %dma_start3A_377 = tpu.memref_slice %arg6[%mul3A_2] : memref<10240xf32, #tpu.memory_space<hbm>> -> memref<640xf32, #tpu.memory_space<hbm>>
      tpu.enqueue_dma source(%dma_start3A_377 : memref<640xf32, #tpu.memory_space<hbm>>) target(%dma_start3A_376 : memref<640xf32, #tpu.memory_space<vmem_shared>>) target_semaphore(%run_scoped3A : memref<!tpu.dma_semaphore, #tpu.memory_space<semaphore_mem>>)
      %dma_wait3A_378 = tpu.memref_slice %arg21[%mul3A_2] : memref<10240xf32, #tpu.memory_space<vmem_shared>> -> memref<640xf32, #tpu.memory_space<vmem_shared>>
      %dma_wait3A_379 = tpu.memref_slice %arg6[%mul3A_2] : memref<10240xf32, #tpu.memory_space<hbm>> -> memref<640xf32, #tpu.memory_space<hbm>>
      tpu.wait_dma2 semaphore(%run_scoped3A : memref<!tpu.dma_semaphore, #tpu.memory_space<semaphore_mem>>) src(%dma_wait3A_379 : memref<640xf32, #tpu.memory_space<hbm>>) dst(%dma_wait3A_378 : memref<640xf32, #tpu.memory_space<vmem_shared>>)
      tpu.yield
    }) : () -> ()
    %barrier3A = arith.constant 0 : index
    tpu.barrier barrier_id(%barrier3A)
    %dma_start3A = arith.constant 0 : i32
    %dma_start3A_49 = arith.constant 0 : i32
    %dma_start3A_50 = tpu.memref_slice %arg9[%dma_start3A, %dma_start3A_49] : memref<80x128xi32, #tpu.memory_space<vmem>> -> memref<1x128xi32, #tpu.memory_space<vmem>>
    %dma_start3A_51 = tpu.memref_squeeze %dma_start3A_50 : memref<1x128xi32, #tpu.memory_space<vmem>> -> memref<128xi32, #tpu.memory_space<vmem>>
    %dma_start3A_52 = arith.constant 0 : i32
    %dma_start3A_53 = arith.constant 0 : i32
    %dma_start3A_54 = tpu.memref_slice %arg4[%dma_start3A_52, %dma_start3A_53] : memref<10000x64xf32, #tpu.memory_space<hbm>> -> memref<10000x64xf32, #tpu.memory_space<hbm>>
    tpu.enqueue_indirect_dma source(%dma_start3A_54 : memref<10000x64xf32, #tpu.memory_space<hbm>>) target(%arg11 : memref<128x64xf32, #tpu.memory_space<vmem>>) offsets(%dma_start3A_51 : memref<128xi32, #tpu.memory_space<vmem>>) semaphore(%arg22 : memref<!tpu.dma_semaphore, #tpu.memory_space<semaphore_mem>>)
    %dma_start3A_55 = arith.constant 1 : i32
    %dma_start3A_56 = arith.constant 0 : i32
    %dma_start3A_57 = tpu.memref_slice %arg9[%dma_start3A_55, %dma_start3A_56] : memref<80x128xi32, #tpu.memory_space<vmem>> -> memref<1x128xi32, #tpu.memory_space<vmem>>
    %dma_start3A_58 = tpu.memref_squeeze %dma_start3A_57 : memref<1x128xi32, #tpu.memory_space<vmem>> -> memref<128xi32, #tpu.memory_space<vmem>>
    %dma_start3A_59 = arith.constant 0 : i32
    %dma_start3A_60 = arith.constant 0 : i32
    %dma_start3A_61 = tpu.memref_slice %arg4[%dma_start3A_59, %dma_start3A_60] : memref<10000x64xf32, #tpu.memory_space<hbm>> -> memref<10000x64xf32, #tpu.memory_space<hbm>>
    tpu.enqueue_indirect_dma source(%dma_start3A_61 : memref<10000x64xf32, #tpu.memory_space<hbm>>) target(%arg12 : memref<128x64xf32, #tpu.memory_space<vmem>>) offsets(%dma_start3A_58 : memref<128xi32, #tpu.memory_space<vmem>>) semaphore(%arg23 : memref<!tpu.dma_semaphore, #tpu.memory_space<semaphore_mem>>)
    %dma_start3A_62 = arith.constant 2 : i32
    %dma_start3A_63 = arith.constant 0 : i32
    %dma_start3A_64 = tpu.memref_slice %arg9[%dma_start3A_62, %dma_start3A_63] : memref<80x128xi32, #tpu.memory_space<vmem>> -> memref<1x128xi32, #tpu.memory_space<vmem>>
    %dma_start3A_65 = tpu.memref_squeeze %dma_start3A_64 : memref<1x128xi32, #tpu.memory_space<vmem>> -> memref<128xi32, #tpu.memory_space<vmem>>
    %dma_start3A_66 = arith.constant 0 : i32
    %dma_start3A_67 = arith.constant 0 : i32
    %dma_start3A_68 = tpu.memref_slice %arg4[%dma_start3A_66, %dma_start3A_67] : memref<10000x64xf32, #tpu.memory_space<hbm>> -> memref<10000x64xf32, #tpu.memory_space<hbm>>
    tpu.enqueue_indirect_dma source(%dma_start3A_68 : memref<10000x64xf32, #tpu.memory_space<hbm>>) target(%arg13 : memref<128x64xf32, #tpu.memory_space<vmem>>) offsets(%dma_start3A_65 : memref<128xi32, #tpu.memory_space<vmem>>) semaphore(%arg24 : memref<!tpu.dma_semaphore, #tpu.memory_space<semaphore_mem>>)
    %dma_start3A_69 = arith.constant 3 : i32
    %dma_start3A_70 = arith.constant 0 : i32
    %dma_start3A_71 = tpu.memref_slice %arg9[%dma_start3A_69, %dma_start3A_70] : memref<80x128xi32, #tpu.memory_space<vmem>> -> memref<1x128xi32, #tpu.memory_space<vmem>>
    %dma_start3A_72 = tpu.memref_squeeze %dma_start3A_71 : memref<1x128xi32, #tpu.memory_space<vmem>> -> memref<128xi32, #tpu.memory_space<vmem>>
    %dma_start3A_73 = arith.constant 0 : i32
    %dma_start3A_74 = arith.constant 0 : i32
    %dma_start3A_75 = tpu.memref_slice %arg4[%dma_start3A_73, %dma_start3A_74] : memref<10000x64xf32, #tpu.memory_space<hbm>> -> memref<10000x64xf32, #tpu.memory_space<hbm>>
    tpu.enqueue_indirect_dma source(%dma_start3A_75 : memref<10000x64xf32, #tpu.memory_space<hbm>>) target(%arg14 : memref<128x64xf32, #tpu.memory_space<vmem>>) offsets(%dma_start3A_72 : memref<128xi32, #tpu.memory_space<vmem>>) semaphore(%arg25 : memref<!tpu.dma_semaphore, #tpu.memory_space<semaphore_mem>>)
    %dma_start3A_76 = arith.constant 4 : i32
    %dma_start3A_77 = arith.constant 0 : i32
    %dma_start3A_78 = tpu.memref_slice %arg9[%dma_start3A_76, %dma_start3A_77] : memref<80x128xi32, #tpu.memory_space<vmem>> -> memref<1x128xi32, #tpu.memory_space<vmem>>
    %dma_start3A_79 = tpu.memref_squeeze %dma_start3A_78 : memref<1x128xi32, #tpu.memory_space<vmem>> -> memref<128xi32, #tpu.memory_space<vmem>>
    %dma_start3A_80 = arith.constant 0 : i32
    %dma_start3A_81 = arith.constant 0 : i32
    %dma_start3A_82 = tpu.memref_slice %arg4[%dma_start3A_80, %dma_start3A_81] : memref<10000x64xf32, #tpu.memory_space<hbm>> -> memref<10000x64xf32, #tpu.memory_space<hbm>>
    tpu.enqueue_indirect_dma source(%dma_start3A_82 : memref<10000x64xf32, #tpu.memory_space<hbm>>) target(%arg15 : memref<128x64xf32, #tpu.memory_space<vmem>>) offsets(%dma_start3A_79 : memref<128xi32, #tpu.memory_space<vmem>>) semaphore(%arg26 : memref<!tpu.dma_semaphore, #tpu.memory_space<semaphore_mem>>)
    %dma_start3A_83 = arith.constant 5 : i32
    %dma_start3A_84 = arith.constant 0 : i32
    %dma_start3A_85 = tpu.memref_slice %arg9[%dma_start3A_83, %dma_start3A_84] : memref<80x128xi32, #tpu.memory_space<vmem>> -> memref<1x128xi32, #tpu.memory_space<vmem>>
    %dma_start3A_86 = tpu.memref_squeeze %dma_start3A_85 : memref<1x128xi32, #tpu.memory_space<vmem>> -> memref<128xi32, #tpu.memory_space<vmem>>
    %dma_start3A_87 = arith.constant 0 : i32
    %dma_start3A_88 = arith.constant 0 : i32
    %dma_start3A_89 = tpu.memref_slice %arg4[%dma_start3A_87, %dma_start3A_88] : memref<10000x64xf32, #tpu.memory_space<hbm>> -> memref<10000x64xf32, #tpu.memory_space<hbm>>
    tpu.enqueue_indirect_dma source(%dma_start3A_89 : memref<10000x64xf32, #tpu.memory_space<hbm>>) target(%arg16 : memref<128x64xf32, #tpu.memory_space<vmem>>) offsets(%dma_start3A_86 : memref<128xi32, #tpu.memory_space<vmem>>) semaphore(%arg27 : memref<!tpu.dma_semaphore, #tpu.memory_space<semaphore_mem>>)
    %dma_wait3A = arith.constant 0 : i32
    %dma_wait3A_90 = arith.constant 0 : i32
    %dma_wait3A_91 = tpu.memref_slice %arg9[%dma_wait3A, %dma_wait3A_90] : memref<80x128xi32, #tpu.memory_space<vmem>> -> memref<1x128xi32, #tpu.memory_space<vmem>>
    %dma_wait3A_92 = tpu.memref_squeeze %dma_wait3A_91 : memref<1x128xi32, #tpu.memory_space<vmem>> -> memref<128xi32, #tpu.memory_space<vmem>>
    %dma_wait3A_93 = arith.constant 0 : i32
    %dma_wait3A_94 = arith.constant 0 : i32
    %dma_wait3A_95 = tpu.memref_slice %arg4[%dma_wait3A_93, %dma_wait3A_94] : memref<10000x64xf32, #tpu.memory_space<hbm>> -> memref<10000x64xf32, #tpu.memory_space<hbm>>
    tpu.wait_indirect_dma semaphore(%arg22 : memref<!tpu.dma_semaphore, #tpu.memory_space<semaphore_mem>>) src(%dma_wait3A_95 : memref<10000x64xf32, #tpu.memory_space<hbm>>) dst(%arg11 : memref<128x64xf32, #tpu.memory_space<vmem>>)
    %dma_start3A_96 = arith.constant 0 : i32
    %dma_start3A_97 = arith.constant 0 : i32
    %dma_start3A_98 = tpu.memref_slice %arg10[%dma_start3A_96, %dma_start3A_97] : memref<80x128xi32, #tpu.memory_space<vmem>> -> memref<1x128xi32, #tpu.memory_space<vmem>>
    %dma_start3A_99 = tpu.memref_squeeze %dma_start3A_98 : memref<1x128xi32, #tpu.memory_space<vmem>> -> memref<128xi32, #tpu.memory_space<vmem>>
    %dma_start3A_100 = arith.constant 0 : i32
    %dma_start3A_101 = arith.constant 0 : i32
    %dma_start3A_102 = tpu.memref_slice %arg20[%dma_start3A_100, %dma_start3A_101] : memref<10240x64xf32, #tpu.memory_space<vmem_shared>> -> memref<10240x64xf32, #tpu.memory_space<vmem_shared>>
    tpu.enqueue_indirect_dma source(%arg11 : memref<128x64xf32, #tpu.memory_space<vmem>>) target(%dma_start3A_102 : memref<10240x64xf32, #tpu.memory_space<vmem_shared>>) offsets(%dma_start3A_99 : memref<128xi32, #tpu.memory_space<vmem>>) semaphore(%arg30 : memref<!tpu.dma_semaphore, #tpu.memory_space<semaphore_mem>>) {add = true}
    %dma_start3A_103 = arith.constant 0 : i32
    %dma_start3A_104 = arith.constant 0 : i32
    %dma_start3A_105 = tpu.memref_slice %arg10[%dma_start3A_103, %dma_start3A_104] : memref<80x128xi32, #tpu.memory_space<vmem>> -> memref<1x128xi32, #tpu.memory_space<vmem>>
    %dma_start3A_106 = tpu.memref_squeeze %dma_start3A_105 : memref<1x128xi32, #tpu.memory_space<vmem>> -> memref<128xi32, #tpu.memory_space<vmem>>
    %dma_start3A_107 = arith.constant 0 : i32
    %dma_start3A_108 = tpu.memref_slice %arg21[%dma_start3A_107] : memref<10240xf32, #tpu.memory_space<vmem_shared>> -> memref<10240xf32, #tpu.memory_space<vmem_shared>>
    tpu.enqueue_indirect_dma source(%arg19 : memref<128xf32, #tpu.memory_space<vmem>>) target(%dma_start3A_108 : memref<10240xf32, #tpu.memory_space<vmem_shared>>) offsets(%dma_start3A_106 : memref<128xi32, #tpu.memory_space<vmem>>) semaphore(%arg38 : memref<!tpu.dma_semaphore, #tpu.memory_space<semaphore_mem>>) {add = true}
    %dma_start3A_109 = arith.constant 6 : i32
    %dma_start3A_110 = arith.constant 0 : i32
    %dma_start3A_111 = tpu.memref_slice %arg9[%dma_start3A_109, %dma_start3A_110] : memref<80x128xi32, #tpu.memory_space<vmem>> -> memref<1x128xi32, #tpu.memory_space<vmem>>
    %dma_start3A_112 = tpu.memref_squeeze %dma_start3A_111 : memref<1x128xi32, #tpu.memory_space<vmem>> -> memref<128xi32, #tpu.memory_space<vmem>>
    %dma_start3A_113 = arith.constant 0 : i32
    %dma_start3A_114 = arith.constant 0 : i32
    %dma_start3A_115 = tpu.memref_slice %arg4[%dma_start3A_113, %dma_start3A_114] : memref<10000x64xf32, #tpu.memory_space<hbm>> -> memref<10000x64xf32, #tpu.memory_space<hbm>>
    tpu.enqueue_indirect_dma source(%dma_start3A_115 : memref<10000x64xf32, #tpu.memory_space<hbm>>) target(%arg17 : memref<128x64xf32, #tpu.memory_space<vmem>>) offsets(%dma_start3A_112 : memref<128xi32, #tpu.memory_space<vmem>>) semaphore(%arg28 : memref<!tpu.dma_semaphore, #tpu.memory_space<semaphore_mem>>)
    %dma_wait3A_116 = arith.constant 0 : i32
    %dma_wait3A_117 = arith.constant 0 : i32
    %dma_wait3A_118 = tpu.memref_slice %arg9[%dma_wait3A_116, %dma_wait3A_117] : memref<80x128xi32, #tpu.memory_space<vmem>> -> memref<1x128xi32, #tpu.memory_space<vmem>>
    %dma_wait3A_119 = tpu.memref_squeeze %dma_wait3A_118 : memref<1x128xi32, #tpu.memory_space<vmem>> -> memref<128xi32, #tpu.memory_space<vmem>>
    %dma_wait3A_120 = arith.constant 0 : i32
    %dma_wait3A_121 = arith.constant 0 : i32
    %dma_wait3A_122 = tpu.memref_slice %arg4[%dma_wait3A_120, %dma_wait3A_121] : memref<10000x64xf32, #tpu.memory_space<hbm>> -> memref<10000x64xf32, #tpu.memory_space<hbm>>
    tpu.wait_indirect_dma semaphore(%arg23 : memref<!tpu.dma_semaphore, #tpu.memory_space<semaphore_mem>>) src(%dma_wait3A_122 : memref<10000x64xf32, #tpu.memory_space<hbm>>) dst(%arg12 : memref<128x64xf32, #tpu.memory_space<vmem>>)
    %dma_start3A_123 = arith.constant 1 : i32
    %dma_start3A_124 = arith.constant 0 : i32
    %dma_start3A_125 = tpu.memref_slice %arg10[%dma_start3A_123, %dma_start3A_124] : memref<80x128xi32, #tpu.memory_space<vmem>> -> memref<1x128xi32, #tpu.memory_space<vmem>>
    %dma_start3A_126 = tpu.memref_squeeze %dma_start3A_125 : memref<1x128xi32, #tpu.memory_space<vmem>> -> memref<128xi32, #tpu.memory_space<vmem>>
    %dma_start3A_127 = arith.constant 0 : i32
    %dma_start3A_128 = arith.constant 0 : i32
    %dma_start3A_129 = tpu.memref_slice %arg20[%dma_start3A_127, %dma_start3A_128] : memref<10240x64xf32, #tpu.memory_space<vmem_shared>> -> memref<10240x64xf32, #tpu.memory_space<vmem_shared>>
    tpu.enqueue_indirect_dma source(%arg12 : memref<128x64xf32, #tpu.memory_space<vmem>>) target(%dma_start3A_129 : memref<10240x64xf32, #tpu.memory_space<vmem_shared>>) offsets(%dma_start3A_126 : memref<128xi32, #tpu.memory_space<vmem>>) semaphore(%arg31 : memref<!tpu.dma_semaphore, #tpu.memory_space<semaphore_mem>>) {add = true}
    %dma_start3A_130 = arith.constant 1 : i32
    %dma_start3A_131 = arith.constant 0 : i32
    %dma_start3A_132 = tpu.memref_slice %arg10[%dma_start3A_130, %dma_start3A_131] : memref<80x128xi32, #tpu.memory_space<vmem>> -> memref<1x128xi32, #tpu.memory_space<vmem>>
    %dma_start3A_133 = tpu.memref_squeeze %dma_start3A_132 : memref<1x128xi32, #tpu.memory_space<vmem>> -> memref<128xi32, #tpu.memory_space<vmem>>
    %dma_start3A_134 = arith.constant 0 : i32
    %dma_start3A_135 = tpu.memref_slice %arg21[%dma_start3A_134] : memref<10240xf32, #tpu.memory_space<vmem_shared>> -> memref<10240xf32, #tpu.memory_space<vmem_shared>>
    tpu.enqueue_indirect_dma source(%arg19 : memref<128xf32, #tpu.memory_space<vmem>>) target(%dma_start3A_135 : memref<10240xf32, #tpu.memory_space<vmem_shared>>) offsets(%dma_start3A_133 : memref<128xi32, #tpu.memory_space<vmem>>) semaphore(%arg38 : memref<!tpu.dma_semaphore, #tpu.memory_space<semaphore_mem>>) {add = true}
    %dma_start3A_136 = arith.constant 7 : i32
    %dma_start3A_137 = arith.constant 0 : i32
    %dma_start3A_138 = tpu.memref_slice %arg9[%dma_start3A_136, %dma_start3A_137] : memref<80x128xi32, #tpu.memory_space<vmem>> -> memref<1x128xi32, #tpu.memory_space<vmem>>
    %dma_start3A_139 = tpu.memref_squeeze %dma_start3A_138 : memref<1x128xi32, #tpu.memory_space<vmem>> -> memref<128xi32, #tpu.memory_space<vmem>>
    %dma_start3A_140 = arith.constant 0 : i32
    %dma_start3A_141 = arith.constant 0 : i32
    %dma_start3A_142 = tpu.memref_slice %arg4[%dma_start3A_140, %dma_start3A_141] : memref<10000x64xf32, #tpu.memory_space<hbm>> -> memref<10000x64xf32, #tpu.memory_space<hbm>>
    tpu.enqueue_indirect_dma source(%dma_start3A_142 : memref<10000x64xf32, #tpu.memory_space<hbm>>) target(%arg18 : memref<128x64xf32, #tpu.memory_space<vmem>>) offsets(%dma_start3A_139 : memref<128xi32, #tpu.memory_space<vmem>>) semaphore(%arg29 : memref<!tpu.dma_semaphore, #tpu.memory_space<semaphore_mem>>)
    %scan3A = arith.constant 0 : i32
    %scan3A_143 = arith.constant 0 : i32
    %scan3A_144 = arith.constant 9 : i32
    %scan3A_145 = arith.addi %scan3A_143, %scan3A_144 : i32
    %scan3A_146 = arith.constant 1 : i32
    scf.for %scan3A_376 = %scan3A_143 to %scan3A_145 step %scan3A_146  : i32 {
      %mul3A_377 = arith.constant 8 : i32
      %mul3A_378 = arith.muli %scan3A_376, %mul3A_377 : i32
      %add3A_379 = arith.constant 2 : i32
      %add3A_380 = arith.addi %add3A_379, %mul3A_378 : i32
      %add3A_381 = arith.constant 0 : i32
      %add3A_382 = arith.addi %add3A_380, %add3A_381 : i32
      %dma_wait3A_383 = arith.constant 0 : i32
      %dma_wait3A_384 = arith.constant 0 : i32
      %dma_wait3A_385 = tpu.memref_slice %arg9[%dma_wait3A_383, %dma_wait3A_384] : memref<80x128xi32, #tpu.memory_space<vmem>> -> memref<1x128xi32, #tpu.memory_space<vmem>>
      %dma_wait3A_386 = tpu.memref_squeeze %dma_wait3A_385 : memref<1x128xi32, #tpu.memory_space<vmem>> -> memref<128xi32, #tpu.memory_space<vmem>>
      %dma_wait3A_387 = arith.constant 0 : i32
      %dma_wait3A_388 = arith.constant 0 : i32
      %dma_wait3A_389 = tpu.memref_slice %arg4[%dma_wait3A_387, %dma_wait3A_388] : memref<10000x64xf32, #tpu.memory_space<hbm>> -> memref<10000x64xf32, #tpu.memory_space<hbm>>
      tpu.wait_indirect_dma semaphore(%arg24 : memref<!tpu.dma_semaphore, #tpu.memory_space<semaphore_mem>>) src(%dma_wait3A_389 : memref<10000x64xf32, #tpu.memory_space<hbm>>) dst(%arg13 : memref<128x64xf32, #tpu.memory_space<vmem>>)
      %dma_start3A_390 = arith.constant 0 : i32
      %dma_start3A_391 = tpu.memref_slice %arg10[%add3A_382, %dma_start3A_390] : memref<80x128xi32, #tpu.memory_space<vmem>> -> memref<1x128xi32, #tpu.memory_space<vmem>>
      %dma_start3A_392 = tpu.memref_squeeze %dma_start3A_391 : memref<1x128xi32, #tpu.memory_space<vmem>> -> memref<128xi32, #tpu.memory_space<vmem>>
      %dma_start3A_393 = arith.constant 0 : i32
      %dma_start3A_394 = arith.constant 0 : i32
      %dma_start3A_395 = tpu.memref_slice %arg20[%dma_start3A_393, %dma_start3A_394] : memref<10240x64xf32, #tpu.memory_space<vmem_shared>> -> memref<10240x64xf32, #tpu.memory_space<vmem_shared>>
      tpu.enqueue_indirect_dma source(%arg13 : memref<128x64xf32, #tpu.memory_space<vmem>>) target(%dma_start3A_395 : memref<10240x64xf32, #tpu.memory_space<vmem_shared>>) offsets(%dma_start3A_392 : memref<128xi32, #tpu.memory_space<vmem>>) semaphore(%arg32 : memref<!tpu.dma_semaphore, #tpu.memory_space<semaphore_mem>>) {add = true}
      %dma_start3A_396 = arith.constant 0 : i32
      %dma_start3A_397 = tpu.memref_slice %arg10[%add3A_382, %dma_start3A_396] : memref<80x128xi32, #tpu.memory_space<vmem>> -> memref<1x128xi32, #tpu.memory_space<vmem>>
      %dma_start3A_398 = tpu.memref_squeeze %dma_start3A_397 : memref<1x128xi32, #tpu.memory_space<vmem>> -> memref<128xi32, #tpu.memory_space<vmem>>
      %dma_start3A_399 = arith.constant 0 : i32
      %dma_start3A_400 = tpu.memref_slice %arg21[%dma_start3A_399] : memref<10240xf32, #tpu.memory_space<vmem_shared>> -> memref<10240xf32, #tpu.memory_space<vmem_shared>>
      tpu.enqueue_indirect_dma source(%arg19 : memref<128xf32, #tpu.memory_space<vmem>>) target(%dma_start3A_400 : memref<10240xf32, #tpu.memory_space<vmem_shared>>) offsets(%dma_start3A_398 : memref<128xi32, #tpu.memory_space<vmem>>) semaphore(%arg38 : memref<!tpu.dma_semaphore, #tpu.memory_space<semaphore_mem>>) {add = true}
      %dma_wait3A_401 = arith.constant 0 : i32
      %dma_wait3A_402 = arith.constant 0 : i32
      %dma_wait3A_403 = tpu.memref_slice %arg10[%dma_wait3A_401, %dma_wait3A_402] : memref<80x128xi32, #tpu.memory_space<vmem>> -> memref<1x128xi32, #tpu.memory_space<vmem>>
      %dma_wait3A_404 = tpu.memref_squeeze %dma_wait3A_403 : memref<1x128xi32, #tpu.memory_space<vmem>> -> memref<128xi32, #tpu.memory_space<vmem>>
      %dma_wait3A_405 = arith.constant 0 : i32
      %dma_wait3A_406 = tpu.memref_slice %arg21[%dma_wait3A_405] : memref<10240xf32, #tpu.memory_space<vmem_shared>> -> memref<10240xf32, #tpu.memory_space<vmem_shared>>
      tpu.wait_indirect_dma semaphore(%arg38 : memref<!tpu.dma_semaphore, #tpu.memory_space<semaphore_mem>>) src(%arg19 : memref<128xf32, #tpu.memory_space<vmem>>) dst(%dma_wait3A_406 : memref<10240xf32, #tpu.memory_space<vmem_shared>>)
      %dma_wait3A_407 = arith.constant 0 : i32
      %dma_wait3A_408 = arith.constant 0 : i32
      %dma_wait3A_409 = tpu.memref_slice %arg10[%dma_wait3A_407, %dma_wait3A_408] : memref<80x128xi32, #tpu.memory_space<vmem>> -> memref<1x128xi32, #tpu.memory_space<vmem>>
      %dma_wait3A_410 = tpu.memref_squeeze %dma_wait3A_409 : memref<1x128xi32, #tpu.memory_space<vmem>> -> memref<128xi32, #tpu.memory_space<vmem>>
      %dma_wait3A_411 = arith.constant 0 : i32
      %dma_wait3A_412 = arith.constant 0 : i32
      %dma_wait3A_413 = tpu.memref_slice %arg20[%dma_wait3A_411, %dma_wait3A_412] : memref<10240x64xf32, #tpu.memory_space<vmem_shared>> -> memref<10240x64xf32, #tpu.memory_space<vmem_shared>>
      tpu.wait_indirect_dma semaphore(%arg30 : memref<!tpu.dma_semaphore, #tpu.memory_space<semaphore_mem>>) src(%arg11 : memref<128x64xf32, #tpu.memory_space<vmem>>) dst(%dma_wait3A_413 : memref<10240x64xf32, #tpu.memory_space<vmem_shared>>)
      %add3A_414 = arith.constant 6 : i32
      %add3A_415 = arith.addi %add3A_382, %add3A_414 : i32
      %dma_start3A_416 = arith.constant 0 : i32
      %dma_start3A_417 = tpu.memref_slice %arg9[%add3A_415, %dma_start3A_416] : memref<80x128xi32, #tpu.memory_space<vmem>> -> memref<1x128xi32, #tpu.memory_space<vmem>>
      %dma_start3A_418 = tpu.memref_squeeze %dma_start3A_417 : memref<1x128xi32, #tpu.memory_space<vmem>> -> memref<128xi32, #tpu.memory_space<vmem>>
      %dma_start3A_419 = arith.constant 0 : i32
      %dma_start3A_420 = arith.constant 0 : i32
      %dma_start3A_421 = tpu.memref_slice %arg4[%dma_start3A_419, %dma_start3A_420] : memref<10000x64xf32, #tpu.memory_space<hbm>> -> memref<10000x64xf32, #tpu.memory_space<hbm>>
      tpu.enqueue_indirect_dma source(%dma_start3A_421 : memref<10000x64xf32, #tpu.memory_space<hbm>>) target(%arg11 : memref<128x64xf32, #tpu.memory_space<vmem>>) offsets(%dma_start3A_418 : memref<128xi32, #tpu.memory_space<vmem>>) semaphore(%arg22 : memref<!tpu.dma_semaphore, #tpu.memory_space<semaphore_mem>>)
      %add3A_422 = arith.constant 1 : i32
      %add3A_423 = arith.addi %add3A_380, %add3A_422 : i32
      %dma_wait3A_424 = arith.constant 0 : i32
      %dma_wait3A_425 = arith.constant 0 : i32
      %dma_wait3A_426 = tpu.memref_slice %arg9[%dma_wait3A_424, %dma_wait3A_425] : memref<80x128xi32, #tpu.memory_space<vmem>> -> memref<1x128xi32, #tpu.memory_space<vmem>>
      %dma_wait3A_427 = tpu.memref_squeeze %dma_wait3A_426 : memref<1x128xi32, #tpu.memory_space<vmem>> -> memref<128xi32, #tpu.memory_space<vmem>>
      %dma_wait3A_428 = arith.constant 0 : i32
      %dma_wait3A_429 = arith.constant 0 : i32
      %dma_wait3A_430 = tpu.memref_slice %arg4[%dma_wait3A_428, %dma_wait3A_429] : memref<10000x64xf32, #tpu.memory_space<hbm>> -> memref<10000x64xf32, #tpu.memory_space<hbm>>
      tpu.wait_indirect_dma semaphore(%arg25 : memref<!tpu.dma_semaphore, #tpu.memory_space<semaphore_mem>>) src(%dma_wait3A_430 : memref<10000x64xf32, #tpu.memory_space<hbm>>) dst(%arg14 : memref<128x64xf32, #tpu.memory_space<vmem>>)
      %dma_start3A_431 = arith.constant 0 : i32
      %dma_start3A_432 = tpu.memref_slice %arg10[%add3A_423, %dma_start3A_431] : memref<80x128xi32, #tpu.memory_space<vmem>> -> memref<1x128xi32, #tpu.memory_space<vmem>>
      %dma_start3A_433 = tpu.memref_squeeze %dma_start3A_432 : memref<1x128xi32, #tpu.memory_space<vmem>> -> memref<128xi32, #tpu.memory_space<vmem>>
      %dma_start3A_434 = arith.constant 0 : i32
      %dma_start3A_435 = arith.constant 0 : i32
      %dma_start3A_436 = tpu.memref_slice %arg20[%dma_start3A_434, %dma_start3A_435] : memref<10240x64xf32, #tpu.memory_space<vmem_shared>> -> memref<10240x64xf32, #tpu.memory_space<vmem_shared>>
      tpu.enqueue_indirect_dma source(%arg14 : memref<128x64xf32, #tpu.memory_space<vmem>>) target(%dma_start3A_436 : memref<10240x64xf32, #tpu.memory_space<vmem_shared>>) offsets(%dma_start3A_433 : memref<128xi32, #tpu.memory_space<vmem>>) semaphore(%arg33 : memref<!tpu.dma_semaphore, #tpu.memory_space<semaphore_mem>>) {add = true}
      %dma_start3A_437 = arith.constant 0 : i32
      %dma_start3A_438 = tpu.memref_slice %arg10[%add3A_423, %dma_start3A_437] : memref<80x128xi32, #tpu.memory_space<vmem>> -> memref<1x128xi32, #tpu.memory_space<vmem>>
      %dma_start3A_439 = tpu.memref_squeeze %dma_start3A_438 : memref<1x128xi32, #tpu.memory_space<vmem>> -> memref<128xi32, #tpu.memory_space<vmem>>
      %dma_start3A_440 = arith.constant 0 : i32
      %dma_start3A_441 = tpu.memref_slice %arg21[%dma_start3A_440] : memref<10240xf32, #tpu.memory_space<vmem_shared>> -> memref<10240xf32, #tpu.memory_space<vmem_shared>>
      tpu.enqueue_indirect_dma source(%arg19 : memref<128xf32, #tpu.memory_space<vmem>>) target(%dma_start3A_441 : memref<10240xf32, #tpu.memory_space<vmem_shared>>) offsets(%dma_start3A_439 : memref<128xi32, #tpu.memory_space<vmem>>) semaphore(%arg38 : memref<!tpu.dma_semaphore, #tpu.memory_space<semaphore_mem>>) {add = true}
      %dma_wait3A_442 = arith.constant 0 : i32
      %dma_wait3A_443 = arith.constant 0 : i32
      %dma_wait3A_444 = tpu.memref_slice %arg10[%dma_wait3A_442, %dma_wait3A_443] : memref<80x128xi32, #tpu.memory_space<vmem>> -> memref<1x128xi32, #tpu.memory_space<vmem>>
      %dma_wait3A_445 = tpu.memref_squeeze %dma_wait3A_444 : memref<1x128xi32, #tpu.memory_space<vmem>> -> memref<128xi32, #tpu.memory_space<vmem>>
      %dma_wait3A_446 = arith.constant 0 : i32
      %dma_wait3A_447 = tpu.memref_slice %arg21[%dma_wait3A_446] : memref<10240xf32, #tpu.memory_space<vmem_shared>> -> memref<10240xf32, #tpu.memory_space<vmem_shared>>
      tpu.wait_indirect_dma semaphore(%arg38 : memref<!tpu.dma_semaphore, #tpu.memory_space<semaphore_mem>>) src(%arg19 : memref<128xf32, #tpu.memory_space<vmem>>) dst(%dma_wait3A_447 : memref<10240xf32, #tpu.memory_space<vmem_shared>>)
      %dma_wait3A_448 = arith.constant 0 : i32
      %dma_wait3A_449 = arith.constant 0 : i32
      %dma_wait3A_450 = tpu.memref_slice %arg10[%dma_wait3A_448, %dma_wait3A_449] : memref<80x128xi32, #tpu.memory_space<vmem>> -> memref<1x128xi32, #tpu.memory_space<vmem>>
      %dma_wait3A_451 = tpu.memref_squeeze %dma_wait3A_450 : memref<1x128xi32, #tpu.memory_space<vmem>> -> memref<128xi32, #tpu.memory_space<vmem>>
      %dma_wait3A_452 = arith.constant 0 : i32
      %dma_wait3A_453 = arith.constant 0 : i32
      %dma_wait3A_454 = tpu.memref_slice %arg20[%dma_wait3A_452, %dma_wait3A_453] : memref<10240x64xf32, #tpu.memory_space<vmem_shared>> -> memref<10240x64xf32, #tpu.memory_space<vmem_shared>>
      tpu.wait_indirect_dma semaphore(%arg31 : memref<!tpu.dma_semaphore, #tpu.memory_space<semaphore_mem>>) src(%arg12 : memref<128x64xf32, #tpu.memory_space<vmem>>) dst(%dma_wait3A_454 : memref<10240x64xf32, #tpu.memory_space<vmem_shared>>)
      %add3A_455 = arith.constant 6 : i32
      %add3A_456 = arith.addi %add3A_423, %add3A_455 : i32
      %dma_start3A_457 = arith.constant 0 : i32
      %dma_start3A_458 = tpu.memref_slice %arg9[%add3A_456, %dma_start3A_457] : memref<80x128xi32, #tpu.memory_space<vmem>> -> memref<1x128xi32, #tpu.memory_space<vmem>>
      %dma_start3A_459 = tpu.memref_squeeze %dma_start3A_458 : memref<1x128xi32, #tpu.memory_space<vmem>> -> memref<128xi32, #tpu.memory_space<vmem>>
      %dma_start3A_460 = arith.constant 0 : i32
      %dma_start3A_461 = arith.constant 0 : i32
      %dma_start3A_462 = tpu.memref_slice %arg4[%dma_start3A_460, %dma_start3A_461] : memref<10000x64xf32, #tpu.memory_space<hbm>> -> memref<10000x64xf32, #tpu.memory_space<hbm>>
      tpu.enqueue_indirect_dma source(%dma_start3A_462 : memref<10000x64xf32, #tpu.memory_space<hbm>>) target(%arg12 : memref<128x64xf32, #tpu.memory_space<vmem>>) offsets(%dma_start3A_459 : memref<128xi32, #tpu.memory_space<vmem>>) semaphore(%arg23 : memref<!tpu.dma_semaphore, #tpu.memory_space<semaphore_mem>>)
      %add3A_463 = arith.constant 2 : i32
      %add3A_464 = arith.addi %add3A_380, %add3A_463 : i32
      %dma_wait3A_465 = arith.constant 0 : i32
      %dma_wait3A_466 = arith.constant 0 : i32
      %dma_wait3A_467 = tpu.memref_slice %arg9[%dma_wait3A_465, %dma_wait3A_466] : memref<80x128xi32, #tpu.memory_space<vmem>> -> memref<1x128xi32, #tpu.memory_space<vmem>>
      %dma_wait3A_468 = tpu.memref_squeeze %dma_wait3A_467 : memref<1x128xi32, #tpu.memory_space<vmem>> -> memref<128xi32, #tpu.memory_space<vmem>>
      %dma_wait3A_469 = arith.constant 0 : i32
      %dma_wait3A_470 = arith.constant 0 : i32
      %dma_wait3A_471 = tpu.memref_slice %arg4[%dma_wait3A_469, %dma_wait3A_470] : memref<10000x64xf32, #tpu.memory_space<hbm>> -> memref<10000x64xf32, #tpu.memory_space<hbm>>
      tpu.wait_indirect_dma semaphore(%arg26 : memref<!tpu.dma_semaphore, #tpu.memory_space<semaphore_mem>>) src(%dma_wait3A_471 : memref<10000x64xf32, #tpu.memory_space<hbm>>) dst(%arg15 : memref<128x64xf32, #tpu.memory_space<vmem>>)
      %dma_start3A_472 = arith.constant 0 : i32
      %dma_start3A_473 = tpu.memref_slice %arg10[%add3A_464, %dma_start3A_472] : memref<80x128xi32, #tpu.memory_space<vmem>> -> memref<1x128xi32, #tpu.memory_space<vmem>>
      %dma_start3A_474 = tpu.memref_squeeze %dma_start3A_473 : memref<1x128xi32, #tpu.memory_space<vmem>> -> memref<128xi32, #tpu.memory_space<vmem>>
      %dma_start3A_475 = arith.constant 0 : i32
      %dma_start3A_476 = arith.constant 0 : i32
      %dma_start3A_477 = tpu.memref_slice %arg20[%dma_start3A_475, %dma_start3A_476] : memref<10240x64xf32, #tpu.memory_space<vmem_shared>> -> memref<10240x64xf32, #tpu.memory_space<vmem_shared>>
      tpu.enqueue_indirect_dma source(%arg15 : memref<128x64xf32, #tpu.memory_space<vmem>>) target(%dma_start3A_477 : memref<10240x64xf32, #tpu.memory_space<vmem_shared>>) offsets(%dma_start3A_474 : memref<128xi32, #tpu.memory_space<vmem>>) semaphore(%arg34 : memref<!tpu.dma_semaphore, #tpu.memory_space<semaphore_mem>>) {add = true}
      %dma_start3A_478 = arith.constant 0 : i32
      %dma_start3A_479 = tpu.memref_slice %arg10[%add3A_464, %dma_start3A_478] : memref<80x128xi32, #tpu.memory_space<vmem>> -> memref<1x128xi32, #tpu.memory_space<vmem>>
      %dma_start3A_480 = tpu.memref_squeeze %dma_start3A_479 : memref<1x128xi32, #tpu.memory_space<vmem>> -> memref<128xi32, #tpu.memory_space<vmem>>
      %dma_start3A_481 = arith.constant 0 : i32
      %dma_start3A_482 = tpu.memref_slice %arg21[%dma_start3A_481] : memref<10240xf32, #tpu.memory_space<vmem_shared>> -> memref<10240xf32, #tpu.memory_space<vmem_shared>>
      tpu.enqueue_indirect_dma source(%arg19 : memref<128xf32, #tpu.memory_space<vmem>>) target(%dma_start3A_482 : memref<10240xf32, #tpu.memory_space<vmem_shared>>) offsets(%dma_start3A_480 : memref<128xi32, #tpu.memory_space<vmem>>) semaphore(%arg38 : memref<!tpu.dma_semaphore, #tpu.memory_space<semaphore_mem>>) {add = true}
      %dma_wait3A_483 = arith.constant 0 : i32
      %dma_wait3A_484 = arith.constant 0 : i32
      %dma_wait3A_485 = tpu.memref_slice %arg10[%dma_wait3A_483, %dma_wait3A_484] : memref<80x128xi32, #tpu.memory_space<vmem>> -> memref<1x128xi32, #tpu.memory_space<vmem>>
      %dma_wait3A_486 = tpu.memref_squeeze %dma_wait3A_485 : memref<1x128xi32, #tpu.memory_space<vmem>> -> memref<128xi32, #tpu.memory_space<vmem>>
      %dma_wait3A_487 = arith.constant 0 : i32
      %dma_wait3A_488 = tpu.memref_slice %arg21[%dma_wait3A_487] : memref<10240xf32, #tpu.memory_space<vmem_shared>> -> memref<10240xf32, #tpu.memory_space<vmem_shared>>
      tpu.wait_indirect_dma semaphore(%arg38 : memref<!tpu.dma_semaphore, #tpu.memory_space<semaphore_mem>>) src(%arg19 : memref<128xf32, #tpu.memory_space<vmem>>) dst(%dma_wait3A_488 : memref<10240xf32, #tpu.memory_space<vmem_shared>>)
      %dma_wait3A_489 = arith.constant 0 : i32
      %dma_wait3A_490 = arith.constant 0 : i32
      %dma_wait3A_491 = tpu.memref_slice %arg10[%dma_wait3A_489, %dma_wait3A_490] : memref<80x128xi32, #tpu.memory_space<vmem>> -> memref<1x128xi32, #tpu.memory_space<vmem>>
      %dma_wait3A_492 = tpu.memref_squeeze %dma_wait3A_491 : memref<1x128xi32, #tpu.memory_space<vmem>> -> memref<128xi32, #tpu.memory_space<vmem>>
      %dma_wait3A_493 = arith.constant 0 : i32
      %dma_wait3A_494 = arith.constant 0 : i32
      %dma_wait3A_495 = tpu.memref_slice %arg20[%dma_wait3A_493, %dma_wait3A_494] : memref<10240x64xf32, #tpu.memory_space<vmem_shared>> -> memref<10240x64xf32, #tpu.memory_space<vmem_shared>>
      tpu.wait_indirect_dma semaphore(%arg32 : memref<!tpu.dma_semaphore, #tpu.memory_space<semaphore_mem>>) src(%arg13 : memref<128x64xf32, #tpu.memory_space<vmem>>) dst(%dma_wait3A_495 : memref<10240x64xf32, #tpu.memory_space<vmem_shared>>)
      %add3A_496 = arith.constant 6 : i32
      %add3A_497 = arith.addi %add3A_464, %add3A_496 : i32
      %dma_start3A_498 = arith.constant 0 : i32
      %dma_start3A_499 = tpu.memref_slice %arg9[%add3A_497, %dma_start3A_498] : memref<80x128xi32, #tpu.memory_space<vmem>> -> memref<1x128xi32, #tpu.memory_space<vmem>>
      %dma_start3A_500 = tpu.memref_squeeze %dma_start3A_499 : memref<1x128xi32, #tpu.memory_space<vmem>> -> memref<128xi32, #tpu.memory_space<vmem>>
      %dma_start3A_501 = arith.constant 0 : i32
      %dma_start3A_502 = arith.constant 0 : i32
      %dma_start3A_503 = tpu.memref_slice %arg4[%dma_start3A_501, %dma_start3A_502] : memref<10000x64xf32, #tpu.memory_space<hbm>> -> memref<10000x64xf32, #tpu.memory_space<hbm>>
      tpu.enqueue_indirect_dma source(%dma_start3A_503 : memref<10000x64xf32, #tpu.memory_space<hbm>>) target(%arg13 : memref<128x64xf32, #tpu.memory_space<vmem>>) offsets(%dma_start3A_500 : memref<128xi32, #tpu.memory_space<vmem>>) semaphore(%arg24 : memref<!tpu.dma_semaphore, #tpu.memory_space<semaphore_mem>>)
      %add3A_504 = arith.constant 3 : i32
      %add3A_505 = arith.addi %add3A_380, %add3A_504 : i32
      %dma_wait3A_506 = arith.constant 0 : i32
      %dma_wait3A_507 = arith.constant 0 : i32
      %dma_wait3A_508 = tpu.memref_slice %arg9[%dma_wait3A_506, %dma_wait3A_507] : memref<80x128xi32, #tpu.memory_space<vmem>> -> memref<1x128xi32, #tpu.memory_space<vmem>>
      %dma_wait3A_509 = tpu.memref_squeeze %dma_wait3A_508 : memref<1x128xi32, #tpu.memory_space<vmem>> -> memref<128xi32, #tpu.memory_space<vmem>>
      %dma_wait3A_510 = arith.constant 0 : i32
      %dma_wait3A_511 = arith.constant 0 : i32
      %dma_wait3A_512 = tpu.memref_slice %arg4[%dma_wait3A_510, %dma_wait3A_511] : memref<10000x64xf32, #tpu.memory_space<hbm>> -> memref<10000x64xf32, #tpu.memory_space<hbm>>
      tpu.wait_indirect_dma semaphore(%arg27 : memref<!tpu.dma_semaphore, #tpu.memory_space<semaphore_mem>>) src(%dma_wait3A_512 : memref<10000x64xf32, #tpu.memory_space<hbm>>) dst(%arg16 : memref<128x64xf32, #tpu.memory_space<vmem>>)
      %dma_start3A_513 = arith.constant 0 : i32
      %dma_start3A_514 = tpu.memref_slice %arg10[%add3A_505, %dma_start3A_513] : memref<80x128xi32, #tpu.memory_space<vmem>> -> memref<1x128xi32, #tpu.memory_space<vmem>>
      %dma_start3A_515 = tpu.memref_squeeze %dma_start3A_514 : memref<1x128xi32, #tpu.memory_space<vmem>> -> memref<128xi32, #tpu.memory_space<vmem>>
      %dma_start3A_516 = arith.constant 0 : i32
      %dma_start3A_517 = arith.constant 0 : i32
      %dma_start3A_518 = tpu.memref_slice %arg20[%dma_start3A_516, %dma_start3A_517] : memref<10240x64xf32, #tpu.memory_space<vmem_shared>> -> memref<10240x64xf32, #tpu.memory_space<vmem_shared>>
      tpu.enqueue_indirect_dma source(%arg16 : memref<128x64xf32, #tpu.memory_space<vmem>>) target(%dma_start3A_518 : memref<10240x64xf32, #tpu.memory_space<vmem_shared>>) offsets(%dma_start3A_515 : memref<128xi32, #tpu.memory_space<vmem>>) semaphore(%arg35 : memref<!tpu.dma_semaphore, #tpu.memory_space<semaphore_mem>>) {add = true}
      %dma_start3A_519 = arith.constant 0 : i32
      %dma_start3A_520 = tpu.memref_slice %arg10[%add3A_505, %dma_start3A_519] : memref<80x128xi32, #tpu.memory_space<vmem>> -> memref<1x128xi32, #tpu.memory_space<vmem>>
      %dma_start3A_521 = tpu.memref_squeeze %dma_start3A_520 : memref<1x128xi32, #tpu.memory_space<vmem>> -> memref<128xi32, #tpu.memory_space<vmem>>
      %dma_start3A_522 = arith.constant 0 : i32
      %dma_start3A_523 = tpu.memref_slice %arg21[%dma_start3A_522] : memref<10240xf32, #tpu.memory_space<vmem_shared>> -> memref<10240xf32, #tpu.memory_space<vmem_shared>>
      tpu.enqueue_indirect_dma source(%arg19 : memref<128xf32, #tpu.memory_space<vmem>>) target(%dma_start3A_523 : memref<10240xf32, #tpu.memory_space<vmem_shared>>) offsets(%dma_start3A_521 : memref<128xi32, #tpu.memory_space<vmem>>) semaphore(%arg38 : memref<!tpu.dma_semaphore, #tpu.memory_space<semaphore_mem>>) {add = true}
      %dma_wait3A_524 = arith.constant 0 : i32
      %dma_wait3A_525 = arith.constant 0 : i32
      %dma_wait3A_526 = tpu.memref_slice %arg10[%dma_wait3A_524, %dma_wait3A_525] : memref<80x128xi32, #tpu.memory_space<vmem>> -> memref<1x128xi32, #tpu.memory_space<vmem>>
      %dma_wait3A_527 = tpu.memref_squeeze %dma_wait3A_526 : memref<1x128xi32, #tpu.memory_space<vmem>> -> memref<128xi32, #tpu.memory_space<vmem>>
      %dma_wait3A_528 = arith.constant 0 : i32
      %dma_wait3A_529 = tpu.memref_slice %arg21[%dma_wait3A_528] : memref<10240xf32, #tpu.memory_space<vmem_shared>> -> memref<10240xf32, #tpu.memory_space<vmem_shared>>
      tpu.wait_indirect_dma semaphore(%arg38 : memref<!tpu.dma_semaphore, #tpu.memory_space<semaphore_mem>>) src(%arg19 : memref<128xf32, #tpu.memory_space<vmem>>) dst(%dma_wait3A_529 : memref<10240xf32, #tpu.memory_space<vmem_shared>>)
      %dma_wait3A_530 = arith.constant 0 : i32
      %dma_wait3A_531 = arith.constant 0 : i32
      %dma_wait3A_532 = tpu.memref_slice %arg10[%dma_wait3A_530, %dma_wait3A_531] : memref<80x128xi32, #tpu.memory_space<vmem>> -> memref<1x128xi32, #tpu.memory_space<vmem>>
      %dma_wait3A_533 = tpu.memref_squeeze %dma_wait3A_532 : memref<1x128xi32, #tpu.memory_space<vmem>> -> memref<128xi32, #tpu.memory_space<vmem>>
      %dma_wait3A_534 = arith.constant 0 : i32
      %dma_wait3A_535 = arith.constant 0 : i32
      %dma_wait3A_536 = tpu.memref_slice %arg20[%dma_wait3A_534, %dma_wait3A_535] : memref<10240x64xf32, #tpu.memory_space<vmem_shared>> -> memref<10240x64xf32, #tpu.memory_space<vmem_shared>>
      tpu.wait_indirect_dma semaphore(%arg33 : memref<!tpu.dma_semaphore, #tpu.memory_space<semaphore_mem>>) src(%arg14 : memref<128x64xf32, #tpu.memory_space<vmem>>) dst(%dma_wait3A_536 : memref<10240x64xf32, #tpu.memory_space<vmem_shared>>)
      %add3A_537 = arith.constant 6 : i32
      %add3A_538 = arith.addi %add3A_505, %add3A_537 : i32
      %dma_start3A_539 = arith.constant 0 : i32
      %dma_start3A_540 = tpu.memref_slice %arg9[%add3A_538, %dma_start3A_539] : memref<80x128xi32, #tpu.memory_space<vmem>> -> memref<1x128xi32, #tpu.memory_space<vmem>>
      %dma_start3A_541 = tpu.memref_squeeze %dma_start3A_540 : memref<1x128xi32, #tpu.memory_space<vmem>> -> memref<128xi32, #tpu.memory_space<vmem>>
      %dma_start3A_542 = arith.constant 0 : i32
      %dma_start3A_543 = arith.constant 0 : i32
      %dma_start3A_544 = tpu.memref_slice %arg4[%dma_start3A_542, %dma_start3A_543] : memref<10000x64xf32, #tpu.memory_space<hbm>> -> memref<10000x64xf32, #tpu.memory_space<hbm>>
      tpu.enqueue_indirect_dma source(%dma_start3A_544 : memref<10000x64xf32, #tpu.memory_space<hbm>>) target(%arg14 : memref<128x64xf32, #tpu.memory_space<vmem>>) offsets(%dma_start3A_541 : memref<128xi32, #tpu.memory_space<vmem>>) semaphore(%arg25 : memref<!tpu.dma_semaphore, #tpu.memory_space<semaphore_mem>>)
      %add3A_545 = arith.constant 4 : i32
      %add3A_546 = arith.addi %add3A_380, %add3A_545 : i32
      %dma_wait3A_547 = arith.constant 0 : i32
      %dma_wait3A_548 = arith.constant 0 : i32
      %dma_wait3A_549 = tpu.memref_slice %arg9[%dma_wait3A_547, %dma_wait3A_548] : memref<80x128xi32, #tpu.memory_space<vmem>> -> memref<1x128xi32, #tpu.memory_space<vmem>>
      %dma_wait3A_550 = tpu.memref_squeeze %dma_wait3A_549 : memref<1x128xi32, #tpu.memory_space<vmem>> -> memref<128xi32, #tpu.memory_space<vmem>>
      %dma_wait3A_551 = arith.constant 0 : i32
      %dma_wait3A_552 = arith.constant 0 : i32
      %dma_wait3A_553 = tpu.memref_slice %arg4[%dma_wait3A_551, %dma_wait3A_552] : memref<10000x64xf32, #tpu.memory_space<hbm>> -> memref<10000x64xf32, #tpu.memory_space<hbm>>
      tpu.wait_indirect_dma semaphore(%arg28 : memref<!tpu.dma_semaphore, #tpu.memory_space<semaphore_mem>>) src(%dma_wait3A_553 : memref<10000x64xf32, #tpu.memory_space<hbm>>) dst(%arg17 : memref<128x64xf32, #tpu.memory_space<vmem>>)
      %dma_start3A_554 = arith.constant 0 : i32
      %dma_start3A_555 = tpu.memref_slice %arg10[%add3A_546, %dma_start3A_554] : memref<80x128xi32, #tpu.memory_space<vmem>> -> memref<1x128xi32, #tpu.memory_space<vmem>>
      %dma_start3A_556 = tpu.memref_squeeze %dma_start3A_555 : memref<1x128xi32, #tpu.memory_space<vmem>> -> memref<128xi32, #tpu.memory_space<vmem>>
      %dma_start3A_557 = arith.constant 0 : i32
      %dma_start3A_558 = arith.constant 0 : i32
      %dma_start3A_559 = tpu.memref_slice %arg20[%dma_start3A_557, %dma_start3A_558] : memref<10240x64xf32, #tpu.memory_space<vmem_shared>> -> memref<10240x64xf32, #tpu.memory_space<vmem_shared>>
      tpu.enqueue_indirect_dma source(%arg17 : memref<128x64xf32, #tpu.memory_space<vmem>>) target(%dma_start3A_559 : memref<10240x64xf32, #tpu.memory_space<vmem_shared>>) offsets(%dma_start3A_556 : memref<128xi32, #tpu.memory_space<vmem>>) semaphore(%arg36 : memref<!tpu.dma_semaphore, #tpu.memory_space<semaphore_mem>>) {add = true}
      %dma_start3A_560 = arith.constant 0 : i32
      %dma_start3A_561 = tpu.memref_slice %arg10[%add3A_546, %dma_start3A_560] : memref<80x128xi32, #tpu.memory_space<vmem>> -> memref<1x128xi32, #tpu.memory_space<vmem>>
      %dma_start3A_562 = tpu.memref_squeeze %dma_start3A_561 : memref<1x128xi32, #tpu.memory_space<vmem>> -> memref<128xi32, #tpu.memory_space<vmem>>
      %dma_start3A_563 = arith.constant 0 : i32
      %dma_start3A_564 = tpu.memref_slice %arg21[%dma_start3A_563] : memref<10240xf32, #tpu.memory_space<vmem_shared>> -> memref<10240xf32, #tpu.memory_space<vmem_shared>>
      tpu.enqueue_indirect_dma source(%arg19 : memref<128xf32, #tpu.memory_space<vmem>>) target(%dma_start3A_564 : memref<10240xf32, #tpu.memory_space<vmem_shared>>) offsets(%dma_start3A_562 : memref<128xi32, #tpu.memory_space<vmem>>) semaphore(%arg38 : memref<!tpu.dma_semaphore, #tpu.memory_space<semaphore_mem>>) {add = true}
      %dma_wait3A_565 = arith.constant 0 : i32
      %dma_wait3A_566 = arith.constant 0 : i32
      %dma_wait3A_567 = tpu.memref_slice %arg10[%dma_wait3A_565, %dma_wait3A_566] : memref<80x128xi32, #tpu.memory_space<vmem>> -> memref<1x128xi32, #tpu.memory_space<vmem>>
      %dma_wait3A_568 = tpu.memref_squeeze %dma_wait3A_567 : memref<1x128xi32, #tpu.memory_space<vmem>> -> memref<128xi32, #tpu.memory_space<vmem>>
      %dma_wait3A_569 = arith.constant 0 : i32
      %dma_wait3A_570 = tpu.memref_slice %arg21[%dma_wait3A_569] : memref<10240xf32, #tpu.memory_space<vmem_shared>> -> memref<10240xf32, #tpu.memory_space<vmem_shared>>
      tpu.wait_indirect_dma semaphore(%arg38 : memref<!tpu.dma_semaphore, #tpu.memory_space<semaphore_mem>>) src(%arg19 : memref<128xf32, #tpu.memory_space<vmem>>) dst(%dma_wait3A_570 : memref<10240xf32, #tpu.memory_space<vmem_shared>>)
      %dma_wait3A_571 = arith.constant 0 : i32
      %dma_wait3A_572 = arith.constant 0 : i32
      %dma_wait3A_573 = tpu.memref_slice %arg10[%dma_wait3A_571, %dma_wait3A_572] : memref<80x128xi32, #tpu.memory_space<vmem>> -> memref<1x128xi32, #tpu.memory_space<vmem>>
      %dma_wait3A_574 = tpu.memref_squeeze %dma_wait3A_573 : memref<1x128xi32, #tpu.memory_space<vmem>> -> memref<128xi32, #tpu.memory_space<vmem>>
      %dma_wait3A_575 = arith.constant 0 : i32
      %dma_wait3A_576 = arith.constant 0 : i32
      %dma_wait3A_577 = tpu.memref_slice %arg20[%dma_wait3A_575, %dma_wait3A_576] : memref<10240x64xf32, #tpu.memory_space<vmem_shared>> -> memref<10240x64xf32, #tpu.memory_space<vmem_shared>>
      tpu.wait_indirect_dma semaphore(%arg34 : memref<!tpu.dma_semaphore, #tpu.memory_space<semaphore_mem>>) src(%arg15 : memref<128x64xf32, #tpu.memory_space<vmem>>) dst(%dma_wait3A_577 : memref<10240x64xf32, #tpu.memory_space<vmem_shared>>)
      %add3A_578 = arith.constant 6 : i32
      %add3A_579 = arith.addi %add3A_546, %add3A_578 : i32
      %dma_start3A_580 = arith.constant 0 : i32
      %dma_start3A_581 = tpu.memref_slice %arg9[%add3A_579, %dma_start3A_580] : memref<80x128xi32, #tpu.memory_space<vmem>> -> memref<1x128xi32, #tpu.memory_space<vmem>>
      %dma_start3A_582 = tpu.memref_squeeze %dma_start3A_581 : memref<1x128xi32, #tpu.memory_space<vmem>> -> memref<128xi32, #tpu.memory_space<vmem>>
      %dma_start3A_583 = arith.constant 0 : i32
      %dma_start3A_584 = arith.constant 0 : i32
      %dma_start3A_585 = tpu.memref_slice %arg4[%dma_start3A_583, %dma_start3A_584] : memref<10000x64xf32, #tpu.memory_space<hbm>> -> memref<10000x64xf32, #tpu.memory_space<hbm>>
      tpu.enqueue_indirect_dma source(%dma_start3A_585 : memref<10000x64xf32, #tpu.memory_space<hbm>>) target(%arg15 : memref<128x64xf32, #tpu.memory_space<vmem>>) offsets(%dma_start3A_582 : memref<128xi32, #tpu.memory_space<vmem>>) semaphore(%arg26 : memref<!tpu.dma_semaphore, #tpu.memory_space<semaphore_mem>>)
      %add3A_586 = arith.constant 5 : i32
      %add3A_587 = arith.addi %add3A_380, %add3A_586 : i32
      %dma_wait3A_588 = arith.constant 0 : i32
      %dma_wait3A_589 = arith.constant 0 : i32
      %dma_wait3A_590 = tpu.memref_slice %arg9[%dma_wait3A_588, %dma_wait3A_589] : memref<80x128xi32, #tpu.memory_space<vmem>> -> memref<1x128xi32, #tpu.memory_space<vmem>>
      %dma_wait3A_591 = tpu.memref_squeeze %dma_wait3A_590 : memref<1x128xi32, #tpu.memory_space<vmem>> -> memref<128xi32, #tpu.memory_space<vmem>>
      %dma_wait3A_592 = arith.constant 0 : i32
      %dma_wait3A_593 = arith.constant 0 : i32
      %dma_wait3A_594 = tpu.memref_slice %arg4[%dma_wait3A_592, %dma_wait3A_593] : memref<10000x64xf32, #tpu.memory_space<hbm>> -> memref<10000x64xf32, #tpu.memory_space<hbm>>
      tpu.wait_indirect_dma semaphore(%arg29 : memref<!tpu.dma_semaphore, #tpu.memory_space<semaphore_mem>>) src(%dma_wait3A_594 : memref<10000x64xf32, #tpu.memory_space<hbm>>) dst(%arg18 : memref<128x64xf32, #tpu.memory_space<vmem>>)
      %dma_start3A_595 = arith.constant 0 : i32
      %dma_start3A_596 = tpu.memref_slice %arg10[%add3A_587, %dma_start3A_595] : memref<80x128xi32, #tpu.memory_space<vmem>> -> memref<1x128xi32, #tpu.memory_space<vmem>>
      %dma_start3A_597 = tpu.memref_squeeze %dma_start3A_596 : memref<1x128xi32, #tpu.memory_space<vmem>> -> memref<128xi32, #tpu.memory_space<vmem>>
      %dma_start3A_598 = arith.constant 0 : i32
      %dma_start3A_599 = arith.constant 0 : i32
      %dma_start3A_600 = tpu.memref_slice %arg20[%dma_start3A_598, %dma_start3A_599] : memref<10240x64xf32, #tpu.memory_space<vmem_shared>> -> memref<10240x64xf32, #tpu.memory_space<vmem_shared>>
      tpu.enqueue_indirect_dma source(%arg18 : memref<128x64xf32, #tpu.memory_space<vmem>>) target(%dma_start3A_600 : memref<10240x64xf32, #tpu.memory_space<vmem_shared>>) offsets(%dma_start3A_597 : memref<128xi32, #tpu.memory_space<vmem>>) semaphore(%arg37 : memref<!tpu.dma_semaphore, #tpu.memory_space<semaphore_mem>>) {add = true}
      %dma_start3A_601 = arith.constant 0 : i32
      %dma_start3A_602 = tpu.memref_slice %arg10[%add3A_587, %dma_start3A_601] : memref<80x128xi32, #tpu.memory_space<vmem>> -> memref<1x128xi32, #tpu.memory_space<vmem>>
      %dma_start3A_603 = tpu.memref_squeeze %dma_start3A_602 : memref<1x128xi32, #tpu.memory_space<vmem>> -> memref<128xi32, #tpu.memory_space<vmem>>
      %dma_start3A_604 = arith.constant 0 : i32
      %dma_start3A_605 = tpu.memref_slice %arg21[%dma_start3A_604] : memref<10240xf32, #tpu.memory_space<vmem_shared>> -> memref<10240xf32, #tpu.memory_space<vmem_shared>>
      tpu.enqueue_indirect_dma source(%arg19 : memref<128xf32, #tpu.memory_space<vmem>>) target(%dma_start3A_605 : memref<10240xf32, #tpu.memory_space<vmem_shared>>) offsets(%dma_start3A_603 : memref<128xi32, #tpu.memory_space<vmem>>) semaphore(%arg38 : memref<!tpu.dma_semaphore, #tpu.memory_space<semaphore_mem>>) {add = true}
      %dma_wait3A_606 = arith.constant 0 : i32
      %dma_wait3A_607 = arith.constant 0 : i32
      %dma_wait3A_608 = tpu.memref_slice %arg10[%dma_wait3A_606, %dma_wait3A_607] : memref<80x128xi32, #tpu.memory_space<vmem>> -> memref<1x128xi32, #tpu.memory_space<vmem>>
      %dma_wait3A_609 = tpu.memref_squeeze %dma_wait3A_608 : memref<1x128xi32, #tpu.memory_space<vmem>> -> memref<128xi32, #tpu.memory_space<vmem>>
      %dma_wait3A_610 = arith.constant 0 : i32
      %dma_wait3A_611 = tpu.memref_slice %arg21[%dma_wait3A_610] : memref<10240xf32, #tpu.memory_space<vmem_shared>> -> memref<10240xf32, #tpu.memory_space<vmem_shared>>
      tpu.wait_indirect_dma semaphore(%arg38 : memref<!tpu.dma_semaphore, #tpu.memory_space<semaphore_mem>>) src(%arg19 : memref<128xf32, #tpu.memory_space<vmem>>) dst(%dma_wait3A_611 : memref<10240xf32, #tpu.memory_space<vmem_shared>>)
      %dma_wait3A_612 = arith.constant 0 : i32
      %dma_wait3A_613 = arith.constant 0 : i32
      %dma_wait3A_614 = tpu.memref_slice %arg10[%dma_wait3A_612, %dma_wait3A_613] : memref<80x128xi32, #tpu.memory_space<vmem>> -> memref<1x128xi32, #tpu.memory_space<vmem>>
      %dma_wait3A_615 = tpu.memref_squeeze %dma_wait3A_614 : memref<1x128xi32, #tpu.memory_space<vmem>> -> memref<128xi32, #tpu.memory_space<vmem>>
      %dma_wait3A_616 = arith.constant 0 : i32
      %dma_wait3A_617 = arith.constant 0 : i32
      %dma_wait3A_618 = tpu.memref_slice %arg20[%dma_wait3A_616, %dma_wait3A_617] : memref<10240x64xf32, #tpu.memory_space<vmem_shared>> -> memref<10240x64xf32, #tpu.memory_space<vmem_shared>>
      tpu.wait_indirect_dma semaphore(%arg35 : memref<!tpu.dma_semaphore, #tpu.memory_space<semaphore_mem>>) src(%arg16 : memref<128x64xf32, #tpu.memory_space<vmem>>) dst(%dma_wait3A_618 : memref<10240x64xf32, #tpu.memory_space<vmem_shared>>)
      %add3A_619 = arith.constant 6 : i32
      %add3A_620 = arith.addi %add3A_587, %add3A_619 : i32
      %dma_start3A_621 = arith.constant 0 : i32
      %dma_start3A_622 = tpu.memref_slice %arg9[%add3A_620, %dma_start3A_621] : memref<80x128xi32, #tpu.memory_space<vmem>> -> memref<1x128xi32, #tpu.memory_space<vmem>>
      %dma_start3A_623 = tpu.memref_squeeze %dma_start3A_622 : memref<1x128xi32, #tpu.memory_space<vmem>> -> memref<128xi32, #tpu.memory_space<vmem>>
      %dma_start3A_624 = arith.constant 0 : i32
      %dma_start3A_625 = arith.constant 0 : i32
      %dma_start3A_626 = tpu.memref_slice %arg4[%dma_start3A_624, %dma_start3A_625] : memref<10000x64xf32, #tpu.memory_space<hbm>> -> memref<10000x64xf32, #tpu.memory_space<hbm>>
      tpu.enqueue_indirect_dma source(%dma_start3A_626 : memref<10000x64xf32, #tpu.memory_space<hbm>>) target(%arg16 : memref<128x64xf32, #tpu.memory_space<vmem>>) offsets(%dma_start3A_623 : memref<128xi32, #tpu.memory_space<vmem>>) semaphore(%arg27 : memref<!tpu.dma_semaphore, #tpu.memory_space<semaphore_mem>>)
      %add3A_627 = arith.constant 6 : i32
      %add3A_628 = arith.addi %add3A_380, %add3A_627 : i32
      %dma_wait3A_629 = arith.constant 0 : i32
      %dma_wait3A_630 = arith.constant 0 : i32
      %dma_wait3A_631 = tpu.memref_slice %arg9[%dma_wait3A_629, %dma_wait3A_630] : memref<80x128xi32, #tpu.memory_space<vmem>> -> memref<1x128xi32, #tpu.memory_space<vmem>>
      %dma_wait3A_632 = tpu.memref_squeeze %dma_wait3A_631 : memref<1x128xi32, #tpu.memory_space<vmem>> -> memref<128xi32, #tpu.memory_space<vmem>>
      %dma_wait3A_633 = arith.constant 0 : i32
      %dma_wait3A_634 = arith.constant 0 : i32
      %dma_wait3A_635 = tpu.memref_slice %arg4[%dma_wait3A_633, %dma_wait3A_634] : memref<10000x64xf32, #tpu.memory_space<hbm>> -> memref<10000x64xf32, #tpu.memory_space<hbm>>
      tpu.wait_indirect_dma semaphore(%arg22 : memref<!tpu.dma_semaphore, #tpu.memory_space<semaphore_mem>>) src(%dma_wait3A_635 : memref<10000x64xf32, #tpu.memory_space<hbm>>) dst(%arg11 : memref<128x64xf32, #tpu.memory_space<vmem>>)
      %dma_start3A_636 = arith.constant 0 : i32
      %dma_start3A_637 = tpu.memref_slice %arg10[%add3A_628, %dma_start3A_636] : memref<80x128xi32, #tpu.memory_space<vmem>> -> memref<1x128xi32, #tpu.memory_space<vmem>>
      %dma_start3A_638 = tpu.memref_squeeze %dma_start3A_637 : memref<1x128xi32, #tpu.memory_space<vmem>> -> memref<128xi32, #tpu.memory_space<vmem>>
      %dma_start3A_639 = arith.constant 0 : i32
      %dma_start3A_640 = arith.constant 0 : i32
      %dma_start3A_641 = tpu.memref_slice %arg20[%dma_start3A_639, %dma_start3A_640] : memref<10240x64xf32, #tpu.memory_space<vmem_shared>> -> memref<10240x64xf32, #tpu.memory_space<vmem_shared>>
      tpu.enqueue_indirect_dma source(%arg11 : memref<128x64xf32, #tpu.memory_space<vmem>>) target(%dma_start3A_641 : memref<10240x64xf32, #tpu.memory_space<vmem_shared>>) offsets(%dma_start3A_638 : memref<128xi32, #tpu.memory_space<vmem>>) semaphore(%arg30 : memref<!tpu.dma_semaphore, #tpu.memory_space<semaphore_mem>>) {add = true}
      %dma_start3A_642 = arith.constant 0 : i32
      %dma_start3A_643 = tpu.memref_slice %arg10[%add3A_628, %dma_start3A_642] : memref<80x128xi32, #tpu.memory_space<vmem>> -> memref<1x128xi32, #tpu.memory_space<vmem>>
      %dma_start3A_644 = tpu.memref_squeeze %dma_start3A_643 : memref<1x128xi32, #tpu.memory_space<vmem>> -> memref<128xi32, #tpu.memory_space<vmem>>
      %dma_start3A_645 = arith.constant 0 : i32
      %dma_start3A_646 = tpu.memref_slice %arg21[%dma_start3A_645] : memref<10240xf32, #tpu.memory_space<vmem_shared>> -> memref<10240xf32, #tpu.memory_space<vmem_shared>>
      tpu.enqueue_indirect_dma source(%arg19 : memref<128xf32, #tpu.memory_space<vmem>>) target(%dma_start3A_646 : memref<10240xf32, #tpu.memory_space<vmem_shared>>) offsets(%dma_start3A_644 : memref<128xi32, #tpu.memory_space<vmem>>) semaphore(%arg38 : memref<!tpu.dma_semaphore, #tpu.memory_space<semaphore_mem>>) {add = true}
      %dma_wait3A_647 = arith.constant 0 : i32
      %dma_wait3A_648 = arith.constant 0 : i32
      %dma_wait3A_649 = tpu.memref_slice %arg10[%dma_wait3A_647, %dma_wait3A_648] : memref<80x128xi32, #tpu.memory_space<vmem>> -> memref<1x128xi32, #tpu.memory_space<vmem>>
      %dma_wait3A_650 = tpu.memref_squeeze %dma_wait3A_649 : memref<1x128xi32, #tpu.memory_space<vmem>> -> memref<128xi32, #tpu.memory_space<vmem>>
      %dma_wait3A_651 = arith.constant 0 : i32
      %dma_wait3A_652 = tpu.memref_slice %arg21[%dma_wait3A_651] : memref<10240xf32, #tpu.memory_space<vmem_shared>> -> memref<10240xf32, #tpu.memory_space<vmem_shared>>
      tpu.wait_indirect_dma semaphore(%arg38 : memref<!tpu.dma_semaphore, #tpu.memory_space<semaphore_mem>>) src(%arg19 : memref<128xf32, #tpu.memory_space<vmem>>) dst(%dma_wait3A_652 : memref<10240xf32, #tpu.memory_space<vmem_shared>>)
      %dma_wait3A_653 = arith.constant 0 : i32
      %dma_wait3A_654 = arith.constant 0 : i32
      %dma_wait3A_655 = tpu.memref_slice %arg10[%dma_wait3A_653, %dma_wait3A_654] : memref<80x128xi32, #tpu.memory_space<vmem>> -> memref<1x128xi32, #tpu.memory_space<vmem>>
      %dma_wait3A_656 = tpu.memref_squeeze %dma_wait3A_655 : memref<1x128xi32, #tpu.memory_space<vmem>> -> memref<128xi32, #tpu.memory_space<vmem>>
      %dma_wait3A_657 = arith.constant 0 : i32
      %dma_wait3A_658 = arith.constant 0 : i32
      %dma_wait3A_659 = tpu.memref_slice %arg20[%dma_wait3A_657, %dma_wait3A_658] : memref<10240x64xf32, #tpu.memory_space<vmem_shared>> -> memref<10240x64xf32, #tpu.memory_space<vmem_shared>>
      tpu.wait_indirect_dma semaphore(%arg36 : memref<!tpu.dma_semaphore, #tpu.memory_space<semaphore_mem>>) src(%arg17 : memref<128x64xf32, #tpu.memory_space<vmem>>) dst(%dma_wait3A_659 : memref<10240x64xf32, #tpu.memory_space<vmem_shared>>)
      %add3A_660 = arith.constant 6 : i32
      %add3A_661 = arith.addi %add3A_628, %add3A_660 : i32
      %dma_start3A_662 = arith.constant 0 : i32
      %dma_start3A_663 = tpu.memref_slice %arg9[%add3A_661, %dma_start3A_662] : memref<80x128xi32, #tpu.memory_space<vmem>> -> memref<1x128xi32, #tpu.memory_space<vmem>>
      %dma_start3A_664 = tpu.memref_squeeze %dma_start3A_663 : memref<1x128xi32, #tpu.memory_space<vmem>> -> memref<128xi32, #tpu.memory_space<vmem>>
      %dma_start3A_665 = arith.constant 0 : i32
      %dma_start3A_666 = arith.constant 0 : i32
      %dma_start3A_667 = tpu.memref_slice %arg4[%dma_start3A_665, %dma_start3A_666] : memref<10000x64xf32, #tpu.memory_space<hbm>> -> memref<10000x64xf32, #tpu.memory_space<hbm>>
      tpu.enqueue_indirect_dma source(%dma_start3A_667 : memref<10000x64xf32, #tpu.memory_space<hbm>>) target(%arg17 : memref<128x64xf32, #tpu.memory_space<vmem>>) offsets(%dma_start3A_664 : memref<128xi32, #tpu.memory_space<vmem>>) semaphore(%arg28 : memref<!tpu.dma_semaphore, #tpu.memory_space<semaphore_mem>>)
      %add3A_668 = arith.constant 7 : i32
      %add3A_669 = arith.addi %add3A_380, %add3A_668 : i32
      %dma_wait3A_670 = arith.constant 0 : i32
      %dma_wait3A_671 = arith.constant 0 : i32
      %dma_wait3A_672 = tpu.memref_slice %arg9[%dma_wait3A_670, %dma_wait3A_671] : memref<80x128xi32, #tpu.memory_space<vmem>> -> memref<1x128xi32, #tpu.memory_space<vmem>>
      %dma_wait3A_673 = tpu.memref_squeeze %dma_wait3A_672 : memref<1x128xi32, #tpu.memory_space<vmem>> -> memref<128xi32, #tpu.memory_space<vmem>>
      %dma_wait3A_674 = arith.constant 0 : i32
      %dma_wait3A_675 = arith.constant 0 : i32
      %dma_wait3A_676 = tpu.memref_slice %arg4[%dma_wait3A_674, %dma_wait3A_675] : memref<10000x64xf32, #tpu.memory_space<hbm>> -> memref<10000x64xf32, #tpu.memory_space<hbm>>
      tpu.wait_indirect_dma semaphore(%arg23 : memref<!tpu.dma_semaphore, #tpu.memory_space<semaphore_mem>>) src(%dma_wait3A_676 : memref<10000x64xf32, #tpu.memory_space<hbm>>) dst(%arg12 : memref<128x64xf32, #tpu.memory_space<vmem>>)
      %dma_start3A_677 = arith.constant 0 : i32
      %dma_start3A_678 = tpu.memref_slice %arg10[%add3A_669, %dma_start3A_677] : memref<80x128xi32, #tpu.memory_space<vmem>> -> memref<1x128xi32, #tpu.memory_space<vmem>>
      %dma_start3A_679 = tpu.memref_squeeze %dma_start3A_678 : memref<1x128xi32, #tpu.memory_space<vmem>> -> memref<128xi32, #tpu.memory_space<vmem>>
      %dma_start3A_680 = arith.constant 0 : i32
      %dma_start3A_681 = arith.constant 0 : i32
      %dma_start3A_682 = tpu.memref_slice %arg20[%dma_start3A_680, %dma_start3A_681] : memref<10240x64xf32, #tpu.memory_space<vmem_shared>> -> memref<10240x64xf32, #tpu.memory_space<vmem_shared>>
      tpu.enqueue_indirect_dma source(%arg12 : memref<128x64xf32, #tpu.memory_space<vmem>>) target(%dma_start3A_682 : memref<10240x64xf32, #tpu.memory_space<vmem_shared>>) offsets(%dma_start3A_679 : memref<128xi32, #tpu.memory_space<vmem>>) semaphore(%arg31 : memref<!tpu.dma_semaphore, #tpu.memory_space<semaphore_mem>>) {add = true}
      %dma_start3A_683 = arith.constant 0 : i32
      %dma_start3A_684 = tpu.memref_slice %arg10[%add3A_669, %dma_start3A_683] : memref<80x128xi32, #tpu.memory_space<vmem>> -> memref<1x128xi32, #tpu.memory_space<vmem>>
      %dma_start3A_685 = tpu.memref_squeeze %dma_start3A_684 : memref<1x128xi32, #tpu.memory_space<vmem>> -> memref<128xi32, #tpu.memory_space<vmem>>
      %dma_start3A_686 = arith.constant 0 : i32
      %dma_start3A_687 = tpu.memref_slice %arg21[%dma_start3A_686] : memref<10240xf32, #tpu.memory_space<vmem_shared>> -> memref<10240xf32, #tpu.memory_space<vmem_shared>>
      tpu.enqueue_indirect_dma source(%arg19 : memref<128xf32, #tpu.memory_space<vmem>>) target(%dma_start3A_687 : memref<10240xf32, #tpu.memory_space<vmem_shared>>) offsets(%dma_start3A_685 : memref<128xi32, #tpu.memory_space<vmem>>) semaphore(%arg38 : memref<!tpu.dma_semaphore, #tpu.memory_space<semaphore_mem>>) {add = true}
      %dma_wait3A_688 = arith.constant 0 : i32
      %dma_wait3A_689 = arith.constant 0 : i32
      %dma_wait3A_690 = tpu.memref_slice %arg10[%dma_wait3A_688, %dma_wait3A_689] : memref<80x128xi32, #tpu.memory_space<vmem>> -> memref<1x128xi32, #tpu.memory_space<vmem>>
      %dma_wait3A_691 = tpu.memref_squeeze %dma_wait3A_690 : memref<1x128xi32, #tpu.memory_space<vmem>> -> memref<128xi32, #tpu.memory_space<vmem>>
      %dma_wait3A_692 = arith.constant 0 : i32
      %dma_wait3A_693 = tpu.memref_slice %arg21[%dma_wait3A_692] : memref<10240xf32, #tpu.memory_space<vmem_shared>> -> memref<10240xf32, #tpu.memory_space<vmem_shared>>
      tpu.wait_indirect_dma semaphore(%arg38 : memref<!tpu.dma_semaphore, #tpu.memory_space<semaphore_mem>>) src(%arg19 : memref<128xf32, #tpu.memory_space<vmem>>) dst(%dma_wait3A_693 : memref<10240xf32, #tpu.memory_space<vmem_shared>>)
      %dma_wait3A_694 = arith.constant 0 : i32
      %dma_wait3A_695 = arith.constant 0 : i32
      %dma_wait3A_696 = tpu.memref_slice %arg10[%dma_wait3A_694, %dma_wait3A_695] : memref<80x128xi32, #tpu.memory_space<vmem>> -> memref<1x128xi32, #tpu.memory_space<vmem>>
      %dma_wait3A_697 = tpu.memref_squeeze %dma_wait3A_696 : memref<1x128xi32, #tpu.memory_space<vmem>> -> memref<128xi32, #tpu.memory_space<vmem>>
      %dma_wait3A_698 = arith.constant 0 : i32
      %dma_wait3A_699 = arith.constant 0 : i32
      %dma_wait3A_700 = tpu.memref_slice %arg20[%dma_wait3A_698, %dma_wait3A_699] : memref<10240x64xf32, #tpu.memory_space<vmem_shared>> -> memref<10240x64xf32, #tpu.memory_space<vmem_shared>>
      tpu.wait_indirect_dma semaphore(%arg37 : memref<!tpu.dma_semaphore, #tpu.memory_space<semaphore_mem>>) src(%arg18 : memref<128x64xf32, #tpu.memory_space<vmem>>) dst(%dma_wait3A_700 : memref<10240x64xf32, #tpu.memory_space<vmem_shared>>)
      %add3A_701 = arith.constant 6 : i32
      %add3A_702 = arith.addi %add3A_669, %add3A_701 : i32
      %dma_start3A_703 = arith.constant 0 : i32
      %dma_start3A_704 = tpu.memref_slice %arg9[%add3A_702, %dma_start3A_703] : memref<80x128xi32, #tpu.memory_space<vmem>> -> memref<1x128xi32, #tpu.memory_space<vmem>>
      %dma_start3A_705 = tpu.memref_squeeze %dma_start3A_704 : memref<1x128xi32, #tpu.memory_space<vmem>> -> memref<128xi32, #tpu.memory_space<vmem>>
      %dma_start3A_706 = arith.constant 0 : i32
      %dma_start3A_707 = arith.constant 0 : i32
      %dma_start3A_708 = tpu.memref_slice %arg4[%dma_start3A_706, %dma_start3A_707] : memref<10000x64xf32, #tpu.memory_space<hbm>> -> memref<10000x64xf32, #tpu.memory_space<hbm>>
      tpu.enqueue_indirect_dma source(%dma_start3A_708 : memref<10000x64xf32, #tpu.memory_space<hbm>>) target(%arg18 : memref<128x64xf32, #tpu.memory_space<vmem>>) offsets(%dma_start3A_705 : memref<128xi32, #tpu.memory_space<vmem>>) semaphore(%arg29 : memref<!tpu.dma_semaphore, #tpu.memory_space<semaphore_mem>>)
    }
    %scan3A_147 = arith.constant 9 : i32
    %dma_wait3A_148 = arith.constant 0 : i32
    %dma_wait3A_149 = arith.constant 0 : i32
    %dma_wait3A_150 = tpu.memref_slice %arg9[%dma_wait3A_148, %dma_wait3A_149] : memref<80x128xi32, #tpu.memory_space<vmem>> -> memref<1x128xi32, #tpu.memory_space<vmem>>
    %dma_wait3A_151 = tpu.memref_squeeze %dma_wait3A_150 : memref<1x128xi32, #tpu.memory_space<vmem>> -> memref<128xi32, #tpu.memory_space<vmem>>
    %dma_wait3A_152 = arith.constant 0 : i32
    %dma_wait3A_153 = arith.constant 0 : i32
    %dma_wait3A_154 = tpu.memref_slice %arg4[%dma_wait3A_152, %dma_wait3A_153] : memref<10000x64xf32, #tpu.memory_space<hbm>> -> memref<10000x64xf32, #tpu.memory_space<hbm>>
    tpu.wait_indirect_dma semaphore(%arg24 : memref<!tpu.dma_semaphore, #tpu.memory_space<semaphore_mem>>) src(%dma_wait3A_154 : memref<10000x64xf32, #tpu.memory_space<hbm>>) dst(%arg13 : memref<128x64xf32, #tpu.memory_space<vmem>>)
    %dma_start3A_155 = arith.constant 74 : i32
    %dma_start3A_156 = arith.constant 0 : i32
    %dma_start3A_157 = tpu.memref_slice %arg10[%dma_start3A_155, %dma_start3A_156] : memref<80x128xi32, #tpu.memory_space<vmem>> -> memref<1x128xi32, #tpu.memory_space<vmem>>
    %dma_start3A_158 = tpu.memref_squeeze %dma_start3A_157 : memref<1x128xi32, #tpu.memory_space<vmem>> -> memref<128xi32, #tpu.memory_space<vmem>>
    %dma_start3A_159 = arith.constant 0 : i32
    %dma_start3A_160 = arith.constant 0 : i32
    %dma_start3A_161 = tpu.memref_slice %arg20[%dma_start3A_159, %dma_start3A_160] : memref<10240x64xf32, #tpu.memory_space<vmem_shared>> -> memref<10240x64xf32, #tpu.memory_space<vmem_shared>>
    tpu.enqueue_indirect_dma source(%arg13 : memref<128x64xf32, #tpu.memory_space<vmem>>) target(%dma_start3A_161 : memref<10240x64xf32, #tpu.memory_space<vmem_shared>>) offsets(%dma_start3A_158 : memref<128xi32, #tpu.memory_space<vmem>>) semaphore(%arg32 : memref<!tpu.dma_semaphore, #tpu.memory_space<semaphore_mem>>) {add = true}
    %dma_start3A_162 = arith.constant 74 : i32
    %dma_start3A_163 = arith.constant 0 : i32
    %dma_start3A_164 = tpu.memref_slice %arg10[%dma_start3A_162, %dma_start3A_163] : memref<80x128xi32, #tpu.memory_space<vmem>> -> memref<1x128xi32, #tpu.memory_space<vmem>>
    %dma_start3A_165 = tpu.memref_squeeze %dma_start3A_164 : memref<1x128xi32, #tpu.memory_space<vmem>> -> memref<128xi32, #tpu.memory_space<vmem>>
    %dma_start3A_166 = arith.constant 0 : i32
    %dma_start3A_167 = tpu.memref_slice %arg21[%dma_start3A_166] : memref<10240xf32, #tpu.memory_space<vmem_shared>> -> memref<10240xf32, #tpu.memory_space<vmem_shared>>
    tpu.enqueue_indirect_dma source(%arg19 : memref<128xf32, #tpu.memory_space<vmem>>) target(%dma_start3A_167 : memref<10240xf32, #tpu.memory_space<vmem_shared>>) offsets(%dma_start3A_165 : memref<128xi32, #tpu.memory_space<vmem>>) semaphore(%arg38 : memref<!tpu.dma_semaphore, #tpu.memory_space<semaphore_mem>>) {add = true}
    %dma_wait3A_168 = arith.constant 0 : i32
    %dma_wait3A_169 = arith.constant 0 : i32
    %dma_wait3A_170 = tpu.memref_slice %arg10[%dma_wait3A_168, %dma_wait3A_169] : memref<80x128xi32, #tpu.memory_space<vmem>> -> memref<1x128xi32, #tpu.memory_space<vmem>>
    %dma_wait3A_171 = tpu.memref_squeeze %dma_wait3A_170 : memref<1x128xi32, #tpu.memory_space<vmem>> -> memref<128xi32, #tpu.memory_space<vmem>>
    %dma_wait3A_172 = arith.constant 0 : i32
    %dma_wait3A_173 = tpu.memref_slice %arg21[%dma_wait3A_172] : memref<10240xf32, #tpu.memory_space<vmem_shared>> -> memref<10240xf32, #tpu.memory_space<vmem_shared>>
    tpu.wait_indirect_dma semaphore(%arg38 : memref<!tpu.dma_semaphore, #tpu.memory_space<semaphore_mem>>) src(%arg19 : memref<128xf32, #tpu.memory_space<vmem>>) dst(%dma_wait3A_173 : memref<10240xf32, #tpu.memory_space<vmem_shared>>)
    %dma_wait3A_174 = arith.constant 0 : i32
    %dma_wait3A_175 = arith.constant 0 : i32
    %dma_wait3A_176 = tpu.memref_slice %arg9[%dma_wait3A_174, %dma_wait3A_175] : memref<80x128xi32, #tpu.memory_space<vmem>> -> memref<1x128xi32, #tpu.memory_space<vmem>>
    %dma_wait3A_177 = tpu.memref_squeeze %dma_wait3A_176 : memref<1x128xi32, #tpu.memory_space<vmem>> -> memref<128xi32, #tpu.memory_space<vmem>>
    %dma_wait3A_178 = arith.constant 0 : i32
    %dma_wait3A_179 = arith.constant 0 : i32
    %dma_wait3A_180 = tpu.memref_slice %arg4[%dma_wait3A_178, %dma_wait3A_179] : memref<10000x64xf32, #tpu.memory_space<hbm>> -> memref<10000x64xf32, #tpu.memory_space<hbm>>
    tpu.wait_indirect_dma semaphore(%arg25 : memref<!tpu.dma_semaphore, #tpu.memory_space<semaphore_mem>>) src(%dma_wait3A_180 : memref<10000x64xf32, #tpu.memory_space<hbm>>) dst(%arg14 : memref<128x64xf32, #tpu.memory_space<vmem>>)
    %dma_start3A_181 = arith.constant 75 : i32
    %dma_start3A_182 = arith.constant 0 : i32
    %dma_start3A_183 = tpu.memref_slice %arg10[%dma_start3A_181, %dma_start3A_182] : memref<80x128xi32, #tpu.memory_space<vmem>> -> memref<1x128xi32, #tpu.memory_space<vmem>>
    %dma_start3A_184 = tpu.memref_squeeze %dma_start3A_183 : memref<1x128xi32, #tpu.memory_space<vmem>> -> memref<128xi32, #tpu.memory_space<vmem>>
    %dma_start3A_185 = arith.constant 0 : i32
    %dma_start3A_186 = arith.constant 0 : i32
    %dma_start3A_187 = tpu.memref_slice %arg20[%dma_start3A_185, %dma_start3A_186] : memref<10240x64xf32, #tpu.memory_space<vmem_shared>> -> memref<10240x64xf32, #tpu.memory_space<vmem_shared>>
    tpu.enqueue_indirect_dma source(%arg14 : memref<128x64xf32, #tpu.memory_space<vmem>>) target(%dma_start3A_187 : memref<10240x64xf32, #tpu.memory_space<vmem_shared>>) offsets(%dma_start3A_184 : memref<128xi32, #tpu.memory_space<vmem>>) semaphore(%arg33 : memref<!tpu.dma_semaphore, #tpu.memory_space<semaphore_mem>>) {add = true}
    %dma_start3A_188 = arith.constant 75 : i32
    %dma_start3A_189 = arith.constant 0 : i32
    %dma_start3A_190 = tpu.memref_slice %arg10[%dma_start3A_188, %dma_start3A_189] : memref<80x128xi32, #tpu.memory_space<vmem>> -> memref<1x128xi32, #tpu.memory_space<vmem>>
    %dma_start3A_191 = tpu.memref_squeeze %dma_start3A_190 : memref<1x128xi32, #tpu.memory_space<vmem>> -> memref<128xi32, #tpu.memory_space<vmem>>
    %dma_start3A_192 = arith.constant 0 : i32
    %dma_start3A_193 = tpu.memref_slice %arg21[%dma_start3A_192] : memref<10240xf32, #tpu.memory_space<vmem_shared>> -> memref<10240xf32, #tpu.memory_space<vmem_shared>>
    tpu.enqueue_indirect_dma source(%arg19 : memref<128xf32, #tpu.memory_space<vmem>>) target(%dma_start3A_193 : memref<10240xf32, #tpu.memory_space<vmem_shared>>) offsets(%dma_start3A_191 : memref<128xi32, #tpu.memory_space<vmem>>) semaphore(%arg38 : memref<!tpu.dma_semaphore, #tpu.memory_space<semaphore_mem>>) {add = true}
    %dma_wait3A_194 = arith.constant 0 : i32
    %dma_wait3A_195 = arith.constant 0 : i32
    %dma_wait3A_196 = tpu.memref_slice %arg10[%dma_wait3A_194, %dma_wait3A_195] : memref<80x128xi32, #tpu.memory_space<vmem>> -> memref<1x128xi32, #tpu.memory_space<vmem>>
    %dma_wait3A_197 = tpu.memref_squeeze %dma_wait3A_196 : memref<1x128xi32, #tpu.memory_space<vmem>> -> memref<128xi32, #tpu.memory_space<vmem>>
    %dma_wait3A_198 = arith.constant 0 : i32
    %dma_wait3A_199 = tpu.memref_slice %arg21[%dma_wait3A_198] : memref<10240xf32, #tpu.memory_space<vmem_shared>> -> memref<10240xf32, #tpu.memory_space<vmem_shared>>
    tpu.wait_indirect_dma semaphore(%arg38 : memref<!tpu.dma_semaphore, #tpu.memory_space<semaphore_mem>>) src(%arg19 : memref<128xf32, #tpu.memory_space<vmem>>) dst(%dma_wait3A_199 : memref<10240xf32, #tpu.memory_space<vmem_shared>>)
    %dma_wait3A_200 = arith.constant 0 : i32
    %dma_wait3A_201 = arith.constant 0 : i32
    %dma_wait3A_202 = tpu.memref_slice %arg9[%dma_wait3A_200, %dma_wait3A_201] : memref<80x128xi32, #tpu.memory_space<vmem>> -> memref<1x128xi32, #tpu.memory_space<vmem>>
    %dma_wait3A_203 = tpu.memref_squeeze %dma_wait3A_202 : memref<1x128xi32, #tpu.memory_space<vmem>> -> memref<128xi32, #tpu.memory_space<vmem>>
    %dma_wait3A_204 = arith.constant 0 : i32
    %dma_wait3A_205 = arith.constant 0 : i32
    %dma_wait3A_206 = tpu.memref_slice %arg4[%dma_wait3A_204, %dma_wait3A_205] : memref<10000x64xf32, #tpu.memory_space<hbm>> -> memref<10000x64xf32, #tpu.memory_space<hbm>>
    tpu.wait_indirect_dma semaphore(%arg26 : memref<!tpu.dma_semaphore, #tpu.memory_space<semaphore_mem>>) src(%dma_wait3A_206 : memref<10000x64xf32, #tpu.memory_space<hbm>>) dst(%arg15 : memref<128x64xf32, #tpu.memory_space<vmem>>)
    %dma_start3A_207 = arith.constant 76 : i32
    %dma_start3A_208 = arith.constant 0 : i32
    %dma_start3A_209 = tpu.memref_slice %arg10[%dma_start3A_207, %dma_start3A_208] : memref<80x128xi32, #tpu.memory_space<vmem>> -> memref<1x128xi32, #tpu.memory_space<vmem>>
    %dma_start3A_210 = tpu.memref_squeeze %dma_start3A_209 : memref<1x128xi32, #tpu.memory_space<vmem>> -> memref<128xi32, #tpu.memory_space<vmem>>
    %dma_start3A_211 = arith.constant 0 : i32
    %dma_start3A_212 = arith.constant 0 : i32
    %dma_start3A_213 = tpu.memref_slice %arg20[%dma_start3A_211, %dma_start3A_212] : memref<10240x64xf32, #tpu.memory_space<vmem_shared>> -> memref<10240x64xf32, #tpu.memory_space<vmem_shared>>
    tpu.enqueue_indirect_dma source(%arg15 : memref<128x64xf32, #tpu.memory_space<vmem>>) target(%dma_start3A_213 : memref<10240x64xf32, #tpu.memory_space<vmem_shared>>) offsets(%dma_start3A_210 : memref<128xi32, #tpu.memory_space<vmem>>) semaphore(%arg34 : memref<!tpu.dma_semaphore, #tpu.memory_space<semaphore_mem>>) {add = true}
    %dma_start3A_214 = arith.constant 76 : i32
    %dma_start3A_215 = arith.constant 0 : i32
    %dma_start3A_216 = tpu.memref_slice %arg10[%dma_start3A_214, %dma_start3A_215] : memref<80x128xi32, #tpu.memory_space<vmem>> -> memref<1x128xi32, #tpu.memory_space<vmem>>
    %dma_start3A_217 = tpu.memref_squeeze %dma_start3A_216 : memref<1x128xi32, #tpu.memory_space<vmem>> -> memref<128xi32, #tpu.memory_space<vmem>>
    %dma_start3A_218 = arith.constant 0 : i32
    %dma_start3A_219 = tpu.memref_slice %arg21[%dma_start3A_218] : memref<10240xf32, #tpu.memory_space<vmem_shared>> -> memref<10240xf32, #tpu.memory_space<vmem_shared>>
    tpu.enqueue_indirect_dma source(%arg19 : memref<128xf32, #tpu.memory_space<vmem>>) target(%dma_start3A_219 : memref<10240xf32, #tpu.memory_space<vmem_shared>>) offsets(%dma_start3A_217 : memref<128xi32, #tpu.memory_space<vmem>>) semaphore(%arg38 : memref<!tpu.dma_semaphore, #tpu.memory_space<semaphore_mem>>) {add = true}
    %dma_wait3A_220 = arith.constant 0 : i32
    %dma_wait3A_221 = arith.constant 0 : i32
    %dma_wait3A_222 = tpu.memref_slice %arg10[%dma_wait3A_220, %dma_wait3A_221] : memref<80x128xi32, #tpu.memory_space<vmem>> -> memref<1x128xi32, #tpu.memory_space<vmem>>
    %dma_wait3A_223 = tpu.memref_squeeze %dma_wait3A_222 : memref<1x128xi32, #tpu.memory_space<vmem>> -> memref<128xi32, #tpu.memory_space<vmem>>
    %dma_wait3A_224 = arith.constant 0 : i32
    %dma_wait3A_225 = tpu.memref_slice %arg21[%dma_wait3A_224] : memref<10240xf32, #tpu.memory_space<vmem_shared>> -> memref<10240xf32, #tpu.memory_space<vmem_shared>>
    tpu.wait_indirect_dma semaphore(%arg38 : memref<!tpu.dma_semaphore, #tpu.memory_space<semaphore_mem>>) src(%arg19 : memref<128xf32, #tpu.memory_space<vmem>>) dst(%dma_wait3A_225 : memref<10240xf32, #tpu.memory_space<vmem_shared>>)
    %dma_wait3A_226 = arith.constant 0 : i32
    %dma_wait3A_227 = arith.constant 0 : i32
    %dma_wait3A_228 = tpu.memref_slice %arg9[%dma_wait3A_226, %dma_wait3A_227] : memref<80x128xi32, #tpu.memory_space<vmem>> -> memref<1x128xi32, #tpu.memory_space<vmem>>
    %dma_wait3A_229 = tpu.memref_squeeze %dma_wait3A_228 : memref<1x128xi32, #tpu.memory_space<vmem>> -> memref<128xi32, #tpu.memory_space<vmem>>
    %dma_wait3A_230 = arith.constant 0 : i32
    %dma_wait3A_231 = arith.constant 0 : i32
    %dma_wait3A_232 = tpu.memref_slice %arg4[%dma_wait3A_230, %dma_wait3A_231] : memref<10000x64xf32, #tpu.memory_space<hbm>> -> memref<10000x64xf32, #tpu.memory_space<hbm>>
    tpu.wait_indirect_dma semaphore(%arg27 : memref<!tpu.dma_semaphore, #tpu.memory_space<semaphore_mem>>) src(%dma_wait3A_232 : memref<10000x64xf32, #tpu.memory_space<hbm>>) dst(%arg16 : memref<128x64xf32, #tpu.memory_space<vmem>>)
    %dma_start3A_233 = arith.constant 77 : i32
    %dma_start3A_234 = arith.constant 0 : i32
    %dma_start3A_235 = tpu.memref_slice %arg10[%dma_start3A_233, %dma_start3A_234] : memref<80x128xi32, #tpu.memory_space<vmem>> -> memref<1x128xi32, #tpu.memory_space<vmem>>
    %dma_start3A_236 = tpu.memref_squeeze %dma_start3A_235 : memref<1x128xi32, #tpu.memory_space<vmem>> -> memref<128xi32, #tpu.memory_space<vmem>>
    %dma_start3A_237 = arith.constant 0 : i32
    %dma_start3A_238 = arith.constant 0 : i32
    %dma_start3A_239 = tpu.memref_slice %arg20[%dma_start3A_237, %dma_start3A_238] : memref<10240x64xf32, #tpu.memory_space<vmem_shared>> -> memref<10240x64xf32, #tpu.memory_space<vmem_shared>>
    tpu.enqueue_indirect_dma source(%arg16 : memref<128x64xf32, #tpu.memory_space<vmem>>) target(%dma_start3A_239 : memref<10240x64xf32, #tpu.memory_space<vmem_shared>>) offsets(%dma_start3A_236 : memref<128xi32, #tpu.memory_space<vmem>>) semaphore(%arg35 : memref<!tpu.dma_semaphore, #tpu.memory_space<semaphore_mem>>) {add = true}
    %dma_start3A_240 = arith.constant 77 : i32
    %dma_start3A_241 = arith.constant 0 : i32
    %dma_start3A_242 = tpu.memref_slice %arg10[%dma_start3A_240, %dma_start3A_241] : memref<80x128xi32, #tpu.memory_space<vmem>> -> memref<1x128xi32, #tpu.memory_space<vmem>>
    %dma_start3A_243 = tpu.memref_squeeze %dma_start3A_242 : memref<1x128xi32, #tpu.memory_space<vmem>> -> memref<128xi32, #tpu.memory_space<vmem>>
    %dma_start3A_244 = arith.constant 0 : i32
    %dma_start3A_245 = tpu.memref_slice %arg21[%dma_start3A_244] : memref<10240xf32, #tpu.memory_space<vmem_shared>> -> memref<10240xf32, #tpu.memory_space<vmem_shared>>
    tpu.enqueue_indirect_dma source(%arg19 : memref<128xf32, #tpu.memory_space<vmem>>) target(%dma_start3A_245 : memref<10240xf32, #tpu.memory_space<vmem_shared>>) offsets(%dma_start3A_243 : memref<128xi32, #tpu.memory_space<vmem>>) semaphore(%arg38 : memref<!tpu.dma_semaphore, #tpu.memory_space<semaphore_mem>>) {add = true}
    %dma_wait3A_246 = arith.constant 0 : i32
    %dma_wait3A_247 = arith.constant 0 : i32
    %dma_wait3A_248 = tpu.memref_slice %arg10[%dma_wait3A_246, %dma_wait3A_247] : memref<80x128xi32, #tpu.memory_space<vmem>> -> memref<1x128xi32, #tpu.memory_space<vmem>>
    %dma_wait3A_249 = tpu.memref_squeeze %dma_wait3A_248 : memref<1x128xi32, #tpu.memory_space<vmem>> -> memref<128xi32, #tpu.memory_space<vmem>>
    %dma_wait3A_250 = arith.constant 0 : i32
    %dma_wait3A_251 = tpu.memref_slice %arg21[%dma_wait3A_250] : memref<10240xf32, #tpu.memory_space<vmem_shared>> -> memref<10240xf32, #tpu.memory_space<vmem_shared>>
    tpu.wait_indirect_dma semaphore(%arg38 : memref<!tpu.dma_semaphore, #tpu.memory_space<semaphore_mem>>) src(%arg19 : memref<128xf32, #tpu.memory_space<vmem>>) dst(%dma_wait3A_251 : memref<10240xf32, #tpu.memory_space<vmem_shared>>)
    %dma_wait3A_252 = arith.constant 0 : i32
    %dma_wait3A_253 = arith.constant 0 : i32
    %dma_wait3A_254 = tpu.memref_slice %arg9[%dma_wait3A_252, %dma_wait3A_253] : memref<80x128xi32, #tpu.memory_space<vmem>> -> memref<1x128xi32, #tpu.memory_space<vmem>>
    %dma_wait3A_255 = tpu.memref_squeeze %dma_wait3A_254 : memref<1x128xi32, #tpu.memory_space<vmem>> -> memref<128xi32, #tpu.memory_space<vmem>>
    %dma_wait3A_256 = arith.constant 0 : i32
    %dma_wait3A_257 = arith.constant 0 : i32
    %dma_wait3A_258 = tpu.memref_slice %arg4[%dma_wait3A_256, %dma_wait3A_257] : memref<10000x64xf32, #tpu.memory_space<hbm>> -> memref<10000x64xf32, #tpu.memory_space<hbm>>
    tpu.wait_indirect_dma semaphore(%arg28 : memref<!tpu.dma_semaphore, #tpu.memory_space<semaphore_mem>>) src(%dma_wait3A_258 : memref<10000x64xf32, #tpu.memory_space<hbm>>) dst(%arg17 : memref<128x64xf32, #tpu.memory_space<vmem>>)
    %dma_start3A_259 = arith.constant 78 : i32
    %dma_start3A_260 = arith.constant 0 : i32
    %dma_start3A_261 = tpu.memref_slice %arg10[%dma_start3A_259, %dma_start3A_260] : memref<80x128xi32, #tpu.memory_space<vmem>> -> memref<1x128xi32, #tpu.memory_space<vmem>>
    %dma_start3A_262 = tpu.memref_squeeze %dma_start3A_261 : memref<1x128xi32, #tpu.memory_space<vmem>> -> memref<128xi32, #tpu.memory_space<vmem>>
    %dma_start3A_263 = arith.constant 0 : i32
    %dma_start3A_264 = arith.constant 0 : i32
    %dma_start3A_265 = tpu.memref_slice %arg20[%dma_start3A_263, %dma_start3A_264] : memref<10240x64xf32, #tpu.memory_space<vmem_shared>> -> memref<10240x64xf32, #tpu.memory_space<vmem_shared>>
    tpu.enqueue_indirect_dma source(%arg17 : memref<128x64xf32, #tpu.memory_space<vmem>>) target(%dma_start3A_265 : memref<10240x64xf32, #tpu.memory_space<vmem_shared>>) offsets(%dma_start3A_262 : memref<128xi32, #tpu.memory_space<vmem>>) semaphore(%arg36 : memref<!tpu.dma_semaphore, #tpu.memory_space<semaphore_mem>>) {add = true}
    %dma_start3A_266 = arith.constant 78 : i32
    %dma_start3A_267 = arith.constant 0 : i32
    %dma_start3A_268 = tpu.memref_slice %arg10[%dma_start3A_266, %dma_start3A_267] : memref<80x128xi32, #tpu.memory_space<vmem>> -> memref<1x128xi32, #tpu.memory_space<vmem>>
    %dma_start3A_269 = tpu.memref_squeeze %dma_start3A_268 : memref<1x128xi32, #tpu.memory_space<vmem>> -> memref<128xi32, #tpu.memory_space<vmem>>
    %dma_start3A_270 = arith.constant 0 : i32
    %dma_start3A_271 = tpu.memref_slice %arg21[%dma_start3A_270] : memref<10240xf32, #tpu.memory_space<vmem_shared>> -> memref<10240xf32, #tpu.memory_space<vmem_shared>>
    tpu.enqueue_indirect_dma source(%arg19 : memref<128xf32, #tpu.memory_space<vmem>>) target(%dma_start3A_271 : memref<10240xf32, #tpu.memory_space<vmem_shared>>) offsets(%dma_start3A_269 : memref<128xi32, #tpu.memory_space<vmem>>) semaphore(%arg38 : memref<!tpu.dma_semaphore, #tpu.memory_space<semaphore_mem>>) {add = true}
    %dma_wait3A_272 = arith.constant 0 : i32
    %dma_wait3A_273 = arith.constant 0 : i32
    %dma_wait3A_274 = tpu.memref_slice %arg10[%dma_wait3A_272, %dma_wait3A_273] : memref<80x128xi32, #tpu.memory_space<vmem>> -> memref<1x128xi32, #tpu.memory_space<vmem>>
    %dma_wait3A_275 = tpu.memref_squeeze %dma_wait3A_274 : memref<1x128xi32, #tpu.memory_space<vmem>> -> memref<128xi32, #tpu.memory_space<vmem>>
    %dma_wait3A_276 = arith.constant 0 : i32
    %dma_wait3A_277 = tpu.memref_slice %arg21[%dma_wait3A_276] : memref<10240xf32, #tpu.memory_space<vmem_shared>> -> memref<10240xf32, #tpu.memory_space<vmem_shared>>
    tpu.wait_indirect_dma semaphore(%arg38 : memref<!tpu.dma_semaphore, #tpu.memory_space<semaphore_mem>>) src(%arg19 : memref<128xf32, #tpu.memory_space<vmem>>) dst(%dma_wait3A_277 : memref<10240xf32, #tpu.memory_space<vmem_shared>>)
    %dma_wait3A_278 = arith.constant 0 : i32
    %dma_wait3A_279 = arith.constant 0 : i32
    %dma_wait3A_280 = tpu.memref_slice %arg9[%dma_wait3A_278, %dma_wait3A_279] : memref<80x128xi32, #tpu.memory_space<vmem>> -> memref<1x128xi32, #tpu.memory_space<vmem>>
    %dma_wait3A_281 = tpu.memref_squeeze %dma_wait3A_280 : memref<1x128xi32, #tpu.memory_space<vmem>> -> memref<128xi32, #tpu.memory_space<vmem>>
    %dma_wait3A_282 = arith.constant 0 : i32
    %dma_wait3A_283 = arith.constant 0 : i32
    %dma_wait3A_284 = tpu.memref_slice %arg4[%dma_wait3A_282, %dma_wait3A_283] : memref<10000x64xf32, #tpu.memory_space<hbm>> -> memref<10000x64xf32, #tpu.memory_space<hbm>>
    tpu.wait_indirect_dma semaphore(%arg29 : memref<!tpu.dma_semaphore, #tpu.memory_space<semaphore_mem>>) src(%dma_wait3A_284 : memref<10000x64xf32, #tpu.memory_space<hbm>>) dst(%arg18 : memref<128x64xf32, #tpu.memory_space<vmem>>)
    %dma_start3A_285 = arith.constant 79 : i32
    %dma_start3A_286 = arith.constant 0 : i32
    %dma_start3A_287 = tpu.memref_slice %arg10[%dma_start3A_285, %dma_start3A_286] : memref<80x128xi32, #tpu.memory_space<vmem>> -> memref<1x128xi32, #tpu.memory_space<vmem>>
    %dma_start3A_288 = tpu.memref_squeeze %dma_start3A_287 : memref<1x128xi32, #tpu.memory_space<vmem>> -> memref<128xi32, #tpu.memory_space<vmem>>
    %dma_start3A_289 = arith.constant 0 : i32
    %dma_start3A_290 = arith.constant 0 : i32
    %dma_start3A_291 = tpu.memref_slice %arg20[%dma_start3A_289, %dma_start3A_290] : memref<10240x64xf32, #tpu.memory_space<vmem_shared>> -> memref<10240x64xf32, #tpu.memory_space<vmem_shared>>
    tpu.enqueue_indirect_dma source(%arg18 : memref<128x64xf32, #tpu.memory_space<vmem>>) target(%dma_start3A_291 : memref<10240x64xf32, #tpu.memory_space<vmem_shared>>) offsets(%dma_start3A_288 : memref<128xi32, #tpu.memory_space<vmem>>) semaphore(%arg37 : memref<!tpu.dma_semaphore, #tpu.memory_space<semaphore_mem>>) {add = true}
    %dma_start3A_292 = arith.constant 79 : i32
    %dma_start3A_293 = arith.constant 0 : i32
    %dma_start3A_294 = tpu.memref_slice %arg10[%dma_start3A_292, %dma_start3A_293] : memref<80x128xi32, #tpu.memory_space<vmem>> -> memref<1x128xi32, #tpu.memory_space<vmem>>
    %dma_start3A_295 = tpu.memref_squeeze %dma_start3A_294 : memref<1x128xi32, #tpu.memory_space<vmem>> -> memref<128xi32, #tpu.memory_space<vmem>>
    %dma_start3A_296 = arith.constant 0 : i32
    %dma_start3A_297 = tpu.memref_slice %arg21[%dma_start3A_296] : memref<10240xf32, #tpu.memory_space<vmem_shared>> -> memref<10240xf32, #tpu.memory_space<vmem_shared>>
    tpu.enqueue_indirect_dma source(%arg19 : memref<128xf32, #tpu.memory_space<vmem>>) target(%dma_start3A_297 : memref<10240xf32, #tpu.memory_space<vmem_shared>>) offsets(%dma_start3A_295 : memref<128xi32, #tpu.memory_space<vmem>>) semaphore(%arg38 : memref<!tpu.dma_semaphore, #tpu.memory_space<semaphore_mem>>) {add = true}
    %dma_wait3A_298 = arith.constant 0 : i32
    %dma_wait3A_299 = arith.constant 0 : i32
    %dma_wait3A_300 = tpu.memref_slice %arg10[%dma_wait3A_298, %dma_wait3A_299] : memref<80x128xi32, #tpu.memory_space<vmem>> -> memref<1x128xi32, #tpu.memory_space<vmem>>
    %dma_wait3A_301 = tpu.memref_squeeze %dma_wait3A_300 : memref<1x128xi32, #tpu.memory_space<vmem>> -> memref<128xi32, #tpu.memory_space<vmem>>
    %dma_wait3A_302 = arith.constant 0 : i32
    %dma_wait3A_303 = tpu.memref_slice %arg21[%dma_wait3A_302] : memref<10240xf32, #tpu.memory_space<vmem_shared>> -> memref<10240xf32, #tpu.memory_space<vmem_shared>>
    tpu.wait_indirect_dma semaphore(%arg38 : memref<!tpu.dma_semaphore, #tpu.memory_space<semaphore_mem>>) src(%arg19 : memref<128xf32, #tpu.memory_space<vmem>>) dst(%dma_wait3A_303 : memref<10240xf32, #tpu.memory_space<vmem_shared>>)
    %dma_wait3A_304 = arith.constant 0 : i32
    %dma_wait3A_305 = arith.constant 0 : i32
    %dma_wait3A_306 = tpu.memref_slice %arg10[%dma_wait3A_304, %dma_wait3A_305] : memref<80x128xi32, #tpu.memory_space<vmem>> -> memref<1x128xi32, #tpu.memory_space<vmem>>
    %dma_wait3A_307 = tpu.memref_squeeze %dma_wait3A_306 : memref<1x128xi32, #tpu.memory_space<vmem>> -> memref<128xi32, #tpu.memory_space<vmem>>
    %dma_wait3A_308 = arith.constant 0 : i32
    %dma_wait3A_309 = arith.constant 0 : i32
    %dma_wait3A_310 = tpu.memref_slice %arg20[%dma_wait3A_308, %dma_wait3A_309] : memref<10240x64xf32, #tpu.memory_space<vmem_shared>> -> memref<10240x64xf32, #tpu.memory_space<vmem_shared>>
    tpu.wait_indirect_dma semaphore(%arg30 : memref<!tpu.dma_semaphore, #tpu.memory_space<semaphore_mem>>) src(%arg11 : memref<128x64xf32, #tpu.memory_space<vmem>>) dst(%dma_wait3A_310 : memref<10240x64xf32, #tpu.memory_space<vmem_shared>>)
    %dma_wait3A_311 = arith.constant 0 : i32
    %dma_wait3A_312 = arith.constant 0 : i32
    %dma_wait3A_313 = tpu.memref_slice %arg10[%dma_wait3A_311, %dma_wait3A_312] : memref<80x128xi32, #tpu.memory_space<vmem>> -> memref<1x128xi32, #tpu.memory_space<vmem>>
    %dma_wait3A_314 = tpu.memref_squeeze %dma_wait3A_313 : memref<1x128xi32, #tpu.memory_space<vmem>> -> memref<128xi32, #tpu.memory_space<vmem>>
    %dma_wait3A_315 = arith.constant 0 : i32
    %dma_wait3A_316 = arith.constant 0 : i32
    %dma_wait3A_317 = tpu.memref_slice %arg20[%dma_wait3A_315, %dma_wait3A_316] : memref<10240x64xf32, #tpu.memory_space<vmem_shared>> -> memref<10240x64xf32, #tpu.memory_space<vmem_shared>>
    tpu.wait_indirect_dma semaphore(%arg31 : memref<!tpu.dma_semaphore, #tpu.memory_space<semaphore_mem>>) src(%arg12 : memref<128x64xf32, #tpu.memory_space<vmem>>) dst(%dma_wait3A_317 : memref<10240x64xf32, #tpu.memory_space<vmem_shared>>)
    %dma_wait3A_318 = arith.constant 0 : i32
    %dma_wait3A_319 = arith.constant 0 : i32
    %dma_wait3A_320 = tpu.memref_slice %arg10[%dma_wait3A_318, %dma_wait3A_319] : memref<80x128xi32, #tpu.memory_space<vmem>> -> memref<1x128xi32, #tpu.memory_space<vmem>>
    %dma_wait3A_321 = tpu.memref_squeeze %dma_wait3A_320 : memref<1x128xi32, #tpu.memory_space<vmem>> -> memref<128xi32, #tpu.memory_space<vmem>>
    %dma_wait3A_322 = arith.constant 0 : i32
    %dma_wait3A_323 = arith.constant 0 : i32
    %dma_wait3A_324 = tpu.memref_slice %arg20[%dma_wait3A_322, %dma_wait3A_323] : memref<10240x64xf32, #tpu.memory_space<vmem_shared>> -> memref<10240x64xf32, #tpu.memory_space<vmem_shared>>
    tpu.wait_indirect_dma semaphore(%arg32 : memref<!tpu.dma_semaphore, #tpu.memory_space<semaphore_mem>>) src(%arg13 : memref<128x64xf32, #tpu.memory_space<vmem>>) dst(%dma_wait3A_324 : memref<10240x64xf32, #tpu.memory_space<vmem_shared>>)
    %dma_wait3A_325 = arith.constant 0 : i32
    %dma_wait3A_326 = arith.constant 0 : i32
    %dma_wait3A_327 = tpu.memref_slice %arg10[%dma_wait3A_325, %dma_wait3A_326] : memref<80x128xi32, #tpu.memory_space<vmem>> -> memref<1x128xi32, #tpu.memory_space<vmem>>
    %dma_wait3A_328 = tpu.memref_squeeze %dma_wait3A_327 : memref<1x128xi32, #tpu.memory_space<vmem>> -> memref<128xi32, #tpu.memory_space<vmem>>
    %dma_wait3A_329 = arith.constant 0 : i32
    %dma_wait3A_330 = arith.constant 0 : i32
    %dma_wait3A_331 = tpu.memref_slice %arg20[%dma_wait3A_329, %dma_wait3A_330] : memref<10240x64xf32, #tpu.memory_space<vmem_shared>> -> memref<10240x64xf32, #tpu.memory_space<vmem_shared>>
    tpu.wait_indirect_dma semaphore(%arg33 : memref<!tpu.dma_semaphore, #tpu.memory_space<semaphore_mem>>) src(%arg14 : memref<128x64xf32, #tpu.memory_space<vmem>>) dst(%dma_wait3A_331 : memref<10240x64xf32, #tpu.memory_space<vmem_shared>>)
    %dma_wait3A_332 = arith.constant 0 : i32
    %dma_wait3A_333 = arith.constant 0 : i32
    %dma_wait3A_334 = tpu.memref_slice %arg10[%dma_wait3A_332, %dma_wait3A_333] : memref<80x128xi32, #tpu.memory_space<vmem>> -> memref<1x128xi32, #tpu.memory_space<vmem>>
    %dma_wait3A_335 = tpu.memref_squeeze %dma_wait3A_334 : memref<1x128xi32, #tpu.memory_space<vmem>> -> memref<128xi32, #tpu.memory_space<vmem>>
    %dma_wait3A_336 = arith.constant 0 : i32
    %dma_wait3A_337 = arith.constant 0 : i32
    %dma_wait3A_338 = tpu.memref_slice %arg20[%dma_wait3A_336, %dma_wait3A_337] : memref<10240x64xf32, #tpu.memory_space<vmem_shared>> -> memref<10240x64xf32, #tpu.memory_space<vmem_shared>>
    tpu.wait_indirect_dma semaphore(%arg34 : memref<!tpu.dma_semaphore, #tpu.memory_space<semaphore_mem>>) src(%arg15 : memref<128x64xf32, #tpu.memory_space<vmem>>) dst(%dma_wait3A_338 : memref<10240x64xf32, #tpu.memory_space<vmem_shared>>)
    %dma_wait3A_339 = arith.constant 0 : i32
    %dma_wait3A_340 = arith.constant 0 : i32
    %dma_wait3A_341 = tpu.memref_slice %arg10[%dma_wait3A_339, %dma_wait3A_340] : memref<80x128xi32, #tpu.memory_space<vmem>> -> memref<1x128xi32, #tpu.memory_space<vmem>>
    %dma_wait3A_342 = tpu.memref_squeeze %dma_wait3A_341 : memref<1x128xi32, #tpu.memory_space<vmem>> -> memref<128xi32, #tpu.memory_space<vmem>>
    %dma_wait3A_343 = arith.constant 0 : i32
    %dma_wait3A_344 = arith.constant 0 : i32
    %dma_wait3A_345 = tpu.memref_slice %arg20[%dma_wait3A_343, %dma_wait3A_344] : memref<10240x64xf32, #tpu.memory_space<vmem_shared>> -> memref<10240x64xf32, #tpu.memory_space<vmem_shared>>
    tpu.wait_indirect_dma semaphore(%arg35 : memref<!tpu.dma_semaphore, #tpu.memory_space<semaphore_mem>>) src(%arg16 : memref<128x64xf32, #tpu.memory_space<vmem>>) dst(%dma_wait3A_345 : memref<10240x64xf32, #tpu.memory_space<vmem_shared>>)
    %dma_wait3A_346 = arith.constant 0 : i32
    %dma_wait3A_347 = arith.constant 0 : i32
    %dma_wait3A_348 = tpu.memref_slice %arg10[%dma_wait3A_346, %dma_wait3A_347] : memref<80x128xi32, #tpu.memory_space<vmem>> -> memref<1x128xi32, #tpu.memory_space<vmem>>
    %dma_wait3A_349 = tpu.memref_squeeze %dma_wait3A_348 : memref<1x128xi32, #tpu.memory_space<vmem>> -> memref<128xi32, #tpu.memory_space<vmem>>
    %dma_wait3A_350 = arith.constant 0 : i32
    %dma_wait3A_351 = arith.constant 0 : i32
    %dma_wait3A_352 = tpu.memref_slice %arg20[%dma_wait3A_350, %dma_wait3A_351] : memref<10240x64xf32, #tpu.memory_space<vmem_shared>> -> memref<10240x64xf32, #tpu.memory_space<vmem_shared>>
    tpu.wait_indirect_dma semaphore(%arg36 : memref<!tpu.dma_semaphore, #tpu.memory_space<semaphore_mem>>) src(%arg17 : memref<128x64xf32, #tpu.memory_space<vmem>>) dst(%dma_wait3A_352 : memref<10240x64xf32, #tpu.memory_space<vmem_shared>>)
    %dma_wait3A_353 = arith.constant 0 : i32
    %dma_wait3A_354 = arith.constant 0 : i32
    %dma_wait3A_355 = tpu.memref_slice %arg10[%dma_wait3A_353, %dma_wait3A_354] : memref<80x128xi32, #tpu.memory_space<vmem>> -> memref<1x128xi32, #tpu.memory_space<vmem>>
    %dma_wait3A_356 = tpu.memref_squeeze %dma_wait3A_355 : memref<1x128xi32, #tpu.memory_space<vmem>> -> memref<128xi32, #tpu.memory_space<vmem>>
    %dma_wait3A_357 = arith.constant 0 : i32
    %dma_wait3A_358 = arith.constant 0 : i32
    %dma_wait3A_359 = tpu.memref_slice %arg20[%dma_wait3A_357, %dma_wait3A_358] : memref<10240x64xf32, #tpu.memory_space<vmem_shared>> -> memref<10240x64xf32, #tpu.memory_space<vmem_shared>>
    tpu.wait_indirect_dma semaphore(%arg37 : memref<!tpu.dma_semaphore, #tpu.memory_space<semaphore_mem>>) src(%arg18 : memref<128x64xf32, #tpu.memory_space<vmem>>) dst(%dma_wait3A_359 : memref<10240x64xf32, #tpu.memory_space<vmem_shared>>)
    %dma_wait3A_360 = arith.constant 0 : i32
    %dma_wait3A_361 = arith.constant 0 : i32
    %dma_wait3A_362 = tpu.memref_slice %arg10[%dma_wait3A_360, %dma_wait3A_361] : memref<80x128xi32, #tpu.memory_space<vmem>> -> memref<1x128xi32, #tpu.memory_space<vmem>>
    %dma_wait3A_363 = tpu.memref_squeeze %dma_wait3A_362 : memref<1x128xi32, #tpu.memory_space<vmem>> -> memref<128xi32, #tpu.memory_space<vmem>>
    %dma_wait3A_364 = arith.constant 0 : i32
    %dma_wait3A_365 = tpu.memref_slice %arg21[%dma_wait3A_364] : memref<10240xf32, #tpu.memory_space<vmem_shared>> -> memref<10240xf32, #tpu.memory_space<vmem_shared>>
    tpu.wait_indirect_dma semaphore(%arg38 : memref<!tpu.dma_semaphore, #tpu.memory_space<semaphore_mem>>) src(%arg19 : memref<128xf32, #tpu.memory_space<vmem>>) dst(%dma_wait3A_365 : memref<10240xf32, #tpu.memory_space<vmem_shared>>)
    %dma_wait3A_366 = arith.constant 0 : i32
    %dma_wait3A_367 = arith.constant 0 : i32
    %dma_wait3A_368 = tpu.memref_slice %arg10[%dma_wait3A_366, %dma_wait3A_367] : memref<80x128xi32, #tpu.memory_space<vmem>> -> memref<1x128xi32, #tpu.memory_space<vmem>>
    %dma_wait3A_369 = tpu.memref_squeeze %dma_wait3A_368 : memref<1x128xi32, #tpu.memory_space<vmem>> -> memref<128xi32, #tpu.memory_space<vmem>>
    %dma_wait3A_370 = arith.constant 0 : i32
    %dma_wait3A_371 = tpu.memref_slice %arg21[%dma_wait3A_370] : memref<10240xf32, #tpu.memory_space<vmem_shared>> -> memref<10240xf32, #tpu.memory_space<vmem_shared>>
    tpu.wait_indirect_dma semaphore(%arg38 : memref<!tpu.dma_semaphore, #tpu.memory_space<semaphore_mem>>) src(%arg19 : memref<128xf32, #tpu.memory_space<vmem>>) dst(%dma_wait3A_371 : memref<10240xf32, #tpu.memory_space<vmem_shared>>)
    %barrier3A_372 = arith.constant 0 : index
    tpu.barrier barrier_id(%barrier3A_372)
    %mul3A_373 = arith.constant 10240 : i32
    %mul3A_374 = arith.muli %arg0, %mul3A_373 : i32
    %add3A_375 = arith.addi %mul3A_374, %mul3A_2 : i32
    "tpu.region"() ({
      %run_scoped3A = tpu.sem_alloc : memref<!tpu.dma_semaphore, #tpu.memory_space<semaphore_mem>>
      %dma_start3A_376 = arith.constant 0 : i32
      %dma_start3A_377 = tpu.memref_slice %arg7[%add3A_375, %dma_start3A_376] : memref<20480x64xf32, #tpu.memory_space<hbm>> -> memref<640x64xf32, #tpu.memory_space<hbm>>
      %dma_start3A_378 = arith.constant 0 : i32
      %dma_start3A_379 = tpu.memref_slice %arg20[%mul3A_2, %dma_start3A_378] : memref<10240x64xf32, #tpu.memory_space<vmem_shared>> -> memref<640x64xf32, #tpu.memory_space<vmem_shared>>
      tpu.enqueue_dma source(%dma_start3A_379 : memref<640x64xf32, #tpu.memory_space<vmem_shared>>) target(%dma_start3A_377 : memref<640x64xf32, #tpu.memory_space<hbm>>) target_semaphore(%run_scoped3A : memref<!tpu.dma_semaphore, #tpu.memory_space<semaphore_mem>>)
      %dma_wait3A_380 = arith.constant 0 : i32
      %dma_wait3A_381 = tpu.memref_slice %arg7[%add3A_375, %dma_wait3A_380] : memref<20480x64xf32, #tpu.memory_space<hbm>> -> memref<640x64xf32, #tpu.memory_space<hbm>>
      %dma_wait3A_382 = arith.constant 0 : i32
      %dma_wait3A_383 = tpu.memref_slice %arg20[%mul3A_2, %dma_wait3A_382] : memref<10240x64xf32, #tpu.memory_space<vmem_shared>> -> memref<640x64xf32, #tpu.memory_space<vmem_shared>>
      tpu.wait_dma2 semaphore(%run_scoped3A : memref<!tpu.dma_semaphore, #tpu.memory_space<semaphore_mem>>) src(%dma_wait3A_383 : memref<640x64xf32, #tpu.memory_space<vmem_shared>>) dst(%dma_wait3A_381 : memref<640x64xf32, #tpu.memory_space<hbm>>)
      tpu.yield
    }) : () -> ()
    "tpu.region"() ({
      %run_scoped3A = tpu.sem_alloc : memref<!tpu.dma_semaphore, #tpu.memory_space<semaphore_mem>>
      %dma_start3A_376 = tpu.memref_slice %arg8[%add3A_375] : memref<20480xf32, #tpu.memory_space<hbm>> -> memref<640xf32, #tpu.memory_space<hbm>>
      %dma_start3A_377 = tpu.memref_slice %arg21[%mul3A_2] : memref<10240xf32, #tpu.memory_space<vmem_shared>> -> memref<640xf32, #tpu.memory_space<vmem_shared>>
      tpu.enqueue_dma source(%dma_start3A_377 : memref<640xf32, #tpu.memory_space<vmem_shared>>) target(%dma_start3A_376 : memref<640xf32, #tpu.memory_space<hbm>>) target_semaphore(%run_scoped3A : memref<!tpu.dma_semaphore, #tpu.memory_space<semaphore_mem>>)
      %dma_wait3A_378 = tpu.memref_slice %arg8[%add3A_375] : memref<20480xf32, #tpu.memory_space<hbm>> -> memref<640xf32, #tpu.memory_space<hbm>>
      %dma_wait3A_379 = tpu.memref_slice %arg21[%mul3A_2] : memref<10240xf32, #tpu.memory_space<vmem_shared>> -> memref<640xf32, #tpu.memory_space<vmem_shared>>
      tpu.wait_dma2 semaphore(%run_scoped3A : memref<!tpu.dma_semaphore, #tpu.memory_space<semaphore_mem>>) src(%dma_wait3A_379 : memref<640xf32, #tpu.memory_space<vmem_shared>>) dst(%dma_wait3A_378 : memref<640xf32, #tpu.memory_space<hbm>>)
      tpu.yield
    }) : () -> ()
    return
  }
}

module attributes {stable_mosaic.version = 14 : i64} {
  func.func @_dense_a_body(%arg0: i32, %arg1: memref<2x1024x64xf32, #tpu.memory_space<vmem>>, %arg2: memref<2x1024x1xf32, #tpu.memory_space<vmem>>, %arg3: memref<1024x128xf32, #tpu.memory_space<vmem>>, %arg4: memref<64x128xf32, #tpu.memory_space<vmem>>, %arg5: memref<256x128xf32, #tpu.memory_space<vmem>>, %arg6: memref<1x1xf32, #tpu.memory_space<vmem>>, %arg7: memref<2x1024x64xf32, #tpu.memory_space<vmem>>, %arg8: memref<1024x128xf32, #tpu.memory_space<vmem>>) attributes {dimension_semantics = [#tpu.dimension_semantics<arbitrary>], iteration_bounds = array<i64: 10>, scalar_prefetch = 0 : i64, scratch_operands = 0 : i64, tpu.core_type = #tpu.core_type<tc>, window_params = [{transform_indices = @transform_0, window_bounds = array<i64: 2, 1024, 64>}, {transform_indices = @transform_1, window_bounds = array<i64: 2, 1024, 1>}, {transform_indices = @transform_2, window_bounds = array<i64: 1024, 128>}, {pipeline_mode = #tpu.pipeline_mode<synchronous>, transform_indices = @transform_3, window_bounds = array<i64: 64, 128>}, {pipeline_mode = #tpu.pipeline_mode<synchronous>, transform_indices = @transform_4, window_bounds = array<i64: 256, 128>}, {pipeline_mode = #tpu.pipeline_mode<synchronous>, transform_indices = @transform_5, window_bounds = array<i64: 1, 1>}, {transform_indices = @transform_6, window_bounds = array<i64: 2, 1024, 64>}, {transform_indices = @transform_7, window_bounds = array<i64: 1024, 128>}]} {
    %get3A = arith.constant 0 : index
    %get3A_0 = arith.constant 0 : index
    %get3A_1 = arith.constant 0 : index
    %get3A_2 = vector.load %arg1[%get3A, %get3A_0, %get3A_1] : memref<2x1024x64xf32, #tpu.memory_space<vmem>>, vector<1x1024x64xf32>
    %get3A_3 = vector.shape_cast %get3A_2 : vector<1x1024x64xf32> to vector<1024x64xf32>
    %get3A_4 = arith.constant 1 : index
    %get3A_5 = arith.constant 0 : index
    %get3A_6 = arith.constant 0 : index
    %get3A_7 = vector.load %arg1[%get3A_4, %get3A_5, %get3A_6] : memref<2x1024x64xf32, #tpu.memory_space<vmem>>, vector<1x1024x64xf32>
    %get3A_8 = vector.shape_cast %get3A_7 : vector<1x1024x64xf32> to vector<1024x64xf32>
    %add3A = arith.addf %get3A_3, %get3A_8 : vector<1024x64xf32>
    %get3A_9 = arith.constant 0 : index
    %get3A_10 = arith.constant 0 : index
    %get3A_11 = arith.constant 0 : index
    %get3A_12 = vector.load %arg2[%get3A_9, %get3A_10, %get3A_11] : memref<2x1024x1xf32, #tpu.memory_space<vmem>>, vector<1x1024x1xf32>
    %get3A_13 = vector.shape_cast %get3A_12 : vector<1x1024x1xf32> to vector<1024x1xf32>
    %get3A_14 = arith.constant 1 : index
    %get3A_15 = arith.constant 0 : index
    %get3A_16 = arith.constant 0 : index
    %get3A_17 = vector.load %arg2[%get3A_14, %get3A_15, %get3A_16] : memref<2x1024x1xf32, #tpu.memory_space<vmem>>, vector<1x1024x1xf32>
    %get3A_18 = vector.shape_cast %get3A_17 : vector<1x1024x1xf32> to vector<1024x1xf32>
    %add3A_19 = arith.addf %get3A_13, %get3A_18 : vector<1024x1xf32>
    %max3A = arith.constant 1.000000e+00 : f32
    %max3A_20 = vector.broadcast %max3A : f32 to vector<1024x1xf32>
    %max3A_21 = arith.maximumf %add3A_19, %max3A_20 : vector<1024x1xf32>
    %get3A_22 = arith.constant 0 : index
    %get3A_23 = arith.constant 0 : index
    %get3A_24 = vector.load %arg4[%get3A_22, %get3A_23] : memref<64x128xf32, #tpu.memory_space<vmem>>, vector<64x128xf32>
    %dot_general3A = arith.constant dense<0.000000e+00> : vector<1024x128xf32>
    %dot_general3A_25 = tpu.matmul %add3A, %get3A_24, %dot_general3A {dimension_numbers = #tpu.dot_dimension_numbers<[1], [0], [0], [1], [0, 0, 1, 1], [], []>, transpose_lhs_hint = false} : vector<1024x64xf32>, vector<64x128xf32>, vector<1024x128xf32> -> vector<1024x128xf32>
    %div3A = vector.broadcast %max3A_21 : vector<1024x1xf32> to vector<1024x128xf32>
    %div3A_26 = arith.divf %dot_general3A_25, %div3A : vector<1024x128xf32>
    %get3A_27 = arith.constant 0 : index
    %get3A_28 = arith.constant 0 : index
    %get3A_29 = vector.load %arg6[%get3A_27, %get3A_28] : memref<1x1xf32, #tpu.memory_space<vmem>>, vector<1x1xf32>
    %get3A_30 = vector.extract %get3A_29[0, 0] : f32 from vector<1x1xf32>
    %gt3A = arith.constant 0.000000e+00 : f32
    %gt3A_31 = vector.broadcast %gt3A : f32 to vector<1024x128xf32>
    %gt3A_32 = arith.cmpf ogt, %div3A_26, %gt3A_31 : vector<1024x128xf32>
    %mul3A = vector.broadcast %get3A_30 : f32 to vector<1024x128xf32>
    %mul3A_33 = arith.mulf %mul3A, %div3A_26 : vector<1024x128xf32>
    %select_n3A = arith.select %gt3A_32, %div3A_26, %mul3A_33 : vector<1024x128xi1>, vector<1024x128xf32>
    %get3A_34 = arith.constant 0 : index
    %get3A_35 = arith.constant 0 : index
    %get3A_36 = vector.load %arg5[%get3A_34, %get3A_35] : memref<256x128xf32, #tpu.memory_space<vmem>>, vector<128x128xf32>
    %get3A_37 = arith.constant 128 : index
    %get3A_38 = arith.constant 0 : index
    %get3A_39 = vector.load %arg5[%get3A_37, %get3A_38] : memref<256x128xf32, #tpu.memory_space<vmem>>, vector<128x128xf32>
    %get3A_40 = arith.constant 0 : index
    %get3A_41 = arith.constant 0 : index
    %get3A_42 = vector.load %arg3[%get3A_40, %get3A_41] : memref<1024x128xf32, #tpu.memory_space<vmem>>, vector<1024x128xf32>
    %dot_general3A_43 = arith.constant dense<0.000000e+00> : vector<1024x128xf32>
    %dot_general3A_44 = tpu.matmul %get3A_42, %get3A_36, %dot_general3A_43 {dimension_numbers = #tpu.dot_dimension_numbers<[1], [0], [0], [1], [0, 0, 1, 1], [], []>, transpose_lhs_hint = false} : vector<1024x128xf32>, vector<128x128xf32>, vector<1024x128xf32> -> vector<1024x128xf32>
    %dot_general3A_45 = arith.constant dense<0.000000e+00> : vector<1024x128xf32>
    %dot_general3A_46 = tpu.matmul %select_n3A, %get3A_39, %dot_general3A_45 {dimension_numbers = #tpu.dot_dimension_numbers<[1], [0], [0], [1], [0, 0, 1, 1], [], []>, transpose_lhs_hint = false} : vector<1024x128xf32>, vector<128x128xf32>, vector<1024x128xf32> -> vector<1024x128xf32>
    %add3A_47 = arith.addf %dot_general3A_44, %dot_general3A_46 : vector<1024x128xf32>
    %slice3A = vector.extract_strided_slice %add3A_47 {offsets = [0, 0], sizes = [1024, 64], strides = [1, 1]} : vector<1024x128xf32> to vector<1024x64xf32>
    %swap3A = arith.constant 0 : index
    %swap3A_48 = arith.constant 0 : index
    %swap3A_49 = arith.constant 0 : index
    %swap3A_50 = vector.load %arg7[%swap3A, %swap3A_48, %swap3A_49] : memref<2x1024x64xf32, #tpu.memory_space<vmem>>, vector<1x1024x64xf32>
    %swap3A_51 = vector.shape_cast %swap3A_50 : vector<1x1024x64xf32> to vector<1024x64xf32>
    %swap3A_52 = vector.shape_cast %slice3A : vector<1024x64xf32> to vector<1x1024x64xf32>
    tpu.vector_store %arg7[%swap3A, %swap3A_48, %swap3A_49], %swap3A_52 {strides = array<i32>} : memref<2x1024x64xf32, #tpu.memory_space<vmem>>, vector<1x1024x64xf32>,
    %slice3A_53 = vector.extract_strided_slice %add3A_47 {offsets = [0, 64], sizes = [1024, 64], strides = [1, 1]} : vector<1024x128xf32> to vector<1024x64xf32>
    %swap3A_54 = arith.constant 1 : index
    %swap3A_55 = arith.constant 0 : index
    %swap3A_56 = arith.constant 0 : index
    %swap3A_57 = vector.load %arg7[%swap3A_54, %swap3A_55, %swap3A_56] : memref<2x1024x64xf32, #tpu.memory_space<vmem>>, vector<1x1024x64xf32>
    %swap3A_58 = vector.shape_cast %swap3A_57 : vector<1x1024x64xf32> to vector<1024x64xf32>
    %swap3A_59 = vector.shape_cast %slice3A_53 : vector<1024x64xf32> to vector<1x1024x64xf32>
    tpu.vector_store %arg7[%swap3A_54, %swap3A_55, %swap3A_56], %swap3A_59 {strides = array<i32>} : memref<2x1024x64xf32, #tpu.memory_space<vmem>>, vector<1x1024x64xf32>,
    %add3A_60 = arith.constant 1.000000e+00 : f32
    %add3A_61 = vector.broadcast %add3A_60 : f32 to vector<1024x1xf32>
    %add3A_62 = arith.addf %max3A_21, %add3A_61 : vector<1024x1xf32>
    %div3A_63 = arith.constant 1.000000e+00 : f32
    %div3A_64 = vector.broadcast %div3A_63 : f32 to vector<1024x1xf32>
    %div3A_65 = arith.divf %div3A_64, %add3A_62 : vector<1024x1xf32>
    %broadcast_in_dim3A = vector.shape_cast %div3A_65 : vector<1024x1xf32> to vector<1024x1xf32>
    %broadcast_in_dim3A_66 = vector.broadcast %broadcast_in_dim3A : vector<1024x1xf32> to vector<1024x128xf32>
    %swap3A_67 = arith.constant 0 : index
    %swap3A_68 = arith.constant 0 : index
    %swap3A_69 = vector.load %arg8[%swap3A_67, %swap3A_68] : memref<1024x128xf32, #tpu.memory_space<vmem>>, vector<1024x128xf32>
    tpu.vector_store %arg8[%swap3A_67, %swap3A_68], %broadcast_in_dim3A_66 {strides = array<i32>} : memref<1024x128xf32, #tpu.memory_space<vmem>>, vector<1024x128xf32>,
    return
  }
  func.func @transform_0(%arg0: i32) -> (i32, i32, i32) {
    %c0_i32 = arith.constant 0 : i32
    %c0_i32_0 = arith.constant 0 : i32
    %c0_i32_1 = arith.constant 0 : i32
    return %c0_i32, %arg0, %c0_i32_0 : i32, i32, i32
  }
  func.func @transform_1(%arg0: i32) -> (i32, i32, i32) {
    %c0_i32 = arith.constant 0 : i32
    %c0_i32_0 = arith.constant 0 : i32
    %c0_i32_1 = arith.constant 0 : i32
    return %c0_i32, %arg0, %c0_i32_0 : i32, i32, i32
  }
  func.func @transform_2(%arg0: i32) -> (i32, i32) {
    %c0_i32 = arith.constant 0 : i32
    %c0_i32_0 = arith.constant 0 : i32
    return %arg0, %c0_i32 : i32, i32
  }
  func.func @transform_3(%arg0: i32) -> (i32, i32) {
    %c0_i32 = arith.constant 0 : i32
    %c0_i32_0 = arith.constant 0 : i32
    %c0_i32_1 = arith.constant 0 : i32
    return %c0_i32, %c0_i32_0 : i32, i32
  }
  func.func @transform_4(%arg0: i32) -> (i32, i32) {
    %c0_i32 = arith.constant 0 : i32
    %c0_i32_0 = arith.constant 0 : i32
    %c0_i32_1 = arith.constant 0 : i32
    return %c0_i32, %c0_i32_0 : i32, i32
  }
  func.func @transform_5(%arg0: i32) -> (i32, i32) {
    %c0_i32 = arith.constant 0 : i32
    %c0_i32_0 = arith.constant 0 : i32
    %c0_i32_1 = arith.constant 0 : i32
    return %c0_i32, %c0_i32_0 : i32, i32
  }
  func.func @transform_6(%arg0: i32) -> (i32, i32, i32) {
    %c0_i32 = arith.constant 0 : i32
    %c0_i32_0 = arith.constant 0 : i32
    %c0_i32_1 = arith.constant 0 : i32
    return %c0_i32, %arg0, %c0_i32_0 : i32, i32, i32
  }
  func.func @transform_7(%arg0: i32) -> (i32, i32) {
    %c0_i32 = arith.constant 0 : i32
    %c0_i32_0 = arith.constant 0 : i32
    return %arg0, %c0_i32 : i32, i32
  }
}

module attributes {stable_mosaic.version = 14 : i64} {
  func.func @_dense_b_body(%arg0: i32, %arg1: memref<2x1024x64xf32, #tpu.memory_space<vmem>>, %arg2: memref<2x1024x64xf32, #tpu.memory_space<vmem>>, %arg3: memref<1024x128xf32, #tpu.memory_space<vmem>>, %arg4: memref<1024x128xf32, #tpu.memory_space<vmem>>) attributes {dimension_semantics = [#tpu.dimension_semantics<arbitrary>], iteration_bounds = array<i64: 10>, scalar_prefetch = 0 : i64, scratch_operands = 0 : i64, tpu.core_type = #tpu.core_type<tc>, window_params = [{transform_indices = @transform_0, window_bounds = array<i64: 2, 1024, 64>}, {transform_indices = @transform_1, window_bounds = array<i64: 2, 1024, 64>}, {transform_indices = @transform_2, window_bounds = array<i64: 1024, 128>}, {transform_indices = @transform_3, window_bounds = array<i64: 1024, 128>}]} {
    %get3A = arith.constant 0 : index
    %get3A_0 = arith.constant 0 : index
    %get3A_1 = arith.constant 0 : index
    %get3A_2 = vector.load %arg1[%get3A, %get3A_0, %get3A_1] : memref<2x1024x64xf32, #tpu.memory_space<vmem>>, vector<1x1024x64xf32>
    %get3A_3 = vector.shape_cast %get3A_2 : vector<1x1024x64xf32> to vector<1024x64xf32>
    %get3A_4 = arith.constant 0 : index
    %get3A_5 = arith.constant 0 : index
    %get3A_6 = arith.constant 0 : index
    %get3A_7 = vector.load %arg2[%get3A_4, %get3A_5, %get3A_6] : memref<2x1024x64xf32, #tpu.memory_space<vmem>>, vector<1x1024x64xf32>
    %get3A_8 = vector.shape_cast %get3A_7 : vector<1x1024x64xf32> to vector<1024x64xf32>
    %add3A = arith.addf %get3A_3, %get3A_8 : vector<1024x64xf32>
    %get3A_9 = arith.constant 1 : index
    %get3A_10 = arith.constant 0 : index
    %get3A_11 = arith.constant 0 : index
    %get3A_12 = vector.load %arg1[%get3A_9, %get3A_10, %get3A_11] : memref<2x1024x64xf32, #tpu.memory_space<vmem>>, vector<1x1024x64xf32>
    %get3A_13 = vector.shape_cast %get3A_12 : vector<1x1024x64xf32> to vector<1024x64xf32>
    %get3A_14 = arith.constant 1 : index
    %get3A_15 = arith.constant 0 : index
    %get3A_16 = arith.constant 0 : index
    %get3A_17 = vector.load %arg2[%get3A_14, %get3A_15, %get3A_16] : memref<2x1024x64xf32, #tpu.memory_space<vmem>>, vector<1x1024x64xf32>
    %get3A_18 = vector.shape_cast %get3A_17 : vector<1x1024x64xf32> to vector<1024x64xf32>
    %add3A_19 = arith.addf %get3A_13, %get3A_18 : vector<1024x64xf32>
    %concatenate3A = tpu.concatenate %add3A, %add3A_19 in 1 : vector<1024x64xf32>, vector<1024x64xf32> -> vector<1024x128xf32>
    %get3A_20 = arith.constant 0 : index
    %get3A_21 = arith.constant 0 : index
    %get3A_22 = vector.load %arg3[%get3A_20, %get3A_21] : memref<1024x128xf32, #tpu.memory_space<vmem>>, vector<1024x128xf32>
    %mul3A = arith.mulf %concatenate3A, %get3A_22 : vector<1024x128xf32>
    %swap3A = arith.constant 0 : index
    %swap3A_23 = arith.constant 0 : index
    %swap3A_24 = vector.load %arg4[%swap3A, %swap3A_23] : memref<1024x128xf32, #tpu.memory_space<vmem>>, vector<1024x128xf32>
    tpu.vector_store %arg4[%swap3A, %swap3A_23], %mul3A {strides = array<i32>} : memref<1024x128xf32, #tpu.memory_space<vmem>>, vector<1024x128xf32>,
    return
  }
  func.func @transform_0(%arg0: i32) -> (i32, i32, i32) {
    %c0_i32 = arith.constant 0 : i32
    %c0_i32_0 = arith.constant 0 : i32
    %c0_i32_1 = arith.constant 0 : i32
    return %c0_i32, %arg0, %c0_i32_0 : i32, i32, i32
  }
  func.func @transform_1(%arg0: i32) -> (i32, i32, i32) {
    %c0_i32 = arith.constant 0 : i32
    %c0_i32_0 = arith.constant 0 : i32
    %c0_i32_1 = arith.constant 0 : i32
    return %c0_i32, %arg0, %c0_i32_0 : i32, i32, i32
  }
  func.func @transform_2(%arg0: i32) -> (i32, i32) {
    %c0_i32 = arith.constant 0 : i32
    %c0_i32_0 = arith.constant 0 : i32
    return %arg0, %c0_i32 : i32, i32
  }
  func.func @transform_3(%arg0: i32) -> (i32, i32) {
    %c0_i32 = arith.constant 0 : i32
    %c0_i32_0 = arith.constant 0 : i32
    return %arg0, %c0_i32 : i32, i32
  }
}

</mosaic_0001>

<sc_bundles>
// kernel: _impl.6.cloned.1.call-start
scs
__scs_entry_jumppad:
0x0: {  	(pc) =	sbr.rel $0x88, $3  }
0x1: {  	(tag) =	ssettag $0x0;
	lr =	simm.s32 $0x1  }
0x2: {  	[smem:$0x3F9B] =	sst lr;
	_ =	strace $0xD0000000  }
0x3: {  	_ = 	snop  }
0x4: {  	_ = 	snop  }
0x5: {  	_ = 	snop  }
0x6: {  	_ = 	snop  }
0x7: {  	_ = 	snop  }
__scs_overlays_trampoline_lowered:
0x8: {  	[smem:$0x3FAA] =	sst s0  }
0x9: {  	[smem:$0x3FAB] =	sst s1  }
0xa: {  	[smem:$0x3FAC] =	sst s2  }
0xb: {  	[smem:$0x3FAD] =	sst s3  }
0xc: {  	[smem:$0x3FAE] =	sst s4  }
0xd: {  	[smem:$0x3FAF] =	sst s5  }
0xe: {  	[smem:$0x3FB0] =	sst s6  }
0xf: {  	[smem:$0x3FB1] =	sst s7  }
0x10: {  	[smem:$0x3FB2] =	sst s8  }
0x11: {  	[smem:$0x3FB3] =	sst s9;
	s0 =	simm.s32 @!p0 $0x0  }
0x12: {  	s1 =	sld [smem:$0x3F99];
	s0 =	simm.s32 @p0 $0x1  }
0x13: {  	[smem:$0x3FB4] =	sst s0;
	s0 =	simm.s32 @!p1 $0x0  }
0x14: {  	s2 =	sld [smem:$0x3F98];
	s0 =	simm.s32 @p1 $0x1  }
0x15: {  	[smem:$0x3FB5] =	sst s0;
	s0 =	simm.s32 @!p2 $0x0  }
0x16: {  	s3 =	sld [smem:$0x3FDB];
	s0 =	simm.s32 @p2 $0x1  }
0x17: {  	s4 =	simm.s32 $0x1BF5;
	[smem:$0x3FB7] =	sst s0  }
0x18: {  	s0 =	sld [smem:$0x3F9A];
	_ =	swait.ge [sflag:s4], $0x0  }
0x19: {  	s7 =	sld [smem:$0x3F9B]  }
0x1a: {  	s8 =	sadd.s32 $0xFFFFE003, lr  }
0x1b: {  	s9 =	sadd.s32 $0xFFFFFEF7, lr;
	s5 =	simm.s32 $0xFFFFFFFF;
	p2 =	slt.u32 s8, $0xFFFFF086  }
0x1c: {  	p1 =	slt.u32 s9, $0xF7A;
	s5 =	simm.s32 @!p2 $0x0  }
0x1d: {  	s5 =	simm.s32 @p1 $0x1;
	p0 =	seq.s32 s7, s2  }
0x1e: {  	s7 =	smul.u32 @!p0 $0xF7A, s2;
	p2 =	seq.s32 @!p0 s5, $0x0  }
0x1f: {  	s9 =	smul.u32 $0xF7A, s1;
	s8 =	simm.s32 @!p0 $0x1BF5;
	p2 =	por !p2, p0  }
0x20: {  	[sflag:s8] =	ssyncset.s32 @!p0 $0xFFFFF086;
	s6 =	sadd.s32 @!p0 s3, s7;
	s7 =	simm.s32 @!p0 $0x108  }
0x21: {  	s3 =	sadd.s32 s3, s9;
	s6 =	sadd.s32 @!p0 $0x88, s6;
	s7 =	simm.s32 @p2 $0x1082  }
0x22: {  	[simem:s7], [sflag:s8] =	dma.local @!p0 [hbm:s6], $0xF7A  }
0x23: {  	s9 =	sor.u32 $0xD0000000, s2;
	s6 =	simm.s32 $0x108;
	_ =	swait.ge @!p0 [sflag:s8], $0x0  }
0x24: {  	s3 =	sadd.s32 $0x88, s3;
	s6 =	simm.s32 @!p1 $0x1082;
	[sflag:s4] =	ssyncset.s32 $0xFFFFF086  }
0x25: {  	[simem:s6], [sflag:s4] =	dma.local [hbm:s3], $0xF7A  }
0x26: {  	[smem:$0x3F9B] =	sst s1;
	(tag) =	ssettag s2;
	_ =	strace s9  }
0x27: {  	s1 =	sld [smem:$0x3FAB]  }
0x28: {  	s2 =	sld [smem:$0x3FAC]  }
0x29: {  	s4 =	sld [smem:$0x3FAE]  }
0x2a: {  	p0 =	seq.s32 s5, $0x0;
	s5 =	sld [smem:$0x3FAF]  }
0x2b: {  	s6 =	sld [smem:$0x3FB0]  }
0x2c: {  	s7 =	sld [smem:$0x3FB1]  }
0x2d: {  	s3 =	simm.s32 $0x108;
	s8 =	sld [smem:$0x3FB2]  }
0x2e: {  	s3 =	simm.s32 @!p0 $0x1082;
	s9 =	sld [smem:$0x3FB3]  }
0x2f: {  	lr =	sadd.s32 s0, s3;
	s0 =	sld [smem:$0x3FAA]  }
0x30: {  	s3 =	sld [smem:$0x3FAD]  }
0x31: {  	[smem:$0x3FB6] =	sst s10  }
0x32: {  	s10 =	sld [smem:$0x3FB4];
	_ =	sdelay $0x3  }
0x33: {  	p0 =	seq.s32 s10, $0x1;
	s10 =	sld [smem:$0x3FB6];
	_ =	sdelay $0x3  }
0x34: {  	[smem:$0x3FB6] =	sst s10  }
0x35: {  	s10 =	sld [smem:$0x3FB5];
	_ =	sdelay $0x3  }
0x36: {  	p1 =	seq.s32 s10, $0x1;
	s10 =	sld [smem:$0x3FB6];
	_ =	sdelay $0x3  }
0x37: {  	[smem:$0x3FB6] =	sst s10  }
0x38: {  	s10 =	sld [smem:$0x3FB7]  }
0x39: {  	_ = 	snop;
	(pc) =	sbr.ind lr, $3  }
0x3a: {  	_ = 	snop  }
0x3b: {  	_ = 	snop  }
0x3c: {  	p2 =	seq.s32 s10, $0x1;
	s10 =	sld [smem:$0x3FB6]  }
0x3d: {  	_ =	shalt  }
0x3e: {  	_ =	shalt  }
0x3f: {  	_ =	shalt  }
0x40: {  	_ =	shalt  }
0x41: {  	_ =	shalt  }
0x42: {  	_ =	shalt  }
0x43: {  	_ =	shalt  }
0x44: {  	_ =	shalt  }
0x45: {  	_ =	shalt  }
0x46: {  	_ =	shalt  }
0x47: {  	_ =	shalt  }
0x48: {  	_ =	shalt  }
0x49: {  	_ =	shalt  }
0x4a: {  	_ =	shalt  }
0x4b: {  	_ =	shalt  }
0x4c: {  	_ =	shalt  }
0x4d: {  	_ =	shalt  }
0x4e: {  	_ =	shalt  }
0x4f: {  	_ =	shalt  }
0x50: {  	_ =	shalt  }
0x51: {  	_ =	shalt  }
0x52: {  	_ =	shalt  }
0x53: {  	_ =	shalt  }
0x54: {  	_ =	shalt  }
0x55: {  	_ =	shalt  }
0x56: {  	_ =	shalt  }
0x57: {  	_ =	shalt  }
0x58: {  	_ =	shalt  }
0x59: {  	_ =	shalt  }
0x5a: {  	_ =	shalt  }
0x5b: {  	_ =	shalt  }
0x5c: {  	_ =	shalt  }
0x5d: {  	_ =	shalt  }
0x5e: {  	_ =	shalt  }
0x5f: {  	_ =	shalt  }
0x60: {  	_ =	shalt  }
0x61: {  	_ =	shalt  }
0x62: {  	_ =	shalt  }
0x63: {  	_ =	shalt  }
0x64: {  	_ =	shalt  }
0x65: {  	_ =	shalt  }
0x66: {  	_ =	shalt  }
0x67: {  	_ =	shalt  }
0x68: {  	_ =	shalt  }
0x69: {  	_ =	shalt  }
0x6a: {  	_ =	shalt  }
0x6b: {  	_ =	shalt  }
0x6c: {  	_ =	shalt  }
0x6d: {  	_ =	shalt  }
0x6e: {  	_ =	shalt  }
0x6f: {  	_ =	shalt  }
0x70: {  	_ =	shalt  }
0x71: {  	_ =	shalt  }
0x72: {  	_ =	shalt  }
0x73: {  	_ =	shalt  }
0x74: {  	_ =	shalt  }
0x75: {  	_ =	shalt  }
0x76: {  	_ =	shalt  }
0x77: {  	_ =	shalt  }
0x78: {  	_ =	shalt  }
0x79: {  	_ =	shalt  }
0x7a: {  	_ =	shalt  }
0x7b: {  	_ =	shalt  }
0x7c: {  	_ =	shalt  }
0x7d: {  	_ =	shalt  }
0x7e: {  	_ =	shalt  }
0x7f: {  	_ =	shalt  }
0x80: {  	_ =	shalt  }
0x81: {  	_ =	shalt  }
0x82: {  	_ =	shalt  }
0x83: {  	_ =	shalt  }
0x84: {  	_ =	shalt  }
0x85: {  	_ =	shalt  }
0x86: {  	_ =	shalt  }
0x87: {  	_ =	shalt  }
.Lfunc_end0:
.L_simem_size_0:
called_computation_lowered:
.L_overlay_start_0:
0x88: {  	s2 =	sld [smem:$0x3FD9]  }
0x89: {  	s3 =	sld [smem:$0x3FFE];
	_ =	sdelay $0x1  }
0x8a: {  	s1 =	srdreg.scid  }
0x8b: {  	s0 =	sand.u32 $0x1, s1  }
0x8c: {  	s17 =	sshll.u32 s0, $0xA;
	s2 =	sadd.s32 s3, s2  }
0x8d: {  	s2 =	sadd.s32 s2, s17  }
0x8e: {  	[smem:$0x3FC2] =	sst s2  }
0x8f: {  	_ = 	snop  }
0x90: {  	s2 =	sld [smem:$0x3FD0];
	(tm) =	ssettm $0x1  }
0x91: {  	s18 =	sld [smem:$0x3FFB];
	_ =	sdelay $0x3  }
0x92: {  	_ =	strace s18  }
0x93: {  	s3 =	sld [smem:$0x3FFC];
	_ =	sdelay $0x3  }
0x94: {  	_ =	strace s3  }
0x95: {  	s3 =	sld [smem:$0x3FFD];
	_ =	sdelay $0x3  }
0x96: {  	_ =	strace s3  }
0x97: {  	_ =	strace $0x8FFFFFFF  }
0x98: {  	s19 =	sld [smem:$0x3FDB];
	_ =	sdelay $0x1  }
0x99: {  	s4 =	simm.s32 $_scs_section_size  }
0x9a: {  	s5 =	simm.s32 $_size__tile_overlayer_lowered;
	s6 =	simm.s32 $_tile_overlayer_lowered  }
0x9b: {  	s22 =	simm.s32 $0x1BFF;
	s21 =	sshll.u32 s6, $0x1;
	s3 =	sadd.s32 s4, s19  }
0x9c: {  	s7 =	simm.s32 $0x0;
	s20 =	sshll.u32 s5, $0x1;
	s5 =	sadd.s32 s21, s3  }
0x9d: {  	[timem:s7], [sflag:s22] =	dma.local [hbm:s5], s20  }
0x9e: {  	_ =	swait.ge [sflag:s22], s20  }
0x9f: {  	s4 =	ssub.s32 $0x0, s20;
	[sflag:s22] =	ssyncset.done $0x0  }
0xa0: {  	[sflag:s22] =	ssyncadd.s32 s4;
	_ =	sdelay $0x1  }
0xa1: {  	s23 =	simm.s32 $0x1B8B  }
0xa2: {  	_ =	swait.ge [sflag:s23], $0x1  }
0xa3: {  	[sflag:s23] =	ssyncset.done $0x0  }
0xa4: {  	s25 =	simm.s32 $0x1B8E;
	s24 =	sld [smem:$0x3FFE];
	[sflag:s23] =	ssyncadd.s32 $0xFFFFFFFF  }
0xa5: {  	s26 =	simm.s32 $execute0_lowered;
	[smem:$0x3FD2] =	sst s25  }
0xa6: {  	s5 =	sshll.u32 s26, $0x1;
	_ =	strace $0x80000046;
	[dreg:$0x1] =	wrdreg $0xFFFFFFFF  }
0xa7: {  	s28 =	simm.s32 $_size_execute0_lowered;
	s3 =	sadd.s32 s3, s5;
	[dreg:$0x0] =	wrdreg $0x0  }
0xa8: {  	s5 =	sshll.u32 s28, $0x1;
	[dreg:$0x2] =	wrdreg s3  }
0xa9: {  	[dreg:$0x3] =	wrdreg s5  }
0xaa: {  	[dreg:$0x4] =	wrdreg $0xC0  }
0xab: {  	_ =	task [dreg:s7], $0x5FFFF  }
0xac: {  	[dreg:$0x1] =	wrdreg $0xFFFFFFFF  }
0xad: {  	[dreg:$0x0] =	wrdreg $0x60  }
0xae: {  	[dreg:$0x2] =	wrdreg s24  }
0xaf: {  	[dreg:$0x3] =	wrdreg s2  }
0xb0: {  	[dreg:$0x4] =	wrdreg $0x150800  }
0xb1: {  	[dreg:$0x5] =	wrdreg $0x1F0800  }
0xb2: {  	[dreg:$0x6] =	wrdreg $0x9  }
0xb3: {  	_ =	task.clear_ibuf [dreg:s7], $0x7FFFF;
	_ =	strace $0x90000046  }
0xb4: {  	s29 =	simm.s32 $0x9;
	_ =	strace $0x80000048  }
0xb5: {  	_ =	swait.ge [sflag:s29], $0x1  }
0xb6: {  	[sflag:s29] =	ssyncadd.s32 $0xFFFFFFFF  }
0xb7: {  	_ =	strace $0x90000048  }
0xb8: {  	_ =	sfence  }
0xb9: {  	s30 =	sld [smem:$0x0];
	_ =	sdelay $0x2  }
0xba: {  	s31 =	sshll.u32 s1, $0xD;
	s1 =	sshrl.u32 s1, $0x2  }
0xbb: {  	s3 =	sand.u32 $0x4000, s31;
	s1 =	sadd.s32 s1, s30  }
0xbc: {  	s0 =	sor.u32 s3, s0;
	s1 =	sshll.u32 s1, $0x11  }
0xbd: {  	s0 =	sor.u32 s1, s0  }
0xbe: {  	s0 =	sadd.s32 $0x8F2B, s0  }
0xbf: {  	[sflag:s0] =	ssyncadd.remote.s32 $0x1  }
0xc0: {  	_ =	sfence.sel $0xFFFF  }
0xc1: {  	[dreg:$0x0] =	wrdreg $0xFFFFFFFF;
	(pc) =	sbr.abs _section_cstart, $3  }
0xc2: {  	[dreg:$0x1] =	wrdreg $0xFFFFFFFF  }
0xc3: {  	_ =	task.clear_ibuf [dreg:s7], $0x2FFFF;
	_ =	strace $0x9FFFFFFF  }
0xc4: {  	(tm) =	ssettm $0x7FFFFFFF  }
0xc5: {  	_ =	shalt  }
tec
execute0_lowered:
.L_overlay_start_1:
0x0: {  	(tag) =	ssettag $0x1  }
0x1: {  	s1 =	rddreg [dreg:$0x0]  }
0x2: {  	s0 =	srdreg.scid;
	s4 =	rddreg [dreg:$0x1]  }
0x3: {  	s13 =	stileid.u32;
	s2 =	rddreg [dreg:$0x2];
	s7 =	simm.s32 $0x0  }
0x4: {  	s18 =	simm.s32 $0x80;
	s30 =	simm.s32 $0x1;
	s31 =	simm.s32 $0x15000  }
0x5: {  	s14 =	simm.s32 $0x8;
	s16 =	simm.s32 $0xE;
	s17 =	simm.s32 $0xF  }
0x6: {  	s15 =	simm.s32 $0x10;
	s0 =	sand.u32 $0x1, s0;
	s6 =	smul.u32 $0x280, s13  }
0x7: {  	[smem:$0x7FF] =	sst s7;
	s12 =	smul.u32 $0xA000, s13;
	s29 =	sshll.u32 s13, $0x6  }
0x8: {  	s3 =	sshll.u32 s0, $0x4;
	s20 =	smul.u32 $0x2800, s0;
	s0 =	ssub.s32 $0x2, s0  }
0x9: {  	s19 =	sor.u32 $0x1C12, s29;
	s5 =	sor.u32 s13, s3;
	s3 =	rddreg [dreg:$0x3]  }
0xa: {  	_ =	strace $0x80000047;
	s9 =	sshrl.u32 s6, $0x3;
	s11 =	sshrl.u32 s0, $0x1  }
0xb: {  	s23 =	sshrl.u32 s12, $0x3;
	s24 =	sadd.s32 s12, s2;
	s12 =	simm.s32 $0xC  }
0xc: {  	[dreg:$0xc] =	wrdreg s19;
	s5 =	smul.u32 $0x500, s5;
	s7 =	sadd.s32 s6, s20  }
0xd: {  	s9 =	sadd.s32 s9, s1;
	s0 =	ssub.s32 s0, s11;
	s4 =	sadd.s32 s4, s23  }
0xe: {  	s25 =	sadd.s32 s6, s3;
	s20 =	simm.s32 $0x12;
	s6 =	simm.s32 $0x9  }
0xf: {  	s11 =	simm.s32 $0x6;
	s23 =	simm.s32 $0x7;
	s10 =	sshll.u32 s7, $0x3  }
0x10: {  	s7 =	sshrl.u32 s7, $0x3;
	[dreg:$0x7] =	wrdreg s4;
	s26 =	sadd.s32 $0x29600, s9  }
0x11: {  	s0 =	smax.u32 s0, $0x1;
	s9 =	simm.s32 $0x5;
	s4 =	simm.s32 $0xD  }
0x12: {  	s8 =	sadd.s32 s5, s1;
	s5 =	sadd.s32 $0x1C00, s1;
	[dreg:$0x8] =	wrdreg s26  }
0x13: {  	s10 =	sadd.s32 s10, s1;
	[dreg:$0xb] =	wrdreg s0;
	s21 =	sadd.s32 $0x1F600, s8  }
0x14: {  	s1 =	sadd.s32 s7, s1;
	s22 =	sadd.s32 $0x15600, s8;
	[dreg:$0x5] =	wrdreg s21  }
0x15: {  	s7 =	simm.s32 $0x4;
	s28 =	sadd.s32 $0x29C00, s10;
	[dreg:$0x6] =	wrdreg s22  }
0x16: {  	s0 =	simm.s32 $0x0;
	s1 =	sadd.s32 $0x51C00, s1;
	[dreg:$0x9] =	wrdreg s28  }
0x17: {  	s8 =	simm.s32 $0xA;
	[dreg:$0xa] =	wrdreg s1;
	s21 =	sshrl.u32 s24, $0x3  }
0x18: {  	s10 =	simm.s32 $0xB;
	s1 =	sshrl.u32 s25, $0x3;
	[dreg:$0xd] =	wrdreg s21  }
0x19: {  	v0 =	vimm.f32 $1.000000000e+00;
	s24 =	simm.s32 $0x2;
	s25 =	simm.s32 $0x11;
	[dreg:$0xe] =	wrdreg s1  }
.LBB2_1:
0x1a: {  	[dreg:$0xf] =	wrdreg s0  }
0x1b: {  	s0 =	simm.s32 $0x0;
	s22 =	rddreg [dreg:$0x5]  }
0x1c: {  	[tilespmem:s0], [sflag:$0x12] =	stream.linear.gather [hbm4b:s22+s0], $0x2800, $0x38;
	[tilespmem:$0x1F300] =	vst v63  }
0x1d: {  	_ =	swait.ge [sflag:s20], $0x2800  }
0x1e: {  	[sflag:s20] =	ssyncset.done $0x0  }
0x1f: {  	s22 =	simm.s32 $0x2800;
	s26 =	rddreg [dreg:$0x6];
	[sflag:s20] =	ssyncadd.s32 $0xFFFFD800  }
0x20: {  	[tilespmem:s22], [sflag:$0x12] =	stream.linear.gather [hbm4b:s26+s0], $0x2800, $0x38;
	[tilespmem:$0x1F300] =	vst v63  }
0x21: {  	_ =	swait.ge [sflag:s20], $0x2800  }
0x22: {  	[sflag:s20] =	ssyncset.done $0x0  }
0x23: {  	[sflag:s20] =	ssyncadd.s32 $0xFFFFD800  }
0x24: {  	[tilespmem:$0x15000] =	vst v0  }
0x25: {  	[tilespmem:$0x15010] =	vst v0  }
0x26: {  	[tilespmem:$0x15020] =	vst v0  }
0x27: {  	[tilespmem:$0x15030] =	vst v0  }
0x28: {  	[tilespmem:$0x15040] =	vst v0  }
0x29: {  	[tilespmem:$0x15050] =	vst v0  }
0x2a: {  	[tilespmem:$0x15060] =	vst v0  }
0x2b: {  	s13 =	smov.u32 s19;
	s28 =	rddreg [dreg:$0x7];
	[tilespmem:$0x15070] =	vst v0  }
0x2c: {  	[spmem:s21], [sflag:s13] =	dma.local [hbm:s28], $0x1400  }
0x2d: {  	_ =	swait.ge [sflag:s20], $0x1400  }
0x2e: {  	[sflag:s20] =	ssyncset.done $0x0  }
0x2f: {  	s29 =	rddreg [dreg:$0x8];
	[sflag:s20] =	ssyncadd.s32 $0xFFFFEC00  }
0x30: {  	[spmem:s1], [sflag:s13] =	dma.local [hbm:s29], $0x50  }
0x31: {  	_ =	swait.ge [sflag:s20], $0x50  }
0x32: {  	[sflag:s20] =	ssyncset.done $0x0  }
0x33: {  	[sflag:s20] =	ssyncadd.s32 $0xFFFFFFB0  }
0x34: {  	s21 =	simm.s32 $0x5000;
	[bflag:$0x0] =	sbarrier.arrive $0xFFFF  }
0x35: {  	[tilespmem:s21], [sflag:$0x1] =	stream.indirect.gather [hbm4b:s5+s18], $0x40, s0, s18, $0xb8;
	[tilespmem:$0x1F300] =	vst v63  }
0x36: {  	s1 =	simm.s32 $0x7000  }
0x37: {  	[tilespmem:s1], [sflag:$0x2] =	stream.indirect.gather [hbm4b:s5+s18], $0x40, s18, s18, $0xb8;
	[tilespmem:$0x1F300] =	vst v63  }
0x38: {  	s19 =	simm.s32 $0x9000;
	s0 =	simm.s32 $0x100  }
0x39: {  	[tilespmem:s19], [sflag:$0x3] =	stream.indirect.gather [hbm4b:s5+s18], $0x40, s0, s18, $0xb8;
	[tilespmem:$0x1F300] =	vst v63  }
0x3a: {  	s20 =	simm.s32 $0x180;
	s0 =	simm.s32 $0xB000  }
0x3b: {  	[tilespmem:s0], [sflag:$0x4] =	stream.indirect.gather [hbm4b:s5+s18], $0x40, s20, s18, $0xb8;
	[tilespmem:$0x1F300] =	vst v63  }
0x3c: {  	s26 =	simm.s32 $0x200;
	s20 =	simm.s32 $0xD000  }
0x3d: {  	[tilespmem:s20], [sflag:$0x5] =	stream.indirect.gather [hbm4b:s5+s18], $0x40, s26, s18, $0xb8;
	[tilespmem:$0x1F300] =	vst v63  }
0x3e: {  	s28 =	simm.s32 $0x280;
	s26 =	simm.s32 $0xF000  }
0x3f: {  	[tilespmem:s26], [sflag:$0x6] =	stream.indirect.gather [hbm4b:s5+s18], $0x40, s28, s18, $0xb8;
	[tilespmem:$0x1F300] =	vst v63  }
0x40: {  	_ =	swait.ge [sflag:s30], $0x2000  }
0x41: {  	[sflag:s30] =	ssyncset.done $0x0  }
0x42: {  	[sflag:s30] =	ssyncadd.s32 $0xFFFFE000  }
0x43: {  	[spmem:s2] =	stream.indirect.scatter.add.f32 [tilespmem:s21], [sflag:$0x9], $0x40, s22, s18, $0xb8;
	[tilespmem:$0x1F300] =	vst v63  }
0x44: {  	_ = 	snop  }
0x45: {  	[spmem:s3] =	stream.indirect.scatter.add.f32 [tilespmem:s31], [sflag:$0x11], $0x1, s22, s18, $0xb8;
	[tilespmem:$0x1F300] =	vst v63  }
0x46: {  	s29 =	simm.s32 $0x300;
	s22 =	simm.s32 $0x11000  }
0x47: {  	[tilespmem:s22], [sflag:$0x7] =	stream.indirect.gather [hbm4b:s5+s18], $0x40, s29, s18, $0xb8;
	[tilespmem:$0x1F300] =	vst v63  }
0x48: {  	_ =	swait.ge [sflag:s24], $0x2000  }
0x49: {  	[sflag:s24] =	ssyncset.done $0x0  }
0x4a: {  	[sflag:s24] =	ssyncadd.s32 $0xFFFFE000;
	s24 =	simm.s32 $0x2880  }
0x4b: {  	[spmem:s2] =	stream.indirect.scatter.add.f32 [tilespmem:s1], [sflag:$0xA], $0x40, s24, s18, $0xb8;
	[tilespmem:$0x1F300] =	vst v63  }
0x4c: {  	_ = 	snop  }
0x4d: {  	[spmem:s3] =	stream.indirect.scatter.add.f32 [tilespmem:s31], [sflag:$0x11], $0x1, s24, s18, $0xb8;
	[tilespmem:$0x1F300] =	vst v63  }
0x4e: {  	s28 =	simm.s32 $0x380;
	s29 =	simm.s32 $0x3;
	s24 =	simm.s32 $0x13000  }
0x4f: {  	[tilespmem:s24], [sflag:$0x8] =	stream.indirect.gather [hbm4b:s5+s18], $0x40, s28, s18, $0xb8;
	[tilespmem:$0x1F300] =	vst v63  }
0x50: {  	_ =	swait.ge [sflag:s29], $0x2000  }
0x51: {  	[sflag:s29] =	ssyncset.done $0x0  }
0x52: {  	s28 =	simm.s32 $0x2900;
	[sflag:s29] =	ssyncadd.s32 $0xFFFFE000  }
0x53: {  	[spmem:s2] =	stream.indirect.scatter.add.f32 [tilespmem:s19], [sflag:$0xB], $0x40, s28, s18, $0xb8;
	[tilespmem:$0x1F300] =	vst v63  }
0x54: {  	_ = 	snop  }
0x55: {  	[spmem:s3] =	stream.indirect.scatter.add.f32 [tilespmem:s31], [sflag:$0x11], $0x1, s28, s18, $0xb8;
	[tilespmem:$0x1F300] =	vst v63  }
0x56: {  	_ =	swait.ge [sflag:s25], $0x80  }
0x57: {  	[sflag:s25] =	ssyncset.done $0x0  }
0x58: {  	[sflag:s25] =	ssyncadd.s32 $0xFFFFFF80  }
0x59: {  	_ =	swait.ge [sflag:s6], $0x2000  }
0x5a: {  	[sflag:s6] =	ssyncset.done $0x0  }
0x5b: {  	s29 =	simm.s32 $0x400;
	[sflag:s6] =	ssyncadd.s32 $0xFFFFE000  }
0x5c: {  	[tilespmem:s21], [sflag:$0x1] =	stream.indirect.gather [hbm4b:s5+s18], $0x40, s29, s18, $0xb8;
	[tilespmem:$0x1F300] =	vst v63  }
0x5d: {  	_ =	swait.ge [sflag:s7], $0x2000  }
0x5e: {  	[sflag:s7] =	ssyncset.done $0x0  }
0x5f: {  	s28 =	simm.s32 $0x2980;
	[sflag:s7] =	ssyncadd.s32 $0xFFFFE000  }
0x60: {  	[spmem:s2] =	stream.indirect.scatter.add.f32 [tilespmem:s0], [sflag:$0xC], $0x40, s28, s18, $0xb8;
	[tilespmem:$0x1F300] =	vst v63  }
0x61: {  	_ = 	snop  }
0x62: {  	[spmem:s3] =	stream.indirect.scatter.add.f32 [tilespmem:s31], [sflag:$0x11], $0x1, s28, s18, $0xb8;
	[tilespmem:$0x1F300] =	vst v63  }
0x63: {  	_ =	swait.ge [sflag:s25], $0x80  }
0x64: {  	[sflag:s25] =	ssyncset.done $0x0  }
0x65: {  	[sflag:s25] =	ssyncadd.s32 $0xFFFFFF80  }
0x66: {  	_ =	swait.ge [sflag:s8], $0x2000  }
0x67: {  	[sflag:s8] =	ssyncset.done $0x0  }
0x68: {  	s29 =	simm.s32 $0x480;
	[sflag:s8] =	ssyncadd.s32 $0xFFFFE000  }
0x69: {  	[tilespmem:s1], [sflag:$0x2] =	stream.indirect.gather [hbm4b:s5+s18], $0x40, s29, s18, $0xb8;
	[tilespmem:$0x1F300] =	vst v63  }
0x6a: {  	_ =	swait.ge [sflag:s9], $0x2000  }
0x6b: {  	[sflag:s9] =	ssyncset.done $0x0  }
0x6c: {  	s28 =	simm.s32 $0x2A00;
	[sflag:s9] =	ssyncadd.s32 $0xFFFFE000  }
0x6d: {  	[spmem:s2] =	stream.indirect.scatter.add.f32 [tilespmem:s20], [sflag:$0xD], $0x40, s28, s18, $0xb8;
	[tilespmem:$0x1F300] =	vst v63  }
0x6e: {  	_ = 	snop  }
0x6f: {  	[spmem:s3] =	stream.indirect.scatter.add.f32 [tilespmem:s31], [sflag:$0x11], $0x1, s28, s18, $0xb8;
	[tilespmem:$0x1F300] =	vst v63  }
0x70: {  	_ =	swait.ge [sflag:s25], $0x80  }
0x71: {  	[sflag:s25] =	ssyncset.done $0x0  }
0x72: {  	[sflag:s25] =	ssyncadd.s32 $0xFFFFFF80  }
0x73: {  	_ =	swait.ge [sflag:s10], $0x2000  }
0x74: {  	[sflag:s10] =	ssyncset.done $0x0  }
0x75: {  	s29 =	simm.s32 $0x500;
	[sflag:s10] =	ssyncadd.s32 $0xFFFFE000  }
0x76: {  	[tilespmem:s19], [sflag:$0x3] =	stream.indirect.gather [hbm4b:s5+s18], $0x40, s29, s18, $0xb8;
	[tilespmem:$0x1F300] =	vst v63  }
0x77: {  	_ =	swait.ge [sflag:s11], $0x2000  }
0x78: {  	[sflag:s11] =	ssyncset.done $0x0  }
0x79: {  	s19 =	simm.s32 $0x2A80;
	[sflag:s11] =	ssyncadd.s32 $0xFFFFE000  }
0x7a: {  	[spmem:s2] =	stream.indirect.scatter.add.f32 [tilespmem:s26], [sflag:$0xE], $0x40, s19, s18, $0xb8;
	[tilespmem:$0x1F300] =	vst v63  }
0x7b: {  	_ = 	snop  }
0x7c: {  	[spmem:s3] =	stream.indirect.scatter.add.f32 [tilespmem:s31], [sflag:$0x11], $0x1, s19, s18, $0xb8;
	[tilespmem:$0x1F300] =	vst v63  }
0x7d: {  	_ =	swait.ge [sflag:s25], $0x80  }
0x7e: {  	[sflag:s25] =	ssyncset.done $0x0  }
0x7f: {  	[sflag:s25] =	ssyncadd.s32 $0xFFFFFF80  }
0x80: {  	_ =	swait.ge [sflag:s12], $0x2000  }
0x81: {  	[sflag:s12] =	ssyncset.done $0x0  }
0x82: {  	s28 =	simm.s32 $0x580;
	[sflag:s12] =	ssyncadd.s32 $0xFFFFE000  }
0x83: {  	[tilespmem:s0], [sflag:$0x4] =	stream.indirect.gather [hbm4b:s5+s18], $0x40, s28, s18, $0xb8;
	[tilespmem:$0x1F300] =	vst v63  }
0x84: {  	_ =	swait.ge [sflag:s23], $0x2000  }
0x85: {  	[sflag:s23] =	ssyncset.done $0x0  }
0x86: {  	s29 =	simm.s32 $0x2B00;
	[sflag:s23] =	ssyncadd.s32 $0xFFFFE000  }
0x87: {  	[spmem:s2] =	stream.indirect.scatter.add.f32 [tilespmem:s22], [sflag:$0xF], $0x40, s29, s18, $0xb8;
	[tilespmem:$0x1F300] =	vst v63  }
0x88: {  	_ = 	snop  }
0x89: {  	[spmem:s3] =	stream.indirect.scatter.add.f32 [tilespmem:s31], [sflag:$0x11], $0x1, s29, s18, $0xb8;
	[tilespmem:$0x1F300] =	vst v63  }
0x8a: {  	_ =	swait.ge [sflag:s25], $0x80  }
0x8b: {  	[sflag:s25] =	ssyncset.done $0x0  }
0x8c: {  	[sflag:s25] =	ssyncadd.s32 $0xFFFFFF80  }
0x8d: {  	_ =	swait.ge [sflag:s4], $0x2000  }
0x8e: {  	[sflag:s4] =	ssyncset.done $0x0  }
0x8f: {  	s0 =	simm.s32 $0x600;
	[sflag:s4] =	ssyncadd.s32 $0xFFFFE000  }
0x90: {  	[tilespmem:s20], [sflag:$0x5] =	stream.indirect.gather [hbm4b:s5+s18], $0x40, s0, s18, $0xb8;
	[tilespmem:$0x1F300] =	vst v63  }
0x91: {  	_ =	swait.ge [sflag:s14], $0x2000  }
0x92: {  	[sflag:s14] =	ssyncset.done $0x0  }
0x93: {  	s19 =	simm.s32 $0x2B80;
	[sflag:s14] =	ssyncadd.s32 $0xFFFFE000  }
0x94: {  	[spmem:s2] =	stream.indirect.scatter.add.f32 [tilespmem:s24], [sflag:$0x10], $0x40, s19, s18, $0xb8;
	[tilespmem:$0x1F300] =	vst v63  }
0x95: {  	_ = 	snop  }
0x96: {  	[spmem:s3] =	stream.indirect.scatter.add.f32 [tilespmem:s31], [sflag:$0x11], $0x1, s19, s18, $0xb8;
	[tilespmem:$0x1F300] =	vst v63  }
0x97: {  	_ =	swait.ge [sflag:s25], $0x80  }
0x98: {  	[sflag:s25] =	ssyncset.done $0x0  }
0x99: {  	[sflag:s25] =	ssyncadd.s32 $0xFFFFFF80  }
0x9a: {  	_ =	swait.ge [sflag:s16], $0x2000  }
0x9b: {  	[sflag:s16] =	ssyncset.done $0x0  }
0x9c: {  	s24 =	simm.s32 $0x680;
	[sflag:s16] =	ssyncadd.s32 $0xFFFFE000  }
0x9d: {  	[tilespmem:s26], [sflag:$0x6] =	stream.indirect.gather [hbm4b:s5+s18], $0x40, s24, s18, $0xb8;
	[tilespmem:$0x1F300] =	vst v63  }
0x9e: {  	_ =	swait.ge [sflag:s30], $0x2000  }
0x9f: {  	[sflag:s30] =	ssyncset.done $0x0  }
0xa0: {  	s28 =	simm.s32 $0x2C00;
	[sflag:s30] =	ssyncadd.s32 $0xFFFFE000  }
0xa1: {  	[spmem:s2] =	stream.indirect.scatter.add.f32 [tilespmem:s21], [sflag:$0x9], $0x40, s28, s18, $0xb8;
	[tilespmem:$0x1F300] =	vst v63  }
0xa2: {  	_ = 	snop  }
0xa3: {  	[spmem:s3] =	stream.indirect.scatter.add.f32 [tilespmem:s31], [sflag:$0x11], $0x1, s28, s18, $0xb8;
	[tilespmem:$0x1F300] =	vst v63  }
0xa4: {  	_ =	swait.ge [sflag:s25], $0x80  }
0xa5: {  	[sflag:s25] =	ssyncset.done $0x0  }
0xa6: {  	[sflag:s25] =	ssyncadd.s32 $0xFFFFFF80  }
0xa7: {  	_ =	swait.ge [sflag:s17], $0x2000  }
0xa8: {  	[sflag:s17] =	ssyncset.done $0x0  }
0xa9: {  	s29 =	simm.s32 $0x700;
	s20 =	simm.s32 $0x2;
	[sflag:s17] =	ssyncadd.s32 $0xFFFFE000  }
0xaa: {  	[tilespmem:s22], [sflag:$0x7] =	stream.indirect.gather [hbm4b:s5+s18], $0x40, s29, s18, $0xb8;
	[tilespmem:$0x1F300] =	vst v63  }
0xab: {  	_ =	swait.ge [sflag:s20], $0x2000  }
0xac: {  	[sflag:s20] =	ssyncset.done $0x0  }
0xad: {  	s30 =	simm.s32 $0x2C80;
	[sflag:s20] =	ssyncadd.s32 $0xFFFFE000  }
0xae: {  	[spmem:s2] =	stream.indirect.scatter.add.f32 [tilespmem:s1], [sflag:$0xA], $0x40, s30, s18, $0xb8;
	[tilespmem:$0x1F300] =	vst v63  }
0xaf: {  	_ = 	snop  }
0xb0: {  	[spmem:s3] =	stream.indirect.scatter.add.f32 [tilespmem:s31], [sflag:$0x11], $0x1, s30, s18, $0xb8;
	[tilespmem:$0x1F300] =	vst v63  }
0xb1: {  	_ =	swait.ge [sflag:s25], $0x80  }
0xb2: {  	[sflag:s25] =	ssyncset.done $0x0  }
0xb3: {  	[sflag:s25] =	ssyncadd.s32 $0xFFFFFF80  }
0xb4: {  	_ =	swait.ge [sflag:s15], $0x2000  }
0xb5: {  	[sflag:s15] =	ssyncset.done $0x0  }
0xb6: {  	s13 =	simm.s32 $0x1000;
	s19 =	simm.s32 $0x780;
	[sflag:s15] =	ssyncadd.s32 $0xFFFFE000  }
.LBB2_2:
0xb7: {  	s30 =	simm.s32 $0x13000  }
0xb8: {  	[tilespmem:s30], [sflag:$0x8] =	stream.indirect.gather [hbm4b:s5+s18], $0x40, s19, s18, $0xb8;
	[tilespmem:$0x1F300] =	vst v63  }
0xb9: {  	s0 =	simm.s32 $0x3;
	s19 =	smov.u32 s13  }
0xba: {  	p0 =	sne.s32 s13, $0x8000;
	s13 =	sadd.s32 $0x1000, s13;
	_ =	swait.ge [sflag:s0], $0x2000  }
0xbb: {  	s19 =	sshra.s32 s19, $0x2;
	[sflag:s0] =	ssyncset.done $0x0  }
0xbc: {  	s29 =	simm.s32 $0x9000;
	s20 =	sadd.s32 $0x2900, s19;
	[sflag:s0] =	ssyncadd.s32 $0xFFFFE000  }
0xbd: {  	[spmem:s2] =	stream.indirect.scatter.add.f32 [tilespmem:s29], [sflag:$0xB], $0x40, s20, s18, $0xb8;
	[tilespmem:$0x1F300] =	vst v63  }
0xbe: {  	_ = 	snop  }
0xbf: {  	[spmem:s3] =	stream.indirect.scatter.add.f32 [tilespmem:s31], [sflag:$0x11], $0x1, s20, s18, $0xb8;
	[tilespmem:$0x1F300] =	vst v63  }
0xc0: {  	_ =	swait.ge [sflag:s25], $0x80  }
0xc1: {  	[sflag:s25] =	ssyncset.done $0x0  }
0xc2: {  	[sflag:s25] =	ssyncadd.s32 $0xFFFFFF80  }
0xc3: {  	_ =	swait.ge [sflag:s6], $0x2000  }
0xc4: {  	[sflag:s6] =	ssyncset.done $0x0  }
0xc5: {  	s21 =	simm.s32 $0x5000;
	s20 =	sadd.s32 $0x400, s19;
	[sflag:s6] =	ssyncadd.s32 $0xFFFFE000  }
0xc6: {  	[tilespmem:s21], [sflag:$0x1] =	stream.indirect.gather [hbm4b:s5+s18], $0x40, s20, s18, $0xb8;
	[tilespmem:$0x1F300] =	vst v63  }
0xc7: {  	_ =	swait.ge [sflag:s7], $0x2000  }
0xc8: {  	[sflag:s7] =	ssyncset.done $0x0  }
0xc9: {  	s0 =	simm.s32 $0xB000;
	s20 =	sadd.s32 $0x2980, s19;
	[sflag:s7] =	ssyncadd.s32 $0xFFFFE000  }
0xca: {  	[spmem:s2] =	stream.indirect.scatter.add.f32 [tilespmem:s0], [sflag:$0xC], $0x40, s20, s18, $0xb8;
	[tilespmem:$0x1F300] =	vst v63  }
0xcb: {  	_ = 	snop  }
0xcc: {  	[spmem:s3] =	stream.indirect.scatter.add.f32 [tilespmem:s31], [sflag:$0x11], $0x1, s20, s18, $0xb8;
	[tilespmem:$0x1F300] =	vst v63  }
0xcd: {  	_ =	swait.ge [sflag:s25], $0x80  }
0xce: {  	[sflag:s25] =	ssyncset.done $0x0  }
0xcf: {  	[sflag:s25] =	ssyncadd.s32 $0xFFFFFF80  }
0xd0: {  	_ =	swait.ge [sflag:s8], $0x2000  }
0xd1: {  	[sflag:s8] =	ssyncset.done $0x0  }
0xd2: {  	s1 =	simm.s32 $0x7000;
	s20 =	sadd.s32 $0x480, s19;
	[sflag:s8] =	ssyncadd.s32 $0xFFFFE000  }
0xd3: {  	[tilespmem:s1], [sflag:$0x2] =	stream.indirect.gather [hbm4b:s5+s18], $0x40, s20, s18, $0xb8;
	[tilespmem:$0x1F300] =	vst v63  }
0xd4: {  	_ =	swait.ge [sflag:s9], $0x2000  }
0xd5: {  	[sflag:s9] =	ssyncset.done $0x0  }
0xd6: {  	s28 =	simm.s32 $0xD000;
	s20 =	sadd.s32 $0x2A00, s19;
	[sflag:s9] =	ssyncadd.s32 $0xFFFFE000  }
0xd7: {  	[spmem:s2] =	stream.indirect.scatter.add.f32 [tilespmem:s28], [sflag:$0xD], $0x40, s20, s18, $0xb8;
	[tilespmem:$0x1F300] =	vst v63  }
0xd8: {  	_ = 	snop  }
0xd9: {  	[spmem:s3] =	stream.indirect.scatter.add.f32 [tilespmem:s31], [sflag:$0x11], $0x1, s20, s18, $0xb8;
	[tilespmem:$0x1F300] =	vst v63  }
0xda: {  	_ =	swait.ge [sflag:s25], $0x80  }
0xdb: {  	[sflag:s25] =	ssyncset.done $0x0  }
0xdc: {  	[sflag:s25] =	ssyncadd.s32 $0xFFFFFF80  }
0xdd: {  	_ =	swait.ge [sflag:s10], $0x2000  }
0xde: {  	[sflag:s10] =	ssyncset.done $0x0  }
0xdf: {  	s26 =	simm.s32 $0x9000;
	s20 =	sadd.s32 $0x500, s19;
	[sflag:s10] =	ssyncadd.s32 $0xFFFFE000  }
0xe0: {  	[tilespmem:s29], [sflag:$0x3] =	stream.indirect.gather [hbm4b:s5+s18], $0x40, s20, s18, $0xb8;
	[tilespmem:$0x1F300] =	vst v63  }
0xe1: {  	_ =	swait.ge [sflag:s11], $0x2000  }
0xe2: {  	[sflag:s11] =	ssyncset.done $0x0  }
0xe3: {  	s22 =	simm.s32 $0xF000;
	s20 =	sadd.s32 $0x2A80, s19;
	[sflag:s11] =	ssyncadd.s32 $0xFFFFE000  }
0xe4: {  	[spmem:s2] =	stream.indirect.scatter.add.f32 [tilespmem:s22], [sflag:$0xE], $0x40, s20, s18, $0xb8;
	[tilespmem:$0x1F300] =	vst v63  }
0xe5: {  	_ = 	snop  }
0xe6: {  	[spmem:s3] =	stream.indirect.scatter.add.f32 [tilespmem:s31], [sflag:$0x11], $0x1, s20, s18, $0xb8;
	[tilespmem:$0x1F300] =	vst v63  }
0xe7: {  	_ =	swait.ge [sflag:s25], $0x80  }
0xe8: {  	[sflag:s25] =	ssyncset.done $0x0  }
0xe9: {  	[sflag:s25] =	ssyncadd.s32 $0xFFFFFF80  }
0xea: {  	_ =	swait.ge [sflag:s12], $0x2000  }
0xeb: {  	[sflag:s12] =	ssyncset.done $0x0  }
0xec: {  	s29 =	simm.s32 $0xB000;
	s20 =	sadd.s32 $0x580, s19;
	[sflag:s12] =	ssyncadd.s32 $0xFFFFE000  }
0xed: {  	[tilespmem:s0], [sflag:$0x4] =	stream.indirect.gather [hbm4b:s5+s18], $0x40, s20, s18, $0xb8;
	[tilespmem:$0x1F300] =	vst v63  }
0xee: {  	_ =	swait.ge [sflag:s23], $0x2000  }
0xef: {  	[sflag:s23] =	ssyncset.done $0x0  }
0xf0: {  	s24 =	simm.s32 $0x11000;
	s20 =	sadd.s32 $0x2B00, s19;
	[sflag:s23] =	ssyncadd.s32 $0xFFFFE000  }
0xf1: {  	[spmem:s2] =	stream.indirect.scatter.add.f32 [tilespmem:s24], [sflag:$0xF], $0x40, s20, s18, $0xb8;
	[tilespmem:$0x1F300] =	vst v63  }
0xf2: {  	_ = 	snop  }
0xf3: {  	[spmem:s3] =	stream.indirect.scatter.add.f32 [tilespmem:s31], [sflag:$0x11], $0x1, s20, s18, $0xb8;
	[tilespmem:$0x1F300] =	vst v63  }
0xf4: {  	_ =	swait.ge [sflag:s25], $0x80  }
0xf5: {  	[sflag:s25] =	ssyncset.done $0x0  }
0xf6: {  	[sflag:s25] =	ssyncadd.s32 $0xFFFFFF80  }
0xf7: {  	_ =	swait.ge [sflag:s4], $0x2000  }
0xf8: {  	[sflag:s4] =	ssyncset.done $0x0  }
0xf9: {  	s0 =	simm.s32 $0xD000;
	s20 =	sadd.s32 $0x600, s19;
	[sflag:s4] =	ssyncadd.s32 $0xFFFFE000  }
0xfa: {  	[tilespmem:s28], [sflag:$0x5] =	stream.indirect.gather [hbm4b:s5+s18], $0x40, s20, s18, $0xb8;
	[tilespmem:$0x1F300] =	vst v63  }
0xfb: {  	_ =	swait.ge [sflag:s14], $0x2000  }
0xfc: {  	[sflag:s14] =	ssyncset.done $0x0  }
0xfd: {  	s20 =	sadd.s32 $0x2B80, s19;
	[sflag:s14] =	ssyncadd.s32 $0xFFFFE000  }
0xfe: {  	[spmem:s2] =	stream.indirect.scatter.add.f32 [tilespmem:s30], [sflag:$0x10], $0x40, s20, s18, $0xb8;
	[tilespmem:$0x1F300] =	vst v63  }
0xff: {  	s30 =	simm.s32 $0x1;
	_ =	sdelay $0x1  }
0x100: {  	[spmem:s3] =	stream.indirect.scatter.add.f32 [tilespmem:s31], [sflag:$0x11], $0x1, s20, s18, $0xb8;
	[tilespmem:$0x1F300] =	vst v63  }
0x101: {  	_ =	swait.ge [sflag:s25], $0x80  }
0x102: {  	[sflag:s25] =	ssyncset.done $0x0  }
0x103: {  	[sflag:s25] =	ssyncadd.s32 $0xFFFFFF80  }
0x104: {  	_ =	swait.ge [sflag:s16], $0x2000  }
0x105: {  	[sflag:s16] =	ssyncset.done $0x0  }
0x106: {  	s28 =	simm.s32 $0xF000;
	s20 =	sadd.s32 $0x680, s19;
	[sflag:s16] =	ssyncadd.s32 $0xFFFFE000  }
0x107: {  	[tilespmem:s22], [sflag:$0x6] =	stream.indirect.gather [hbm4b:s5+s18], $0x40, s20, s18, $0xb8;
	[tilespmem:$0x1F300] =	vst v63  }
0x108: {  	_ =	swait.ge [sflag:s30], $0x2000  }
0x109: {  	[sflag:s30] =	ssyncset.done $0x0  }
0x10a: {  	s20 =	sadd.s32 $0x2C00, s19;
	[sflag:s30] =	ssyncadd.s32 $0xFFFFE000  }
0x10b: {  	[spmem:s2] =	stream.indirect.scatter.add.f32 [tilespmem:s21], [sflag:$0x9], $0x40, s20, s18, $0xb8;
	[tilespmem:$0x1F300] =	vst v63  }
0x10c: {  	_ = 	snop  }
0x10d: {  	[spmem:s3] =	stream.indirect.scatter.add.f32 [tilespmem:s31], [sflag:$0x11], $0x1, s20, s18, $0xb8;
	[tilespmem:$0x1F300] =	vst v63  }
0x10e: {  	_ =	swait.ge [sflag:s25], $0x80  }
0x10f: {  	[sflag:s25] =	ssyncset.done $0x0  }
0x110: {  	[sflag:s25] =	ssyncadd.s32 $0xFFFFFF80  }
0x111: {  	_ =	swait.ge [sflag:s17], $0x2000  }
0x112: {  	[sflag:s17] =	ssyncset.done $0x0  }
0x113: {  	s20 =	sadd.s32 $0x700, s19;
	[sflag:s17] =	ssyncadd.s32 $0xFFFFE000  }
0x114: {  	[tilespmem:s24], [sflag:$0x7] =	stream.indirect.gather [hbm4b:s5+s18], $0x40, s20, s18, $0xb8;
	[tilespmem:$0x1F300] =	vst v63  }
0x115: {  	s22 =	simm.s32 $0x11000;
	s24 =	simm.s32 $0x2  }
0x116: {  	_ =	swait.ge [sflag:s24], $0x2000  }
0x117: {  	[sflag:s24] =	ssyncset.done $0x0  }
0x118: {  	s20 =	sadd.s32 $0x2C80, s19;
	[sflag:s24] =	ssyncadd.s32 $0xFFFFE000  }
0x119: {  	[spmem:s2] =	stream.indirect.scatter.add.f32 [tilespmem:s1], [sflag:$0xA], $0x40, s20, s18, $0xb8;
	[tilespmem:$0x1F300] =	vst v63  }
0x11a: {  	_ = 	snop  }
0x11b: {  	[spmem:s3] =	stream.indirect.scatter.add.f32 [tilespmem:s31], [sflag:$0x11], $0x1, s20, s18, $0xb8;
	[tilespmem:$0x1F300] =	vst v63  }
0x11c: {  	_ =	swait.ge [sflag:s25], $0x80  }
.Ltmp0:
0x11d: {  	[sflag:s25] =	ssyncset.done $0x0;
	(pc) =	sbr.rel @p0 .LBB2_2-.Ltmp0, $4  }
0x11e: {  	[sflag:s25] =	ssyncadd.s32 $0xFFFFFF80  }
0x11f: {  	_ =	swait.ge [sflag:s15], $0x2000  }
0x120: {  	[sflag:s15] =	ssyncset.done $0x0  }
0x121: {  	s19 =	sadd.s32 $0x780, s19;
	[sflag:s15] =	ssyncadd.s32 $0xFFFFE000  }
0x122: {  	s13 =	simm.s32 $0x13000;
	s1 =	simm.s32 $0x3  }
0x123: {  	[tilespmem:s13], [sflag:$0x8] =	stream.indirect.gather [hbm4b:s5+s18], $0x40, s19, s18, $0xb8;
	[tilespmem:$0x1F300] =	vst v63  }
0x124: {  	_ =	swait.ge [sflag:s1], $0x2000  }
0x125: {  	[sflag:s1] =	ssyncset.done $0x0  }
0x126: {  	s21 =	simm.s32 $0x4D00;
	[sflag:s1] =	ssyncadd.s32 $0xFFFFE000  }
0x127: {  	[spmem:s2] =	stream.indirect.scatter.add.f32 [tilespmem:s26], [sflag:$0xB], $0x40, s21, s18, $0xb8;
	[tilespmem:$0x1F300] =	vst v63  }
0x128: {  	_ = 	snop  }
0x129: {  	[spmem:s3] =	stream.indirect.scatter.add.f32 [tilespmem:s31], [sflag:$0x11], $0x1, s21, s18, $0xb8;
	[tilespmem:$0x1F300] =	vst v63  }
0x12a: {  	_ =	swait.ge [sflag:s25], $0x80  }
0x12b: {  	[sflag:s25] =	ssyncset.done $0x0  }
0x12c: {  	[sflag:s25] =	ssyncadd.s32 $0xFFFFFF80  }
0x12d: {  	_ =	swait.ge [sflag:s7], $0x2000  }
0x12e: {  	[sflag:s7] =	ssyncset.done $0x0  }
0x12f: {  	s26 =	simm.s32 $0x4D80;
	[sflag:s7] =	ssyncadd.s32 $0xFFFFE000  }
0x130: {  	[spmem:s2] =	stream.indirect.scatter.add.f32 [tilespmem:s29], [sflag:$0xC], $0x40, s26, s18, $0xb8;
	[tilespmem:$0x1F300] =	vst v63  }
0x131: {  	_ = 	snop  }
0x132: {  	[spmem:s3] =	stream.indirect.scatter.add.f32 [tilespmem:s31], [sflag:$0x11], $0x1, s26, s18, $0xb8;
	[tilespmem:$0x1F300] =	vst v63  }
0x133: {  	_ =	swait.ge [sflag:s25], $0x80  }
0x134: {  	[sflag:s25] =	ssyncset.done $0x0  }
0x135: {  	[sflag:s25] =	ssyncadd.s32 $0xFFFFFF80  }
0x136: {  	_ =	swait.ge [sflag:s9], $0x2000  }
0x137: {  	[sflag:s9] =	ssyncset.done $0x0  }
0x138: {  	s1 =	simm.s32 $0x4E00;
	[sflag:s9] =	ssyncadd.s32 $0xFFFFE000  }
0x139: {  	[spmem:s2] =	stream.indirect.scatter.add.f32 [tilespmem:s0], [sflag:$0xD], $0x40, s1, s18, $0xb8;
	[tilespmem:$0x1F300] =	vst v63  }
0x13a: {  	_ = 	snop  }
0x13b: {  	[spmem:s3] =	stream.indirect.scatter.add.f32 [tilespmem:s31], [sflag:$0x11], $0x1, s1, s18, $0xb8;
	[tilespmem:$0x1F300] =	vst v63  }
0x13c: {  	_ =	swait.ge [sflag:s25], $0x80  }
0x13d: {  	[sflag:s25] =	ssyncset.done $0x0  }
0x13e: {  	[sflag:s25] =	ssyncadd.s32 $0xFFFFFF80  }
0x13f: {  	_ =	swait.ge [sflag:s11], $0x2000  }
0x140: {  	[sflag:s11] =	ssyncset.done $0x0  }
0x141: {  	s19 =	simm.s32 $0x4E80;
	[sflag:s11] =	ssyncadd.s32 $0xFFFFE000  }
0x142: {  	[spmem:s2] =	stream.indirect.scatter.add.f32 [tilespmem:s28], [sflag:$0xE], $0x40, s19, s18, $0xb8;
	[tilespmem:$0x1F300] =	vst v63  }
0x143: {  	_ = 	snop  }
0x144: {  	[spmem:s3] =	stream.indirect.scatter.add.f32 [tilespmem:s31], [sflag:$0x11], $0x1, s19, s18, $0xb8;
	[tilespmem:$0x1F300] =	vst v63  }
0x145: {  	_ =	swait.ge [sflag:s25], $0x80  }
0x146: {  	[sflag:s25] =	ssyncset.done $0x0  }
0x147: {  	[sflag:s25] =	ssyncadd.s32 $0xFFFFFF80  }
0x148: {  	_ =	swait.ge [sflag:s23], $0x2000  }
0x149: {  	[sflag:s23] =	ssyncset.done $0x0  }
0x14a: {  	s20 =	simm.s32 $0x4F00;
	[sflag:s23] =	ssyncadd.s32 $0xFFFFE000  }
0x14b: {  	[spmem:s2] =	stream.indirect.scatter.add.f32 [tilespmem:s22], [sflag:$0xF], $0x40, s20, s18, $0xb8;
	[tilespmem:$0x1F300] =	vst v63  }
0x14c: {  	_ = 	snop  }
0x14d: {  	[spmem:s3] =	stream.indirect.scatter.add.f32 [tilespmem:s31], [sflag:$0x11], $0x1, s20, s18, $0xb8;
	[tilespmem:$0x1F300] =	vst v63  }
0x14e: {  	_ =	swait.ge [sflag:s25], $0x80  }
0x14f: {  	[sflag:s25] =	ssyncset.done $0x0  }
0x150: {  	[sflag:s25] =	ssyncadd.s32 $0xFFFFFF80  }
0x151: {  	_ =	swait.ge [sflag:s14], $0x2000  }
0x152: {  	[sflag:s14] =	ssyncset.done $0x0  }
0x153: {  	s21 =	simm.s32 $0x4F80;
	[sflag:s14] =	ssyncadd.s32 $0xFFFFE000  }
0x154: {  	[spmem:s2] =	stream.indirect.scatter.add.f32 [tilespmem:s13], [sflag:$0x10], $0x40, s21, s18, $0xb8;
	[tilespmem:$0x1F300] =	vst v63  }
0x155: {  	_ = 	snop  }
0x156: {  	[spmem:s3] =	stream.indirect.scatter.add.f32 [tilespmem:s31], [sflag:$0x11], $0x1, s21, s18, $0xb8;
	[tilespmem:$0x1F300] =	vst v63  }
0x157: {  	_ =	swait.ge [sflag:s25], $0x80  }
0x158: {  	[sflag:s25] =	ssyncset.done $0x0  }
0x159: {  	[sflag:s25] =	ssyncadd.s32 $0xFFFFFF80  }
0x15a: {  	_ =	swait.ge [sflag:s6], $0x2000  }
0x15b: {  	[sflag:s6] =	ssyncset.done $0x0  }
0x15c: {  	[sflag:s6] =	ssyncadd.s32 $0xFFFFE000  }
0x15d: {  	_ =	swait.ge [sflag:s8], $0x2000  }
0x15e: {  	[sflag:s8] =	ssyncset.done $0x0  }
0x15f: {  	[sflag:s8] =	ssyncadd.s32 $0xFFFFE000  }
0x160: {  	_ =	swait.ge [sflag:s10], $0x2000  }
0x161: {  	[sflag:s10] =	ssyncset.done $0x0  }
0x162: {  	[sflag:s10] =	ssyncadd.s32 $0xFFFFE000  }
0x163: {  	_ =	swait.ge [sflag:s12], $0x2000  }
0x164: {  	[sflag:s12] =	ssyncset.done $0x0  }
0x165: {  	[sflag:s12] =	ssyncadd.s32 $0xFFFFE000  }
0x166: {  	_ =	swait.ge [sflag:s4], $0x2000  }
0x167: {  	[sflag:s4] =	ssyncset.done $0x0  }
0x168: {  	[sflag:s4] =	ssyncadd.s32 $0xFFFFE000  }
0x169: {  	_ =	swait.ge [sflag:s16], $0x2000  }
0x16a: {  	[sflag:s16] =	ssyncset.done $0x0  }
0x16b: {  	[sflag:s16] =	ssyncadd.s32 $0xFFFFE000  }
0x16c: {  	_ =	swait.ge [sflag:s17], $0x2000  }
0x16d: {  	[sflag:s17] =	ssyncset.done $0x0  }
0x16e: {  	[sflag:s17] =	ssyncadd.s32 $0xFFFFE000  }
0x16f: {  	_ =	swait.ge [sflag:s15], $0x2000  }
0x170: {  	[sflag:s15] =	ssyncset.done $0x0  }
0x171: {  	[sflag:s15] =	ssyncadd.s32 $0xFFFFE000  }
0x172: {  	_ =	swait.ge [sflag:s25], $0x80  }
0x173: {  	[sflag:s25] =	ssyncset.done $0x0  }
0x174: {  	[sflag:s25] =	ssyncadd.s32 $0xFFFFFF80  }
0x175: {  	_ =	swait.ge [sflag:s25], $0x80  }
0x176: {  	[sflag:s25] =	ssyncset.done $0x0  }
0x177: {  	[sflag:s25] =	ssyncadd.s32 $0xFFFFFF80  }
0x178: {  	[bflag:$0x0] =	sbarrier.arrive $0xFFFF  }
0x179: {  	s22 =	rddreg [dreg:$0x9]  }
0x17a: {  	s19 =	rddreg [dreg:$0xc]  }
0x17b: {  	s20 =	simm.s32 $0x12;
	s21 =	rddreg [dreg:$0xd]  }
0x17c: {  	[hbm:s22], [sflag:s19] =	dma.local [spmem:s21], $0x1400  }
0x17d: {  	_ =	swait.ge [sflag:s20], $0x1400  }
0x17e: {  	[sflag:s20] =	ssyncset.done $0x0;
	s26 =	rddreg [dreg:$0xa]  }
0x17f: {  	s1 =	rddreg [dreg:$0xe];
	[sflag:s20] =	ssyncadd.s32 $0xFFFFEC00  }
0x180: {  	[hbm:s26], [sflag:s19] =	dma.local [spmem:s1], $0x50  }
0x181: {  	_ =	swait.ge [sflag:s20], $0x50  }
0x182: {  	s28 =	rddreg [dreg:$0xf]  }
0x183: {  	s29 =	rddreg [dreg:$0xb];
	s0 =	sadd.s32 $0x1, s28  }
0x184: {  	p0 =	sne.s32 s0, s29  }
.Ltmp1:
0x185: {  	_ = 	snop;
	(pc) =	sbr.rel @p0 .LBB2_1-.Ltmp1, $3  }
0x186: {  	_ =	sdelay $0x1  }
0x187: {  	[sflag:s20] =	ssyncset.done $0x0  }
0x188: {  	[sflag:s20] =	ssyncadd.s32 $0xFFFFFFB0  }
0x189: {  	_ =	sfence.sel $0x180000  }
0x18a: {  	[bflag:$0x0] =	sbarrier.arrive $0xFFFF  }
0x18b: {  	_ =	strace $0x90000047  }
0x18c: {  	s0 =	stileid.u32;
	[bflag:$0x2] =	sbarrier.arrive $0xFFFF  }
0x18d: {  	p0 =	sne.s32 s0, $0x0;
	s0 =	rddreg [dreg:$0x4]  }
0x18e: {  	s0 =	sadd.s32 @!p0 $0x100000, s0  }
0x18f: {  	[sflag:s0] =	ssyncadd.tile.s32 @!p0 $0x1;
	_ =	shalt  }
.Lfunc_end2:
_tile_overlayer_lowered:
.L_overlay_start_2:
0x190: {  	(tag) =	ssettag $0x2  }
0x191: {  	s0 =	rddreg [dreg:$0x0];
	s2 =	stileid.u32  }
0x192: {  	s1 =	rddreg [dreg:$0x1];
	p0 =	sne.s32 s2, $0x0  }
0x193: {  	s3 =	rddreg [dreg:$0x2];
	[bflag:$0x3] =	sbarrier.arrive $0xFFFF;
	s2 =	simm.s32 @!p0 $0x1C12  }
0x194: {  	[timem:s3], [sflag:s2] =	dma.local @!p0 [hbm:s0], s1  }
0x195: {  	s0 =	simm.s32 @!p0 $0x12  }
0x196: {  	_ =	swait.ge @!p0 [sflag:s0], s1  }
0x197: {  	s1 =	ssub.s32 @!p0 $0x0, s1;
	[sflag:s0] =	ssyncset.done @!p0 $0x0  }
0x198: {  	[sflag:s0] =	ssyncadd.s32 @!p0 s1  }
0x199: {  	[bflag:$0x3] =	sbarrier.arrive $0xFFFF  }
0x19a: {  	_ =	shalt  }

// kernel: _impl.9.cloned.1.call-start
scs
__scs_entry_jumppad:
0x0: {  	(pc) =	sbr.rel $0x88, $3  }
0x1: {  	(tag) =	ssettag $0x0;
	lr =	simm.s32 $0x1  }
0x2: {  	[smem:$0x3F9B] =	sst lr;
	_ =	strace $0xD0000000  }
0x3: {  	_ = 	snop  }
0x4: {  	_ = 	snop  }
0x5: {  	_ = 	snop  }
0x6: {  	_ = 	snop  }
0x7: {  	_ = 	snop  }
__scs_overlays_trampoline_lowered:
0x8: {  	[smem:$0x3FAA] =	sst s0  }
0x9: {  	[smem:$0x3FAB] =	sst s1  }
0xa: {  	[smem:$0x3FAC] =	sst s2  }
0xb: {  	[smem:$0x3FAD] =	sst s3  }
0xc: {  	[smem:$0x3FAE] =	sst s4  }
0xd: {  	[smem:$0x3FAF] =	sst s5  }
0xe: {  	[smem:$0x3FB0] =	sst s6  }
0xf: {  	[smem:$0x3FB1] =	sst s7  }
0x10: {  	[smem:$0x3FB2] =	sst s8  }
0x11: {  	[smem:$0x3FB3] =	sst s9;
	s0 =	simm.s32 @!p0 $0x0  }
0x12: {  	s1 =	sld [smem:$0x3F99];
	s0 =	simm.s32 @p0 $0x1  }
0x13: {  	[smem:$0x3FB4] =	sst s0;
	s0 =	simm.s32 @!p1 $0x0  }
0x14: {  	s2 =	sld [smem:$0x3F98];
	s0 =	simm.s32 @p1 $0x1  }
0x15: {  	[smem:$0x3FB5] =	sst s0;
	s0 =	simm.s32 @!p2 $0x0  }
0x16: {  	s3 =	sld [smem:$0x3FDB];
	s0 =	simm.s32 @p2 $0x1  }
0x17: {  	s4 =	simm.s32 $0x1BF5;
	[smem:$0x3FB7] =	sst s0  }
0x18: {  	s0 =	sld [smem:$0x3F9A];
	_ =	swait.ge [sflag:s4], $0x0  }
0x19: {  	s7 =	sld [smem:$0x3F9B]  }
0x1a: {  	s8 =	sadd.s32 $0xFFFFE003, lr  }
0x1b: {  	s9 =	sadd.s32 $0xFFFFFEF7, lr;
	s5 =	simm.s32 $0xFFFFFFFF;
	p2 =	slt.u32 s8, $0xFFFFF086  }
0x1c: {  	p1 =	slt.u32 s9, $0xF7A;
	s5 =	simm.s32 @!p2 $0x0  }
0x1d: {  	s5 =	simm.s32 @p1 $0x1;
	p0 =	seq.s32 s7, s2  }
0x1e: {  	s7 =	smul.u32 @!p0 $0xF7A, s2;
	p2 =	seq.s32 @!p0 s5, $0x0  }
0x1f: {  	s9 =	smul.u32 $0xF7A, s1;
	s8 =	simm.s32 @!p0 $0x1BF5;
	p2 =	por !p2, p0  }
0x20: {  	[sflag:s8] =	ssyncset.s32 @!p0 $0xFFFFF086;
	s6 =	sadd.s32 @!p0 s3, s7;
	s7 =	simm.s32 @!p0 $0x108  }
0x21: {  	s3 =	sadd.s32 s3, s9;
	s6 =	sadd.s32 @!p0 $0x88, s6;
	s7 =	simm.s32 @p2 $0x1082  }
0x22: {  	[simem:s7], [sflag:s8] =	dma.local @!p0 [hbm:s6], $0xF7A  }
0x23: {  	s9 =	sor.u32 $0xD0000000, s2;
	s6 =	simm.s32 $0x108;
	_ =	swait.ge @!p0 [sflag:s8], $0x0  }
0x24: {  	s3 =	sadd.s32 $0x88, s3;
	s6 =	simm.s32 @!p1 $0x1082;
	[sflag:s4] =	ssyncset.s32 $0xFFFFF086  }
0x25: {  	[simem:s6], [sflag:s4] =	dma.local [hbm:s3], $0xF7A  }
0x26: {  	[smem:$0x3F9B] =	sst s1;
	(tag) =	ssettag s2;
	_ =	strace s9  }
0x27: {  	s1 =	sld [smem:$0x3FAB]  }
0x28: {  	s2 =	sld [smem:$0x3FAC]  }
0x29: {  	s4 =	sld [smem:$0x3FAE]  }
0x2a: {  	p0 =	seq.s32 s5, $0x0;
	s5 =	sld [smem:$0x3FAF]  }
0x2b: {  	s6 =	sld [smem:$0x3FB0]  }
0x2c: {  	s7 =	sld [smem:$0x3FB1]  }
0x2d: {  	s3 =	simm.s32 $0x108;
	s8 =	sld [smem:$0x3FB2]  }
0x2e: {  	s3 =	simm.s32 @!p0 $0x1082;
	s9 =	sld [smem:$0x3FB3]  }
0x2f: {  	lr =	sadd.s32 s0, s3;
	s0 =	sld [smem:$0x3FAA]  }
0x30: {  	s3 =	sld [smem:$0x3FAD]  }
0x31: {  	[smem:$0x3FB6] =	sst s10  }
0x32: {  	s10 =	sld [smem:$0x3FB4];
	_ =	sdelay $0x3  }
0x33: {  	p0 =	seq.s32 s10, $0x1;
	s10 =	sld [smem:$0x3FB6];
	_ =	sdelay $0x3  }
0x34: {  	[smem:$0x3FB6] =	sst s10  }
0x35: {  	s10 =	sld [smem:$0x3FB5];
	_ =	sdelay $0x3  }
0x36: {  	p1 =	seq.s32 s10, $0x1;
	s10 =	sld [smem:$0x3FB6];
	_ =	sdelay $0x3  }
0x37: {  	[smem:$0x3FB6] =	sst s10  }
0x38: {  	s10 =	sld [smem:$0x3FB7]  }
0x39: {  	_ = 	snop;
	(pc) =	sbr.ind lr, $3  }
0x3a: {  	_ = 	snop  }
0x3b: {  	_ = 	snop  }
0x3c: {  	p2 =	seq.s32 s10, $0x1;
	s10 =	sld [smem:$0x3FB6]  }
0x3d: {  	_ =	shalt  }
0x3e: {  	_ =	shalt  }
0x3f: {  	_ =	shalt  }
0x40: {  	_ =	shalt  }
0x41: {  	_ =	shalt  }
0x42: {  	_ =	shalt  }
0x43: {  	_ =	shalt  }
0x44: {  	_ =	shalt  }
0x45: {  	_ =	shalt  }
0x46: {  	_ =	shalt  }
0x47: {  	_ =	shalt  }
0x48: {  	_ =	shalt  }
0x49: {  	_ =	shalt  }
0x4a: {  	_ =	shalt  }
0x4b: {  	_ =	shalt  }
0x4c: {  	_ =	shalt  }
0x4d: {  	_ =	shalt  }
0x4e: {  	_ =	shalt  }
0x4f: {  	_ =	shalt  }
0x50: {  	_ =	shalt  }
0x51: {  	_ =	shalt  }
0x52: {  	_ =	shalt  }
0x53: {  	_ =	shalt  }
0x54: {  	_ =	shalt  }
0x55: {  	_ =	shalt  }
0x56: {  	_ =	shalt  }
0x57: {  	_ =	shalt  }
0x58: {  	_ =	shalt  }
0x59: {  	_ =	shalt  }
0x5a: {  	_ =	shalt  }
0x5b: {  	_ =	shalt  }
0x5c: {  	_ =	shalt  }
0x5d: {  	_ =	shalt  }
0x5e: {  	_ =	shalt  }
0x5f: {  	_ =	shalt  }
0x60: {  	_ =	shalt  }
0x61: {  	_ =	shalt  }
0x62: {  	_ =	shalt  }
0x63: {  	_ =	shalt  }
0x64: {  	_ =	shalt  }
0x65: {  	_ =	shalt  }
0x66: {  	_ =	shalt  }
0x67: {  	_ =	shalt  }
0x68: {  	_ =	shalt  }
0x69: {  	_ =	shalt  }
0x6a: {  	_ =	shalt  }
0x6b: {  	_ =	shalt  }
0x6c: {  	_ =	shalt  }
0x6d: {  	_ =	shalt  }
0x6e: {  	_ =	shalt  }
0x6f: {  	_ =	shalt  }
0x70: {  	_ =	shalt  }
0x71: {  	_ =	shalt  }
0x72: {  	_ =	shalt  }
0x73: {  	_ =	shalt  }
0x74: {  	_ =	shalt  }
0x75: {  	_ =	shalt  }
0x76: {  	_ =	shalt  }
0x77: {  	_ =	shalt  }
0x78: {  	_ =	shalt  }
0x79: {  	_ =	shalt  }
0x7a: {  	_ =	shalt  }
0x7b: {  	_ =	shalt  }
0x7c: {  	_ =	shalt  }
0x7d: {  	_ =	shalt  }
0x7e: {  	_ =	shalt  }
0x7f: {  	_ =	shalt  }
0x80: {  	_ =	shalt  }
0x81: {  	_ =	shalt  }
0x82: {  	_ =	shalt  }
0x83: {  	_ =	shalt  }
0x84: {  	_ =	shalt  }
0x85: {  	_ =	shalt  }
0x86: {  	_ =	shalt  }
0x87: {  	_ =	shalt  }
.Lfunc_end0:
.L_simem_size_0:
called_computation.1_lowered:
.L_overlay_start_0:
0x88: {  	s2 =	sld [smem:$0x3FD9]  }
0x89: {  	s3 =	sld [smem:$0x3FFE];
	_ =	sdelay $0x1  }
0x8a: {  	s1 =	srdreg.scid  }
0x8b: {  	s0 =	sand.u32 $0x1, s1  }
0x8c: {  	s17 =	sshll.u32 s0, $0xA;
	s2 =	sadd.s32 s3, s2  }
0x8d: {  	s2 =	sadd.s32 s2, s17  }
0x8e: {  	[smem:$0x3FC2] =	sst s2  }
0x8f: {  	_ = 	snop  }
0x90: {  	s2 =	sld [smem:$0x3FD0];
	(tm) =	ssettm $0x1  }
0x91: {  	s18 =	sld [smem:$0x3FFB];
	_ =	sdelay $0x3  }
0x92: {  	_ =	strace s18  }
0x93: {  	s3 =	sld [smem:$0x3FFC];
	_ =	sdelay $0x3  }
0x94: {  	_ =	strace s3  }
0x95: {  	s3 =	sld [smem:$0x3FFD];
	_ =	sdelay $0x3  }
0x96: {  	_ =	strace s3  }
0x97: {  	_ =	strace $0x8FFFFFFF  }
0x98: {  	s19 =	sld [smem:$0x3FDB];
	_ =	sdelay $0x1  }
0x99: {  	s4 =	simm.s32 $_scs_section_size  }
0x9a: {  	s5 =	simm.s32 $_size__tile_overlayer_lowered;
	s6 =	simm.s32 $_tile_overlayer_lowered  }
0x9b: {  	s22 =	simm.s32 $0x1BFF;
	s21 =	sshll.u32 s6, $0x1;
	s3 =	sadd.s32 s4, s19  }
0x9c: {  	s7 =	simm.s32 $0x0;
	s20 =	sshll.u32 s5, $0x1;
	s5 =	sadd.s32 s21, s3  }
0x9d: {  	[timem:s7], [sflag:s22] =	dma.local [hbm:s5], s20  }
0x9e: {  	_ =	swait.ge [sflag:s22], s20  }
0x9f: {  	s4 =	ssub.s32 $0x0, s20;
	[sflag:s22] =	ssyncset.done $0x0  }
0xa0: {  	[sflag:s22] =	ssyncadd.s32 s4;
	_ =	sdelay $0x1  }
0xa1: {  	s23 =	simm.s32 $0x1B8B  }
0xa2: {  	_ =	swait.ge [sflag:s23], $0x1  }
0xa3: {  	[sflag:s23] =	ssyncset.done $0x0  }
0xa4: {  	s25 =	simm.s32 $0x1B8E;
	s24 =	sld [smem:$0x3FFE];
	[sflag:s23] =	ssyncadd.s32 $0xFFFFFFFF  }
0xa5: {  	s26 =	simm.s32 $execute0_lowered;
	[smem:$0x3FD2] =	sst s25  }
0xa6: {  	s5 =	sshll.u32 s26, $0x1;
	_ =	strace $0x80000049;
	[dreg:$0x1] =	wrdreg $0xFFFFFFFF  }
0xa7: {  	s28 =	simm.s32 $_size_execute0_lowered;
	s3 =	sadd.s32 s3, s5;
	[dreg:$0x0] =	wrdreg $0x0  }
0xa8: {  	s5 =	sshll.u32 s28, $0x1;
	[dreg:$0x2] =	wrdreg s3  }
0xa9: {  	[dreg:$0x3] =	wrdreg s5  }
0xaa: {  	[dreg:$0x4] =	wrdreg $0xC0  }
0xab: {  	_ =	task [dreg:s7], $0x5FFFF  }
0xac: {  	[dreg:$0x1] =	wrdreg $0xFFFFFFFF  }
0xad: {  	[dreg:$0x0] =	wrdreg $0x60  }
0xae: {  	[dreg:$0x2] =	wrdreg s24  }
0xaf: {  	[dreg:$0x3] =	wrdreg s2  }
0xb0: {  	[dreg:$0x4] =	wrdreg $0x140000  }
0xb1: {  	[dreg:$0x5] =	wrdreg $0x9  }
0xb2: {  	_ =	task.clear_ibuf [dreg:s7], $0x6FFFF;
	_ =	strace $0x90000049  }
0xb3: {  	s29 =	simm.s32 $0x9;
	_ =	strace $0x8000004B  }
0xb4: {  	_ =	swait.ge [sflag:s29], $0x1  }
0xb5: {  	[sflag:s29] =	ssyncadd.s32 $0xFFFFFFFF  }
0xb6: {  	_ =	strace $0x9000004B  }
0xb7: {  	_ =	sfence  }
0xb8: {  	s30 =	sld [smem:$0x0];
	_ =	sdelay $0x2  }
0xb9: {  	s31 =	sshll.u32 s1, $0xD;
	s1 =	sshrl.u32 s1, $0x2  }
0xba: {  	s3 =	sand.u32 $0x4000, s31;
	s1 =	sadd.s32 s1, s30  }
0xbb: {  	s0 =	sor.u32 s3, s0;
	s1 =	sshll.u32 s1, $0x11  }
0xbc: {  	s0 =	sor.u32 s1, s0  }
0xbd: {  	s0 =	sadd.s32 $0x8F2B, s0  }
0xbe: {  	[sflag:s0] =	ssyncadd.remote.s32 $0x1  }
0xbf: {  	_ =	sfence.sel $0xFFFF  }
0xc0: {  	[dreg:$0x0] =	wrdreg $0xFFFFFFFF;
	(pc) =	sbr.abs _section_cstart, $3  }
0xc1: {  	[dreg:$0x1] =	wrdreg $0xFFFFFFFF  }
0xc2: {  	_ =	task.clear_ibuf [dreg:s7], $0x2FFFF;
	_ =	strace $0x9FFFFFFF  }
0xc3: {  	(tm) =	ssettm $0x7FFFFFFF  }
tec
execute0_lowered:
.L_overlay_start_1:
0x0: {  	(tag) =	ssettag $0x1  }
0x1: {  	s0 =	rddreg [dreg:$0x0]  }
0x2: {  	s1 =	rddreg [dreg:$0x1]  }
0x3: {  	s2 =	rddreg [dreg:$0x2]  }
0x4: {  	s11 =	stileid.u32;
	s4 =	srdreg.scid;
	s3 =	simm.s32 $0x0  }
0x5: {  	s14 =	simm.s32 $0x80;
	s15 =	simm.s32 $0xA000;
	s16 =	simm.s32 $0xC000  }
0x6: {  	s18 =	simm.s32 $0xE000;
	s19 =	simm.s32 $0x1;
	s21 =	simm.s32 $0x10000  }
0x7: {  	s22 =	simm.s32 $0x2;
	s28 =	simm.s32 $0x6;
	s29 =	simm.s32 $0x4  }
0x8: {  	s30 =	simm.s32 $0x7;
	s31 =	simm.s32 $0x5;
	s5 =	smul.u32 $0xA00, s11  }
0x9: {  	s17 =	simm.s32 $0xA;
	s20 =	simm.s32 $0x0;
	s7 =	smul.u32 $0x1400, s11  }
0xa: {  	s4 =	sand.u32 $0x1, s4;
	[smem:$0x7FF] =	sst s3;
	s9 =	smul.u32 $0xA000, s11  }
0xb: {  	s26 =	sshll.u32 s11, $0x6;
	s11 =	simm.s32 $0x5000;
	s6 =	smul.u32 $0x14000, s4  }
0xc: {  	_ =	strace $0x8000004A;
	s4 =	ssub.s32 $0x2, s4;
	s12 =	sor.u32 $0x1C0B, s26  }
0xd: {  	s26 =	simm.s32 $0x3;
	s5 =	sadd.s32 s5, s0;
	s23 =	sshrl.u32 s4, $0x1  }
0xe: {  	s13 =	sadd.s32 s9, s2;
	s25 =	sshrl.u32 s9, $0x3;
	s8 =	sadd.s32 s6, s0  }
0xf: {  	s6 =	sadd.s32 s7, s6;
	s10 =	ssub.s32 s4, s23;
	s24 =	sadd.s32 $0x1F600, s5  }
0x10: {  	s5 =	sadd.s32 $0x15600, s5;
	s13 =	sshrl.u32 s13, $0x3;
	s0 =	sadd.s32 s6, s0  }
0x11: {  	[dreg:$0x4] =	wrdreg s24;
	s6 =	sadd.s32 s1, s25;
	s7 =	sadd.s32 $0xA1600, s8  }
0x12: {  	s9 =	smax.u32 s10, $0x1;
	s10 =	simm.s32 $0xB;
	s25 =	simm.s32 $0x12000  }
0x13: {  	s1 =	simm.s32 $0x9;
	s8 =	sadd.s32 $0xC9600, s0;
	s0 =	simm.s32 $0x8  }
.LBB2_1:
0x14: {  	s4 =	rddreg [dreg:$0x4]  }
0x15: {  	[tilespmem:s3], [sflag:$0xB] =	stream.linear.gather [hbm4b:s4+s3], $0x5000, $0x38;
	[tilespmem:$0x1E000] =	vst v63  }
0x16: {  	_ =	swait.ge [sflag:s10], $0x5000  }
0x17: {  	[sflag:s10] =	ssyncset.done $0x0  }
0x18: {  	[sflag:s10] =	ssyncadd.s32 $0xFFFFB000  }
0x19: {  	[tilespmem:s11], [sflag:$0xB] =	stream.linear.gather [hbm4b:s5+s3], $0x5000, $0x38;
	[tilespmem:$0x1E000] =	vst v63  }
0x1a: {  	_ =	swait.ge [sflag:s10], $0x5000  }
0x1b: {  	[sflag:s10] =	ssyncset.done $0x0  }
0x1c: {  	[sflag:s10] =	ssyncadd.s32 $0xFFFFB000  }
0x1d: {  	[spmem:s13], [sflag:s12] =	dma.local [hbm:s6], $0x1400  }
0x1e: {  	_ =	swait.ge [sflag:s10], $0x1400  }
0x1f: {  	[sflag:s10] =	ssyncset.done $0x0  }
0x20: {  	[sflag:s10] =	ssyncadd.s32 $0xFFFFEC00  }
0x21: {  	[bflag:$0x0] =	sbarrier.arrive $0xFFFF  }
0x22: {  	[tilespmem:s15], [sflag:$0x1] =	stream.indirect.gather [hbm4b:s7+s14], $0x40, s3, s14, $0xb8;
	[tilespmem:$0x1E000] =	vst v63  }
0x23: {  	_ = 	snop  }
0x24: {  	[tilespmem:s16], [sflag:$0x2] =	stream.indirect.gather [hbm4b:s7+s14], $0x40, s14, s14, $0xb8;
	[tilespmem:$0x1E000] =	vst v63  }
0x25: {  	s23 =	simm.s32 $0x100  }
0x26: {  	[tilespmem:s18], [sflag:$0x3] =	stream.indirect.gather [hbm4b:s7+s14], $0x40, s23, s14, $0xb8;
	[tilespmem:$0x1E000] =	vst v63  }
0x27: {  	_ =	swait.ge [sflag:s19], $0x2000  }
0x28: {  	[sflag:s19] =	ssyncset.done $0x0  }
0x29: {  	[sflag:s19] =	ssyncadd.s32 $0xFFFFE000  }
0x2a: {  	[spmem:s2] =	stream.indirect.scatter.add.f32 [tilespmem:s15], [sflag:$0x6], $0x40, s11, s14, $0xb8;
	[tilespmem:$0x1E000] =	vst v63  }
0x2b: {  	s24 =	simm.s32 $0x180  }
0x2c: {  	[tilespmem:s21], [sflag:$0x4] =	stream.indirect.gather [hbm4b:s7+s14], $0x40, s24, s14, $0xb8;
	[tilespmem:$0x1E000] =	vst v63  }
0x2d: {  	_ =	swait.ge [sflag:s22], $0x2000  }
0x2e: {  	[sflag:s22] =	ssyncset.done $0x0  }
0x2f: {  	s23 =	simm.s32 $0x5080;
	[sflag:s22] =	ssyncadd.s32 $0xFFFFE000  }
0x30: {  	[spmem:s2] =	stream.indirect.scatter.add.f32 [tilespmem:s16], [sflag:$0x7], $0x40, s23, s14, $0xb8;
	[tilespmem:$0x1E000] =	vst v63  }
0x31: {  	s24 =	simm.s32 $0x200  }
0x32: {  	[tilespmem:s25], [sflag:$0x5] =	stream.indirect.gather [hbm4b:s7+s14], $0x40, s24, s14, $0xb8;
	[tilespmem:$0x1E000] =	vst v63  }
0x33: {  	_ =	swait.ge [sflag:s26], $0x2000  }
0x34: {  	[sflag:s26] =	ssyncset.done $0x0  }
0x35: {  	s23 =	simm.s32 $0x5100;
	[sflag:s26] =	ssyncadd.s32 $0xFFFFE000  }
0x36: {  	[spmem:s2] =	stream.indirect.scatter.add.f32 [tilespmem:s18], [sflag:$0x8], $0x40, s23, s14, $0xb8;
	[tilespmem:$0x1E000] =	vst v63  }
0x37: {  	_ =	swait.ge [sflag:s28], $0x2000  }
0x38: {  	[sflag:s28] =	ssyncset.done $0x0  }
0x39: {  	s4 =	simm.s32 $0x280;
	[sflag:s28] =	ssyncadd.s32 $0xFFFFE000  }
0x3a: {  	[tilespmem:s15], [sflag:$0x1] =	stream.indirect.gather [hbm4b:s7+s14], $0x40, s4, s14, $0xb8;
	[tilespmem:$0x1E000] =	vst v63  }
0x3b: {  	_ =	swait.ge [sflag:s29], $0x2000  }
0x3c: {  	[sflag:s29] =	ssyncset.done $0x0  }
0x3d: {  	s24 =	simm.s32 $0x5180;
	[sflag:s29] =	ssyncadd.s32 $0xFFFFE000  }
0x3e: {  	[spmem:s2] =	stream.indirect.scatter.add.f32 [tilespmem:s21], [sflag:$0x9], $0x40, s24, s14, $0xb8;
	[tilespmem:$0x1E000] =	vst v63  }
0x3f: {  	_ =	swait.ge [sflag:s30], $0x2000  }
0x40: {  	[sflag:s30] =	ssyncset.done $0x0  }
0x41: {  	s4 =	simm.s32 $0x300;
	[sflag:s30] =	ssyncadd.s32 $0xFFFFE000  }
0x42: {  	[tilespmem:s16], [sflag:$0x2] =	stream.indirect.gather [hbm4b:s7+s14], $0x40, s4, s14, $0xb8;
	[tilespmem:$0x1E000] =	vst v63  }
0x43: {  	_ =	swait.ge [sflag:s31], $0x2000  }
0x44: {  	[sflag:s31] =	ssyncset.done $0x0  }
0x45: {  	s24 =	simm.s32 $0x5200;
	[sflag:s31] =	ssyncadd.s32 $0xFFFFE000  }
0x46: {  	[spmem:s2] =	stream.indirect.scatter.add.f32 [tilespmem:s25], [sflag:$0xA], $0x40, s24, s14, $0xb8;
	[tilespmem:$0x1E000] =	vst v63  }
0x47: {  	_ =	swait.ge [sflag:s0], $0x2000  }
0x48: {  	[sflag:s0] =	ssyncset.done $0x0  }
0x49: {  	s4 =	simm.s32 $0x380;
	[sflag:s0] =	ssyncadd.s32 $0xFFFFE000  }
0x4a: {  	[tilespmem:s18], [sflag:$0x3] =	stream.indirect.gather [hbm4b:s7+s14], $0x40, s4, s14, $0xb8;
	[tilespmem:$0x1E000] =	vst v63  }
0x4b: {  	_ =	swait.ge [sflag:s19], $0x2000  }
0x4c: {  	[sflag:s19] =	ssyncset.done $0x0  }
0x4d: {  	s24 =	simm.s32 $0x5280;
	[sflag:s19] =	ssyncadd.s32 $0xFFFFE000  }
0x4e: {  	[spmem:s2] =	stream.indirect.scatter.add.f32 [tilespmem:s15], [sflag:$0x6], $0x40, s24, s14, $0xb8;
	[tilespmem:$0x1E000] =	vst v63  }
0x4f: {  	_ =	swait.ge [sflag:s1], $0x2000  }
0x50: {  	[sflag:s1] =	ssyncset.done $0x0  }
0x51: {  	s4 =	simm.s32 $0x400;
	[sflag:s1] =	ssyncadd.s32 $0xFFFFE000  }
0x52: {  	[tilespmem:s21], [sflag:$0x4] =	stream.indirect.gather [hbm4b:s7+s14], $0x40, s4, s14, $0xb8;
	[tilespmem:$0x1E000] =	vst v63  }
0x53: {  	_ =	swait.ge [sflag:s22], $0x2000  }
0x54: {  	[sflag:s22] =	ssyncset.done $0x0  }
0x55: {  	s24 =	simm.s32 $0x5300;
	[sflag:s22] =	ssyncadd.s32 $0xFFFFE000  }
0x56: {  	[spmem:s2] =	stream.indirect.scatter.add.f32 [tilespmem:s16], [sflag:$0x7], $0x40, s24, s14, $0xb8;
	[tilespmem:$0x1E000] =	vst v63  }
0x57: {  	_ =	swait.ge [sflag:s17], $0x2000  }
0x58: {  	[sflag:s17] =	ssyncset.done $0x0  }
0x59: {  	s23 =	simm.s32 $0xA00;
	s24 =	simm.s32 $0x480;
	[sflag:s17] =	ssyncadd.s32 $0xFFFFE000  }
.LBB2_2:
0x5a: {  	[tilespmem:s25], [sflag:$0x5] =	stream.indirect.gather [hbm4b:s7+s14], $0x40, s24, s14, $0xb8;
	[tilespmem:$0x1E000] =	vst v63  }
0x5b: {  	s24 =	smov.u32 s23  }
0x5c: {  	p0 =	sne.s32 s23, $0x12C00;
	s23 =	sadd.s32 $0xA00, s23;
	_ =	swait.ge [sflag:s26], $0x2000  }
0x5d: {  	s24 =	sshra.s32 s24, $0x2;
	[sflag:s26] =	ssyncset.done $0x0  }
0x5e: {  	s4 =	sadd.s32 $0x5100, s24;
	[sflag:s26] =	ssyncadd.s32 $0xFFFFE000  }
0x5f: {  	[spmem:s2] =	stream.indirect.scatter.add.f32 [tilespmem:s18], [sflag:$0x8], $0x40, s4, s14, $0xb8;
	[tilespmem:$0x1E000] =	vst v63  }
0x60: {  	_ =	swait.ge [sflag:s28], $0x2000  }
0x61: {  	[sflag:s28] =	ssyncset.done $0x0  }
0x62: {  	s4 =	sadd.s32 $0x280, s24;
	[sflag:s28] =	ssyncadd.s32 $0xFFFFE000  }
0x63: {  	[tilespmem:s15], [sflag:$0x1] =	stream.indirect.gather [hbm4b:s7+s14], $0x40, s4, s14, $0xb8;
	[tilespmem:$0x1E000] =	vst v63  }
0x64: {  	_ =	swait.ge [sflag:s29], $0x2000  }
0x65: {  	[sflag:s29] =	ssyncset.done $0x0  }
0x66: {  	s4 =	sadd.s32 $0x5180, s24;
	[sflag:s29] =	ssyncadd.s32 $0xFFFFE000  }
0x67: {  	[spmem:s2] =	stream.indirect.scatter.add.f32 [tilespmem:s21], [sflag:$0x9], $0x40, s4, s14, $0xb8;
	[tilespmem:$0x1E000] =	vst v63  }
0x68: {  	_ =	swait.ge [sflag:s30], $0x2000  }
0x69: {  	[sflag:s30] =	ssyncset.done $0x0  }
0x6a: {  	s4 =	sadd.s32 $0x300, s24;
	[sflag:s30] =	ssyncadd.s32 $0xFFFFE000  }
0x6b: {  	[tilespmem:s16], [sflag:$0x2] =	stream.indirect.gather [hbm4b:s7+s14], $0x40, s4, s14, $0xb8;
	[tilespmem:$0x1E000] =	vst v63  }
0x6c: {  	_ =	swait.ge [sflag:s31], $0x2000  }
0x6d: {  	[sflag:s31] =	ssyncset.done $0x0  }
0x6e: {  	s4 =	sadd.s32 $0x5200, s24;
	[sflag:s31] =	ssyncadd.s32 $0xFFFFE000  }
0x6f: {  	[spmem:s2] =	stream.indirect.scatter.add.f32 [tilespmem:s25], [sflag:$0xA], $0x40, s4, s14, $0xb8;
	[tilespmem:$0x1E000] =	vst v63  }
0x70: {  	_ =	swait.ge [sflag:s0], $0x2000  }
0x71: {  	[sflag:s0] =	ssyncset.done $0x0  }
0x72: {  	s4 =	sadd.s32 $0x380, s24;
	[sflag:s0] =	ssyncadd.s32 $0xFFFFE000  }
0x73: {  	[tilespmem:s18], [sflag:$0x3] =	stream.indirect.gather [hbm4b:s7+s14], $0x40, s4, s14, $0xb8;
	[tilespmem:$0x1E000] =	vst v63  }
0x74: {  	_ =	swait.ge [sflag:s19], $0x2000  }
0x75: {  	[sflag:s19] =	ssyncset.done $0x0  }
0x76: {  	s4 =	sadd.s32 $0x5280, s24;
	[sflag:s19] =	ssyncadd.s32 $0xFFFFE000  }
0x77: {  	[spmem:s2] =	stream.indirect.scatter.add.f32 [tilespmem:s15], [sflag:$0x6], $0x40, s4, s14, $0xb8;
	[tilespmem:$0x1E000] =	vst v63  }
0x78: {  	_ =	swait.ge [sflag:s1], $0x2000  }
0x79: {  	[sflag:s1] =	ssyncset.done $0x0  }
0x7a: {  	s4 =	sadd.s32 $0x400, s24;
	[sflag:s1] =	ssyncadd.s32 $0xFFFFE000  }
0x7b: {  	[tilespmem:s21], [sflag:$0x4] =	stream.indirect.gather [hbm4b:s7+s14], $0x40, s4, s14, $0xb8;
	[tilespmem:$0x1E000] =	vst v63  }
0x7c: {  	_ =	swait.ge [sflag:s22], $0x2000  }
0x7d: {  	[sflag:s22] =	ssyncset.done $0x0  }
.Ltmp0:
0x7e: {  	s4 =	sadd.s32 $0x5300, s24;
	[sflag:s22] =	ssyncadd.s32 $0xFFFFE000;
	(pc) =	sbr.rel @p0 .LBB2_2-.Ltmp0, $4  }
0x7f: {  	[spmem:s2] =	stream.indirect.scatter.add.f32 [tilespmem:s16], [sflag:$0x7], $0x40, s4, s14, $0xb8;
	[tilespmem:$0x1E000] =	vst v63  }
0x80: {  	_ =	swait.ge [sflag:s17], $0x2000  }
0x81: {  	[sflag:s17] =	ssyncset.done $0x0  }
0x82: {  	s24 =	sadd.s32 $0x480, s24;
	[sflag:s17] =	ssyncadd.s32 $0xFFFFE000  }
0x83: {  	[tilespmem:s25], [sflag:$0x5] =	stream.indirect.gather [hbm4b:s7+s14], $0x40, s24, s14, $0xb8;
	[tilespmem:$0x1E000] =	vst v63  }
0x84: {  	_ =	swait.ge [sflag:s26], $0x2000  }
0x85: {  	[sflag:s26] =	ssyncset.done $0x0  }
0x86: {  	s4 =	simm.s32 $0x9E80;
	[sflag:s26] =	ssyncadd.s32 $0xFFFFE000  }
0x87: {  	[spmem:s2] =	stream.indirect.scatter.add.f32 [tilespmem:s18], [sflag:$0x8], $0x40, s4, s14, $0xb8;
	[tilespmem:$0x1E000] =	vst v63  }
0x88: {  	_ =	swait.ge [sflag:s29], $0x2000  }
0x89: {  	[sflag:s29] =	ssyncset.done $0x0  }
0x8a: {  	s23 =	simm.s32 $0x9F00;
	[sflag:s29] =	ssyncadd.s32 $0xFFFFE000  }
0x8b: {  	[spmem:s2] =	stream.indirect.scatter.add.f32 [tilespmem:s21], [sflag:$0x9], $0x40, s23, s14, $0xb8;
	[tilespmem:$0x1E000] =	vst v63  }
0x8c: {  	_ =	swait.ge [sflag:s31], $0x2000  }
0x8d: {  	[sflag:s31] =	ssyncset.done $0x0  }
0x8e: {  	s24 =	simm.s32 $0x9F80;
	[sflag:s31] =	ssyncadd.s32 $0xFFFFE000  }
0x8f: {  	[spmem:s2] =	stream.indirect.scatter.add.f32 [tilespmem:s25], [sflag:$0xA], $0x40, s24, s14, $0xb8;
	[tilespmem:$0x1E000] =	vst v63  }
0x90: {  	_ =	swait.ge [sflag:s28], $0x2000  }
0x91: {  	[sflag:s28] =	ssyncset.done $0x0  }
0x92: {  	[sflag:s28] =	ssyncadd.s32 $0xFFFFE000  }
0x93: {  	_ =	swait.ge [sflag:s30], $0x2000  }
0x94: {  	[sflag:s30] =	ssyncset.done $0x0  }
0x95: {  	[sflag:s30] =	ssyncadd.s32 $0xFFFFE000  }
0x96: {  	_ =	swait.ge [sflag:s0], $0x2000  }
0x97: {  	[sflag:s0] =	ssyncset.done $0x0  }
0x98: {  	[sflag:s0] =	ssyncadd.s32 $0xFFFFE000  }
0x99: {  	_ =	swait.ge [sflag:s1], $0x2000  }
0x9a: {  	[sflag:s1] =	ssyncset.done $0x0  }
0x9b: {  	[sflag:s1] =	ssyncadd.s32 $0xFFFFE000  }
0x9c: {  	_ =	swait.ge [sflag:s17], $0x2000  }
0x9d: {  	s20 =	sadd.s32 $0x1, s20;
	[sflag:s17] =	ssyncset.done $0x0  }
0x9e: {  	p0 =	sne.s32 s20, s9;
	[sflag:s17] =	ssyncadd.s32 $0xFFFFE000  }
.Ltmp1:
0x9f: {  	[bflag:$0x0] =	sbarrier.arrive $0xFFFF;
	(pc) =	sbr.rel @p0 .LBB2_1-.Ltmp1, $4  }
0xa0: {  	[hbm:s8], [sflag:s12] =	dma.local [spmem:s13], $0x1400  }
0xa1: {  	_ =	swait.ge [sflag:s10], $0x1400  }
0xa2: {  	[sflag:s10] =	ssyncset.done $0x0  }
0xa3: {  	[sflag:s10] =	ssyncadd.s32 $0xFFFFEC00  }
0xa4: {  	_ =	sfence.sel $0x180000  }
0xa5: {  	[bflag:$0x0] =	sbarrier.arrive $0xFFFF  }
0xa6: {  	_ =	strace $0x9000004A  }
0xa7: {  	s0 =	stileid.u32;
	[bflag:$0x2] =	sbarrier.arrive $0xFFFF  }
0xa8: {  	p0 =	sne.s32 s0, $0x0;
	s0 =	rddreg [dreg:$0x3]  }
0xa9: {  	s0 =	sadd.s32 @!p0 $0x100000, s0  }
0xaa: {  	[sflag:s0] =	ssyncadd.tile.s32 @!p0 $0x1;
	_ =	shalt  }
.Lfunc_end2:
_tile_overlayer_lowered:
.L_overlay_start_2:
0xab: {  	(tag) =	ssettag $0x2  }
0xac: {  	s0 =	rddreg [dreg:$0x0];
	s2 =	stileid.u32  }
0xad: {  	s1 =	rddreg [dreg:$0x1];
	p0 =	sne.s32 s2, $0x0  }
0xae: {  	s3 =	rddreg [dreg:$0x2];
	[bflag:$0x3] =	sbarrier.arrive $0xFFFF;
	s2 =	simm.s32 @!p0 $0x1C0B  }
0xaf: {  	[timem:s3], [sflag:s2] =	dma.local @!p0 [hbm:s0], s1  }
0xb0: {  	s0 =	simm.s32 @!p0 $0xB  }
0xb1: {  	_ =	swait.ge @!p0 [sflag:s0], s1  }
0xb2: {  	s1 =	ssub.s32 @!p0 $0x0, s1;
	[sflag:s0] =	ssyncset.done @!p0 $0x0  }
0xb3: {  	[sflag:s0] =	ssyncadd.s32 @!p0 s1  }
0xb4: {  	[bflag:$0x3] =	sbarrier.arrive $0xFFFF  }
0xb5: {  	_ =	shalt  }

</sc_bundles>
